<compile_context>
chip_gen: v7x
topology: tpu7x:2x2x1
jax: 0.10.2.dev20260603
libtpu: 0.0.44.dev20260713+nightly
codegen_flags: <defaults>
</compile_context>

<pallas_src>
import jax
import jax.numpy as jnp
import numpy as np
from jax import lax
from jax.experimental import pallas as pl
from jax.experimental.pallas import tpu as pltpu
from jax.experimental.pallas import tpu_sc as plsc

_ROIS_PER_IMAGE = 128
_FG_PER_IMAGE = 32
_BG_PER_IMAGE = _ROIS_PER_IMAGE - _FG_PER_IMAGE
_FG_THRESH = 0.5
_BG_THRESH_HI = 0.5
_BG_THRESH_LO = 0.0
_B = 8
_N_ROIS = 12000
_G = 100
_N_ALL = _N_ROIS + _G
_N_PAD = 12288
_PERM_PAD = 12112
_NCHUNK = _PERM_PAD // 16



def _rotl32(x, d):
    return ((x << np.uint32(d)) | (x >> np.uint32(32 - d))).astype(np.uint32)


def _threefry2x32_np(k1, k2, x1, x2):
    ks = [np.uint32(k1), np.uint32(k2),
          np.uint32(k1) ^ np.uint32(k2) ^ np.uint32(0x1BD11BDA)]
    rotations = [(13, 15, 26, 6), (17, 29, 16, 24)]
    x1 = (x1 + ks[0]).astype(np.uint32)
    x2 = (x2 + ks[1]).astype(np.uint32)
    for i in range(5):
        for r in rotations[i % 2]:
            x1 = (x1 + x2).astype(np.uint32)
            x2 = _rotl32(x2, r)
            x2 = (x2 ^ x1).astype(np.uint32)
        x1 = (x1 + ks[(i + 1) % 3]).astype(np.uint32)
        x2 = (x2 + ks[(i + 2) % 3] + np.uint32(i + 1)).astype(np.uint32)
    return x1, x2


def _uniform_np(seed, shape):
    n = int(np.prod(shape))
    o1, o2 = _threefry2x32_np(np.uint32(0), np.uint32(seed),
                              np.zeros(n, np.uint32),
                              np.arange(n, dtype=np.uint32))
    bits = o1 ^ o2
    fl = ((bits >> np.uint32(9)) | np.uint32(0x3F800000)).view(np.float32) - 1.0
    return np.maximum(0.0, fl).reshape(shape).astype(np.float32)


_NOISE = _uniform_np(42, (_B, _N_ALL))
_PERM_NP = np.argsort(-_NOISE, axis=1, kind="stable").astype(np.int32)
_PERM_NP = np.pad(_PERM_NP, ((0, 0), (0, _PERM_PAD - _N_ALL)),
                  constant_values=_N_ALL)



_GU = 10


def _iou_argmax_body(bx1_ref, by1_ref, bx2_ref, by2_ref,
                     gx1_ref, gy1_ref, gx2_ref, gy2_ref,
                     pk_ref, bidx_ref, best_ref, ab_ref):
    i = pl.program_id(0)
    bx1 = bx1_ref[...]
    by1 = by1_ref[...]
    bx2 = bx2_ref[...]
    by2 = by2_ref[...]

    @pl.when(i == 0)
    def _():
        ab_ref[...] = (bx2 - bx1 + 1.0) * (by2 - by1 + 1.0)

    ab = ab_ref[...]

    def one(k):
        gx1 = gx1_ref[k]
        gy1 = gy1_ref[k]
        gx2 = gx2_ref[k]
        gy2 = gy2_ref[k]
        iw = jnp.maximum(
            jnp.minimum(bx2, gx2) - jnp.maximum(bx1, gx1) + 1.0, 0.0)
        ih = jnp.maximum(
            jnp.minimum(by2, gy2) - jnp.maximum(by1, gy1) + 1.0, 0.0)
        inter = iw * ih
        ag = (gx2 - gx1 + 1.0) * (gy2 - gy1 + 1.0)
        iou = inter / (ab + ag - inter)
        return iou, i * _GU + k

    def merge(a, b):
        av, ag_ = a
        bv, bg_ = b
        u = bv > av
        return jnp.where(u, bv, av), jnp.where(u, bg_, ag_)

    cands = [one(k) for k in range(_GU)]
    while len(cands) > 1:
        nxt = [merge(cands[j], cands[j + 1]) for j in range(0, len(cands) - 1, 2)]
        if len(cands) % 2:
            nxt.append(cands[-1])
        cands = nxt
    cv, cg = cands[0]

    @pl.when(i == 0)
    def _():
        best_ref[...] = cv
        bidx_ref[...] = cg

    @pl.when(i > 0)
    def _():
        best = best_ref[...]
        upd = cv > best
        best_ref[...] = jnp.where(upd, cv, best)
        bidx_ref[...] = jnp.where(upd, cg, bidx_ref[...])

    @pl.when(i == _G // _GU - 1)
    def _():
        best = best_ref[...]
        valid = lax.broadcasted_iota(jnp.int32, (_B, _N_PAD), 1) < _N_ALL
        fgm = ((best > _FG_THRESH) & valid).astype(jnp.int32)
        bgm = ((best < _BG_THRESH_HI) & (best >= _BG_THRESH_LO)
               & valid).astype(jnp.int32)
        pk_ref[...] = bidx_ref[...] | (fgm << 8) | (bgm << 9)


def _iou_argmax(cc, gt_boxes, interpret=False):
    gt_t = jnp.transpose(gt_boxes[:, :, 0:4], (1, 0, 2))[:, :, :, None]
    full = pl.BlockSpec((_B, _N_PAD), lambda i: (0, 0))
    def plane(c):
        return pl.BlockSpec((_B, _N_PAD), lambda i, c=c: (0, c))
    gcol = pl.BlockSpec((_GU, _B, 1), lambda i: (i, 0, 0))
    return pl.pallas_call(
        _iou_argmax_body,
        grid=(_G // _GU,),
        in_specs=[plane(0), plane(1), plane(2), plane(3),
                  gcol, gcol, gcol, gcol],
        out_specs=[full],
        out_shape=[
            jax.ShapeDtypeStruct((_B, _N_PAD), jnp.int32),
        ],
        scratch_shapes=[pltpu.VMEM((_B, _N_PAD), jnp.int32),
                        pltpu.VMEM((_B, _N_PAD), jnp.float32),
                        pltpu.VMEM((_B, _N_PAD), jnp.float32)],
        interpret=interpret,
    )(cc, cc, cc, cc, gt_t[:, :, 0], gt_t[:, :, 1], gt_t[:, :, 2],
      gt_t[:, :, 3])



_LN2 = 0.6931471805599453
_SQRT2 = 1.4142135623730951


def _ln16(x):
    bits = plsc.bitcast(x, jnp.int32)
    e = ((bits >> 23) & 0xFF) - 127
    m = plsc.bitcast((bits & 0x007FFFFF) | 0x3F800000, jnp.float32)
    adj = m >= _SQRT2
    e = jnp.where(adj, e + 1, e)
    m = jnp.where(adj, m * 0.5, m)
    z = (m - 1.0) / (m + 1.0)
    z2 = z * z
    p = 1.0 + z2 * (1.0 / 3.0 + z2 * (1.0 / 5.0 + z2 * (1.0 / 7.0
                                                        + z2 * (1.0 / 9.0))))
    return e.astype(jnp.float32) * _LN2 + 2.0 * z * p


def _sc_select_body(pk_hbm, perm_hbm, cc_hbm, gt_hbm, out_hbm,
                    pk_v, perm_v, cc_v, gt_v, keep_v,
                    s1, s2, s3, s4, slab, stx, sty, stw, sth, sw,
                    sem_a, sem_b, sem_o):
    cidx = lax.axis_index("c")
    sidx = lax.axis_index("s")

    def scan(K, bit):
        def cond(st):
            c, cnt = st
            return (c < _NCHUNK) & (cnt < K)

        def body(st):
            c, cnt = st
            pvec = perm_v[pl.ds(c * 16, 16)]
            mvec = (plsc.load_gather(pk_v, [pvec]) >> bit) & 1
            cs = plsc.cumsum(mvec)
            slot = cnt + cs - 1
            sel = (mvec > 0) & (slot < K)
            plsc.store_scatter(keep_v, [jnp.minimum(slot, K - 1)], pvec,
                               mask=sel)
            return c + 1, cnt + jnp.sum(mvec)

        cnt = lax.while_loop(cond, body, (jnp.int32(0), jnp.int32(0)))[1]

        def fcond(st):
            d, k = st
            return (d < _NCHUNK) & (k < K)

        def fbody(st):
            d, k = st
            base = d * 16 + jnp.arange(16, dtype=jnp.int32)
            mvec = (pk_v[pl.ds(d * 16, 16)] >> bit) & 1
            want = (mvec == 0) & (base < _N_ALL)
            w32 = want.astype(jnp.int32)
            cs = plsc.cumsum(w32)
            slot = k + cs - 1
            sel = want & (slot < K)
            plsc.store_scatter(keep_v, [jnp.minimum(slot, K - 1)], base,
                               mask=sel)
            return d + 1, k + jnp.sum(w32)

        lax.while_loop(fcond, fbody, (jnp.int32(0), cnt))

    def out_dma(b, off, K):
        outs = [s1, s2, s3, s4, slab, stx, sty, stw, sth, sw]
        descs = [pltpu.async_copy(src.at[pl.ds(0, K)],
                                  out_hbm.at[pidx * _B + b, pl.ds(off, K)],
                                  sem_o)
                 for pidx, src in enumerate(outs)]
        for d in descs:
            d.wait()

    @pl.when((sidx < _B) & (cidx == 0))
    def _():
        b = sidx
        K = _FG_PER_IMAGE
        d_scan = [pltpu.async_copy(pk_hbm.at[b], pk_v, sem_a),
                  pltpu.async_copy(perm_hbm.at[b], perm_v, sem_a)]
        d_rest = [pltpu.async_copy(cc_hbm.at[b], cc_v, sem_b),
                  pltpu.async_copy(gt_hbm.at[b], gt_v, sem_b)]
        for d in d_scan:
            d.wait()
        scan(K, 8)
        for d in d_rest:
            d.wait()
        for j in range(K // 16):
            sl = pl.ds(j * 16, 16)
            kv = keep_v[sl]
            pkk = plsc.load_gather(pk_v, [kv])
            a = pkk & 0x7F
            fgs = (pkk >> 8) & 1
            ex1 = plsc.load_gather(cc_v, [kv])
            ey1 = plsc.load_gather(cc_v, [kv + _N_PAD])
            ex2 = plsc.load_gather(cc_v, [kv + 2 * _N_PAD])
            ey2 = plsc.load_gather(cc_v, [kv + 3 * _N_PAD])
            g1 = plsc.load_gather(gt_v, [a])
            g2 = plsc.load_gather(gt_v, [a + 128])
            g3 = plsc.load_gather(gt_v, [a + 256])
            g4 = plsc.load_gather(gt_v, [a + 384])
            lbl = jnp.where(fgs > 0, plsc.load_gather(gt_v, [a + 512]), 0.0)
            s1[sl] = ex1
            s2[sl] = ey1
            s3[sl] = ex2
            s4[sl] = ey2
            slab[sl] = lbl
            pos = lbl > 0.0
            zero = jnp.zeros((16,), jnp.float32)
            ew = ex2 - ex1 + 1.0
            eh = ey2 - ey1 + 1.0
            ecx = ex1 + 0.5 * ew
            ecy = ey1 + 0.5 * eh
            gw = g3 - g1 + 1.0
            gh = g4 - g2 + 1.0
            gcx = g1 + 0.5 * gw
            gcy = g2 + 0.5 * gh
            stx[sl] = jnp.where(pos, (gcx - ecx) / ew, zero)
            sty[sl] = jnp.where(pos, (gcy - ecy) / eh, zero)
            stw[sl] = jnp.where(pos, _ln16(gw / ew), zero)
            sth[sl] = jnp.where(pos, _ln16(gh / eh), zero)
            sw[sl] = jnp.where(pos, 1.0, 0.0)
        out_dma(b, 0, K)

    @pl.when((sidx < _B) & (cidx == 1))
    def _():
        b = sidx
        K = _BG_PER_IMAGE
        d_scan = [pltpu.async_copy(pk_hbm.at[b], pk_v, sem_a),
                  pltpu.async_copy(perm_hbm.at[b], perm_v, sem_a)]
        d_rest = [pltpu.async_copy(cc_hbm.at[b], cc_v, sem_b)]
        for d in d_scan:
            d.wait()
        scan(K, 9)
        for d in d_rest:
            d.wait()
        zero = jnp.zeros((16,), jnp.float32)
        for j in range(K // 16):
            sl = pl.ds(j * 16, 16)
            kv = keep_v[sl]
            s1[sl] = plsc.load_gather(cc_v, [kv])
            s2[sl] = plsc.load_gather(cc_v, [kv + _N_PAD])
            s3[sl] = plsc.load_gather(cc_v, [kv + 2 * _N_PAD])
            s4[sl] = plsc.load_gather(cc_v, [kv + 3 * _N_PAD])
            slab[sl] = zero
            stx[sl] = zero
            sty[sl] = zero
            stw[sl] = zero
            sth[sl] = zero
            sw[sl] = zero
        out_dma(b, _FG_PER_IMAGE, K)


def _sc_select(pk, perm, cc, gt_all):
    kern = pl.kernel(
        _sc_select_body,
        out_type=[jax.ShapeDtypeStruct((10 * _B, _ROIS_PER_IMAGE),
                                       jnp.float32)],
        mesh=plsc.VectorSubcoreMesh(core_axis_name="c", subcore_axis_name="s"),
        compiler_params=pltpu.CompilerParams(needs_layout_passes=False),
        scratch_types=[
            pltpu.VMEM((_N_PAD,), jnp.int32),
            pltpu.VMEM((_PERM_PAD,), jnp.int32),
            pltpu.VMEM((4 * _N_PAD,), jnp.float32),
            pltpu.VMEM((640,), jnp.float32),
            pltpu.VMEM((_BG_PER_IMAGE,), jnp.int32),
            pltpu.VMEM((_BG_PER_IMAGE,), jnp.float32),
            pltpu.VMEM((_BG_PER_IMAGE,), jnp.float32),
            pltpu.VMEM((_BG_PER_IMAGE,), jnp.float32),
            pltpu.VMEM((_BG_PER_IMAGE,), jnp.float32),
            pltpu.VMEM((_BG_PER_IMAGE,), jnp.float32),
            pltpu.VMEM((_BG_PER_IMAGE,), jnp.float32),
            pltpu.VMEM((_BG_PER_IMAGE,), jnp.float32),
            pltpu.VMEM((_BG_PER_IMAGE,), jnp.float32),
            pltpu.VMEM((_BG_PER_IMAGE,), jnp.float32),
            pltpu.VMEM((_BG_PER_IMAGE,), jnp.float32),
            pltpu.SemaphoreType.DMA,
            pltpu.SemaphoreType.DMA,
            pltpu.SemaphoreType.DMA,
        ],
    )
    (o,) = kern(pk, perm, cc, gt_all)
    return o




def _forward(rois_in, gt_boxes, interpret=False):
    pad_n = _N_PAD - _N_ALL
    bx1 = jnp.concatenate(
        [rois_in[:, :, 1], gt_boxes[:, :, 0],
         jnp.zeros((_B, pad_n), jnp.float32)], axis=1)
    by1 = jnp.concatenate(
        [rois_in[:, :, 2], gt_boxes[:, :, 1],
         jnp.zeros((_B, pad_n), jnp.float32)], axis=1)
    bx2 = jnp.concatenate(
        [rois_in[:, :, 3], gt_boxes[:, :, 2],
         jnp.zeros((_B, pad_n), jnp.float32)], axis=1)
    by2 = jnp.concatenate(
        [rois_in[:, :, 4], gt_boxes[:, :, 3],
         jnp.zeros((_B, pad_n), jnp.float32)], axis=1)

    cc = jnp.concatenate([bx1, by1, bx2, by2], axis=1)
    pk = _iou_argmax(cc, gt_boxes, interpret=interpret)[0]

    pad_g = jnp.zeros((_B, 128 - _G), jnp.float32)
    gt_all = jnp.concatenate(
        [gt_boxes[:, :, 0], pad_g, gt_boxes[:, :, 1], pad_g,
         gt_boxes[:, :, 2], pad_g, gt_boxes[:, :, 3], pad_g,
         gt_boxes[:, :, 4], pad_g], axis=1)
    perm = jnp.asarray(_PERM_NP)

    o = _sc_select(pk, perm, cc, gt_all).reshape(10, _B, _ROIS_PER_IMAGE)
    ex1, ey1, ex2, ey2, lab, tx, ty, tw, th, w = [o[p] for p in range(10)]

    batch_col = jnp.broadcast_to(
        jnp.arange(_B, dtype=jnp.float32)[:, None], (_B, _ROIS_PER_IMAGE))
    rois_batch = jnp.stack([batch_col, ex1, ey1, ex2, ey2], axis=-1)
    bbox_targets = jnp.stack([tx, ty, tw, th], axis=-1)
    bbox_inside_weights = jnp.stack([w, w, w, w], axis=-1)
    bbox_outside_weights = jnp.stack([w, w, w, w], axis=-1)
    return (rois_batch, lab, bbox_targets, bbox_inside_weights,
            bbox_outside_weights)


def kernel(rois_in, gt_boxes):
    return _forward(rois_in, gt_boxes, interpret=False)

# --- scband reference (transcript-rebuilt; emitter-appended) ---
"""Pipeline reference for scband-proposal-target-layer-34522947125811 (READ-ONLY COPY).

The authoritative reference and input builder live on the scoring server;
editing this copy changes nothing except your own understanding.
"""

import jax, jax.numpy as jnp
import numpy as np

ROIS_PER_IMAGE = 128
FG_PER_IMAGE = 32
FG_THRESH = 0.5
BG_THRESH_HI = 0.5
BG_THRESH_LO = 0.0
NUM_CLASSES = 21


def _iou_batch(boxes, gt):
    bx1 = boxes[:, :, None, 0]; by1 = boxes[:, :, None, 1]
    bx2 = boxes[:, :, None, 2]; by2 = boxes[:, :, None, 3]
    gx1 = gt[:, None, :, 0]; gy1 = gt[:, None, :, 1]
    gx2 = gt[:, None, :, 2]; gy2 = gt[:, None, :, 3]
    iw = jnp.clip(jnp.minimum(bx2, gx2) - jnp.maximum(bx1, gx1) + 1.0, 0.0)
    ih = jnp.clip(jnp.minimum(by2, gy2) - jnp.maximum(by1, gy1) + 1.0, 0.0)
    inter = iw * ih
    ab = (bx2 - bx1 + 1.0) * (by2 - by1 + 1.0)
    ag = (gx2 - gx1 + 1.0) * (gy2 - gy1 + 1.0)
    return inter / (ab + ag - inter)


def _bbox_transform(ex, gt):
    ew = ex[..., 2] - ex[..., 0] + 1.0
    eh = ex[..., 3] - ex[..., 1] + 1.0
    ecx = ex[..., 0] + 0.5 * ew
    ecy = ex[..., 1] + 0.5 * eh
    gw = gt[..., 2] - gt[..., 0] + 1.0
    gh = gt[..., 3] - gt[..., 1] + 1.0
    gcx = gt[..., 0] + 0.5 * gw
    gcy = gt[..., 1] + 0.5 * gh
    tx = (gcx - ecx) / ew
    ty = (gcy - ecy) / eh
    tw = jnp.log(gw / ew)
    th = jnp.log(gh / eh)
    return jnp.stack([tx, ty, tw, th], axis=-1)


def _make_boxes(key, B, N, img):
    k1, k2, k3, k4 = jax.random.split(key, 4)
    x1 = jax.random.uniform(k1, (B, N)) * (img - 80.0)
    y1 = jax.random.uniform(k2, (B, N)) * (img - 80.0)
    w = jax.random.uniform(k3, (B, N)) * 240.0 + 16.0
    h = jax.random.uniform(k4, (B, N)) * 240.0 + 16.0
    x2 = jnp.minimum(x1 + w, img - 1.0)
    y2 = jnp.minimum(y1 + h, img - 1.0)
    return jnp.stack([x1, y1, x2, y2], axis=-1)


def setup_inputs(seed: int = 0):
    key = jax.random.key(seed)
    B, N, G = 8, 12000, 100
    img = 1024.0
    kg, kc, kr, kj, ki = jax.random.split(key, 5)
    gt_coords = _make_boxes(kg, B, G, img)
    gt_cls = jax.random.randint(kc, (B, G), 1, NUM_CLASSES).astype(jnp.float32)
    gt_boxes = jnp.concatenate([gt_coords, gt_cls[:, :, None]], axis=2)
    rand_boxes = _make_boxes(kr, B, N, img)
    gidx = jax.random.randint(ki, (B, N), 0, G)
    base = jnp.take_along_axis(gt_coords, jnp.broadcast_to(gidx[:, :, None], (B, N, 4)), axis=1)
    jit = jax.random.uniform(kj, (B, N, 4)) * 48.0 - 24.0
    jittered = base + jit
    half = N // 2
    coords = jnp.concatenate([jittered[:, :half], rand_boxes[:, half:]], axis=1)
    x1 = jnp.clip(jnp.minimum(coords[..., 0], coords[..., 2]), 0.0, img - 2.0)
    y1 = jnp.clip(jnp.minimum(coords[..., 1], coords[..., 3]), 0.0, img - 2.0)
    x2 = jnp.clip(jnp.maximum(coords[..., 0], coords[..., 2]), 0.0, img - 1.0)
    y2 = jnp.clip(jnp.maximum(coords[..., 1], coords[..., 3]), 0.0, img - 1.0)
    x2 = jnp.maximum(x2, x1 + 1.0)
    y2 = jnp.maximum(y2, y1 + 1.0)
    batch_col = jnp.broadcast_to(jnp.arange(B, dtype=jnp.float32)[:, None], (B, N))
    rois_in = jnp.stack([batch_col, x1, y1, x2, y2], axis=-1)
    return {"rois_in": rois_in, "gt_boxes": gt_boxes}


def reference(rois_in, gt_boxes):
    B = gt_boxes.shape[0]
    gt_rois = jnp.concatenate([gt_boxes[:, :, 4:5], gt_boxes[:, :, 0:4]], axis=2)
    all_rois = jnp.concatenate([rois_in, gt_rois], axis=1)
    overlaps = _iou_batch(all_rois[:, :, 1:5], gt_boxes[:, :, 0:4])
    max_iou = jnp.max(overlaps, axis=2)
    gt_assign = jnp.argmax(overlaps, axis=2)
    labels = jnp.take_along_axis(gt_boxes[:, :, 4], gt_assign, axis=1)
    fg_mask = max_iou > FG_THRESH
    bg_mask = (max_iou < BG_THRESH_HI) & (max_iou >= BG_THRESH_LO)
    noise = jax.random.uniform(jax.random.key(42), max_iou.shape)
    fg_pri = jnp.where(fg_mask, noise, -1.0)
    bg_pri = jnp.where(bg_mask, noise, -1.0)
    _, fg_idx = jax.lax.top_k(fg_pri, FG_PER_IMAGE)
    _, bg_idx = jax.lax.top_k(bg_pri, ROIS_PER_IMAGE - FG_PER_IMAGE)
    keep = jnp.concatenate([fg_idx, bg_idx], axis=1)
    label_batch = jnp.take_along_axis(labels, keep, axis=1)
    sel_fg = jnp.take_along_axis(fg_mask, keep, axis=1)
    slot_is_fg = jnp.arange(ROIS_PER_IMAGE)[None, :] < FG_PER_IMAGE
    label_batch = jnp.where(slot_is_fg & sel_fg, label_batch, 0.0)
    keep5 = jnp.broadcast_to(keep[:, :, None], (B, ROIS_PER_IMAGE, 5))
    rois_batch = jnp.take_along_axis(all_rois, keep5, axis=1)
    rois_batch = rois_batch.at[:, :, 0].set(jnp.broadcast_to(jnp.arange(B, dtype=rois_batch.dtype)[:, None], (B, ROIS_PER_IMAGE)))
    gt_sel = jnp.take_along_axis(gt_assign, keep, axis=1)
    gt_keep5 = jnp.broadcast_to(gt_sel[:, :, None], (B, ROIS_PER_IMAGE, 5))
    gt_rois_batch = jnp.take_along_axis(gt_boxes, gt_keep5, axis=1)
    targets = _bbox_transform(rois_batch[:, :, 1:5], gt_rois_batch[:, :, 0:4])
    pos = (label_batch > 0.0)[:, :, None]
    bbox_targets = jnp.where(pos, targets, 0.0)
    bbox_inside_weights = jnp.where(pos, 1.0, 0.0) * jnp.ones((1, 1, 4), dtype=jnp.float32)
    bbox_outside_weights = (bbox_inside_weights > 0.0).astype(jnp.float32)
    return (rois_batch, label_batch, bbox_targets, bbox_inside_weights, bbox_outside_weights)

if __name__ == "__main__":
    import jax
    _d = setup_inputs()
    print(jax.jit(kernel)(*tuple(_d.values())))

</pallas_src>

<mosaic_0001>
#map = affine_map<(d0, d1) -> (0, 0)>
module attributes {stable_mosaic.version = 14 : i64} {
  func.func @_sc_select_body(%arg0: i32, %arg1: i32, %arg2: memref<8x12288xi32, #tpu.memory_space<hbm>>, %arg3: memref<8x12112xi32, #tpu.memory_space<hbm>>, %arg4: memref<8x49152xf32, #tpu.memory_space<hbm>>, %arg5: memref<8x640xf32, #tpu.memory_space<hbm>>, %arg6: memref<80x128xf32, #tpu.memory_space<hbm>>, %arg7: memref<12288xi32, #tpu.memory_space<vmem>>, %arg8: memref<12112xi32, #tpu.memory_space<vmem>>, %arg9: memref<49152xf32, #tpu.memory_space<vmem>>, %arg10: memref<640xf32, #tpu.memory_space<vmem>>, %arg11: memref<96xi32, #tpu.memory_space<vmem>>, %arg12: memref<96xf32, #tpu.memory_space<vmem>>, %arg13: memref<96xf32, #tpu.memory_space<vmem>>, %arg14: memref<96xf32, #tpu.memory_space<vmem>>, %arg15: memref<96xf32, #tpu.memory_space<vmem>>, %arg16: memref<96xf32, #tpu.memory_space<vmem>>, %arg17: memref<96xf32, #tpu.memory_space<vmem>>, %arg18: memref<96xf32, #tpu.memory_space<vmem>>, %arg19: memref<96xf32, #tpu.memory_space<vmem>>, %arg20: memref<96xf32, #tpu.memory_space<vmem>>, %arg21: memref<96xf32, #tpu.memory_space<vmem>>, %arg22: memref<!tpu.dma_semaphore, #tpu.memory_space<semaphore_mem>>, %arg23: memref<!tpu.dma_semaphore, #tpu.memory_space<semaphore_mem>>, %arg24: memref<!tpu.dma_semaphore, #tpu.memory_space<semaphore_mem>>) attributes {dimension_semantics = [#tpu.dimension_semantics<core_parallel>, #tpu.dimension_semantics<subcore_parallel>], iteration_bounds = array<i64: 2, 16>, scalar_prefetch = 0 : i64, scratch_operands = 18 : i64, tpu.core_type = #tpu.core_type<sc_vector_subcore>, window_params = [{transform_indices = #map}, {transform_indices = #map}, {transform_indices = #map}, {transform_indices = #map}, {transform_indices = #map}]} {
    %lt3A = arith.constant 8 : i32
    %lt3A_0 = arith.cmpi slt, %arg1, %lt3A : i32
    %eq3A = arith.constant 0 : i32
    %eq3A_1 = arith.cmpi eq, %arg0, %eq3A : i32
    %and3A = arith.andi %lt3A_0, %eq3A_1 : i1
    %convert_element_type3A = arith.extui %and3A : i1 to i32
    %cond3A = arith.constant 0 : i32
    %cond3A_2 = arith.cmpi ne, %convert_element_type3A, %cond3A : i32
    scf.if %cond3A_2 {
      %dma_start3A = arith.constant 0 : i32
      %dma_start3A_11 = tpu.memref_slice %arg2[%arg1, %dma_start3A] : memref<8x12288xi32, #tpu.memory_space<hbm>> -> memref<1x12288xi32, #tpu.memory_space<hbm>>
      %dma_start3A_12 = tpu.memref_squeeze %dma_start3A_11 : memref<1x12288xi32, #tpu.memory_space<hbm>> -> memref<12288xi32, #tpu.memory_space<hbm>>
      %dma_start3A_13 = arith.constant 0 : i32
      %dma_start3A_14 = tpu.memref_slice %arg2[%arg1, %dma_start3A_13] : memref<8x12288xi32, #tpu.memory_space<hbm>> -> memref<1x12288xi32, #tpu.memory_space<hbm>>
      %dma_start3A_15 = tpu.memref_squeeze %dma_start3A_14 : memref<1x12288xi32, #tpu.memory_space<hbm>> -> memref<12288xi32, #tpu.memory_space<hbm>>
      tpu.enqueue_dma source(%dma_start3A_15 : memref<12288xi32, #tpu.memory_space<hbm>>) target(%arg7 : memref<12288xi32, #tpu.memory_space<vmem>>) target_semaphore(%arg22 : memref<!tpu.dma_semaphore, #tpu.memory_space<semaphore_mem>>)
      %dma_start3A_16 = arith.constant 0 : i32
      %dma_start3A_17 = tpu.memref_slice %arg3[%arg1, %dma_start3A_16] : memref<8x12112xi32, #tpu.memory_space<hbm>> -> memref<1x12112xi32, #tpu.memory_space<hbm>>
      %dma_start3A_18 = tpu.memref_squeeze %dma_start3A_17 : memref<1x12112xi32, #tpu.memory_space<hbm>> -> memref<12112xi32, #tpu.memory_space<hbm>>
      %dma_start3A_19 = arith.constant 0 : i32
      %dma_start3A_20 = tpu.memref_slice %arg3[%arg1, %dma_start3A_19] : memref<8x12112xi32, #tpu.memory_space<hbm>> -> memref<1x12112xi32, #tpu.memory_space<hbm>>
      %dma_start3A_21 = tpu.memref_squeeze %dma_start3A_20 : memref<1x12112xi32, #tpu.memory_space<hbm>> -> memref<12112xi32, #tpu.memory_space<hbm>>
      tpu.enqueue_dma source(%dma_start3A_21 : memref<12112xi32, #tpu.memory_space<hbm>>) target(%arg8 : memref<12112xi32, #tpu.memory_space<vmem>>) target_semaphore(%arg22 : memref<!tpu.dma_semaphore, #tpu.memory_space<semaphore_mem>>)
      %dma_start3A_22 = arith.constant 0 : i32
      %dma_start3A_23 = tpu.memref_slice %arg4[%arg1, %dma_start3A_22] : memref<8x49152xf32, #tpu.memory_space<hbm>> -> memref<1x49152xf32, #tpu.memory_space<hbm>>
      %dma_start3A_24 = tpu.memref_squeeze %dma_start3A_23 : memref<1x49152xf32, #tpu.memory_space<hbm>> -> memref<49152xf32, #tpu.memory_space<hbm>>
      %dma_start3A_25 = arith.constant 0 : i32
      %dma_start3A_26 = tpu.memref_slice %arg4[%arg1, %dma_start3A_25] : memref<8x49152xf32, #tpu.memory_space<hbm>> -> memref<1x49152xf32, #tpu.memory_space<hbm>>
      %dma_start3A_27 = tpu.memref_squeeze %dma_start3A_26 : memref<1x49152xf32, #tpu.memory_space<hbm>> -> memref<49152xf32, #tpu.memory_space<hbm>>
      tpu.enqueue_dma source(%dma_start3A_27 : memref<49152xf32, #tpu.memory_space<hbm>>) target(%arg9 : memref<49152xf32, #tpu.memory_space<vmem>>) target_semaphore(%arg23 : memref<!tpu.dma_semaphore, #tpu.memory_space<semaphore_mem>>)
      %dma_start3A_28 = arith.constant 0 : i32
      %dma_start3A_29 = tpu.memref_slice %arg5[%arg1, %dma_start3A_28] : memref<8x640xf32, #tpu.memory_space<hbm>> -> memref<1x640xf32, #tpu.memory_space<hbm>>
      %dma_start3A_30 = tpu.memref_squeeze %dma_start3A_29 : memref<1x640xf32, #tpu.memory_space<hbm>> -> memref<640xf32, #tpu.memory_space<hbm>>
      %dma_start3A_31 = arith.constant 0 : i32
      %dma_start3A_32 = tpu.memref_slice %arg5[%arg1, %dma_start3A_31] : memref<8x640xf32, #tpu.memory_space<hbm>> -> memref<1x640xf32, #tpu.memory_space<hbm>>
      %dma_start3A_33 = tpu.memref_squeeze %dma_start3A_32 : memref<1x640xf32, #tpu.memory_space<hbm>> -> memref<640xf32, #tpu.memory_space<hbm>>
      tpu.enqueue_dma source(%dma_start3A_33 : memref<640xf32, #tpu.memory_space<hbm>>) target(%arg10 : memref<640xf32, #tpu.memory_space<vmem>>) target_semaphore(%arg23 : memref<!tpu.dma_semaphore, #tpu.memory_space<semaphore_mem>>)
      %dma_wait3A = arith.constant 0 : i32
      %dma_wait3A_34 = tpu.memref_slice %arg2[%arg1, %dma_wait3A] : memref<8x12288xi32, #tpu.memory_space<hbm>> -> memref<1x12288xi32, #tpu.memory_space<hbm>>
      %dma_wait3A_35 = tpu.memref_squeeze %dma_wait3A_34 : memref<1x12288xi32, #tpu.memory_space<hbm>> -> memref<12288xi32, #tpu.memory_space<hbm>>
      %dma_wait3A_36 = arith.constant 0 : i32
      %dma_wait3A_37 = tpu.memref_slice %arg2[%arg1, %dma_wait3A_36] : memref<8x12288xi32, #tpu.memory_space<hbm>> -> memref<1x12288xi32, #tpu.memory_space<hbm>>
      %dma_wait3A_38 = tpu.memref_squeeze %dma_wait3A_37 : memref<1x12288xi32, #tpu.memory_space<hbm>> -> memref<12288xi32, #tpu.memory_space<hbm>>
      tpu.wait_dma2 semaphore(%arg22 : memref<!tpu.dma_semaphore, #tpu.memory_space<semaphore_mem>>) src(%dma_wait3A_38 : memref<12288xi32, #tpu.memory_space<hbm>>) dst(%arg7 : memref<12288xi32, #tpu.memory_space<vmem>>)
      %dma_wait3A_39 = arith.constant 0 : i32
      %dma_wait3A_40 = tpu.memref_slice %arg3[%arg1, %dma_wait3A_39] : memref<8x12112xi32, #tpu.memory_space<hbm>> -> memref<1x12112xi32, #tpu.memory_space<hbm>>
      %dma_wait3A_41 = tpu.memref_squeeze %dma_wait3A_40 : memref<1x12112xi32, #tpu.memory_space<hbm>> -> memref<12112xi32, #tpu.memory_space<hbm>>
      %dma_wait3A_42 = arith.constant 0 : i32
      %dma_wait3A_43 = tpu.memref_slice %arg3[%arg1, %dma_wait3A_42] : memref<8x12112xi32, #tpu.memory_space<hbm>> -> memref<1x12112xi32, #tpu.memory_space<hbm>>
      %dma_wait3A_44 = tpu.memref_squeeze %dma_wait3A_43 : memref<1x12112xi32, #tpu.memory_space<hbm>> -> memref<12112xi32, #tpu.memory_space<hbm>>
      tpu.wait_dma2 semaphore(%arg22 : memref<!tpu.dma_semaphore, #tpu.memory_space<semaphore_mem>>) src(%dma_wait3A_44 : memref<12112xi32, #tpu.memory_space<hbm>>) dst(%arg8 : memref<12112xi32, #tpu.memory_space<vmem>>)
      %while3A = arith.constant 0 : i32
      %while3A_45 = arith.constant 0 : i32
      %while3A_46:2 = scf.while (%while3A_758 = %while3A, %while3A_759 = %while3A_45) : (i32, i32) -> (i32, i32) {
        %lt3A_760 = arith.constant 757 : i32
        %lt3A_761 = arith.cmpi slt, %while3A_758, %lt3A_760 : i32
        %lt3A_762 = arith.constant 32 : i32
        %lt3A_763 = arith.cmpi slt, %while3A_759, %lt3A_762 : i32
        %and3A_764 = arith.andi %lt3A_761, %lt3A_763 : i1
        scf.condition(%and3A_764) %while3A_758, %while3A_759 : i32, i32
      } do {
      ^bb0(%while3A_758: i32, %while3A_759: i32):
        %mul3A_760 = arith.constant 16 : i32
        %mul3A_761 = arith.muli %while3A_758, %mul3A_760 : i32
        %get3A_762 = arith.index_cast %mul3A_761 : i32 to index
        %get3A_763 = tpu.vector_load %arg8[%get3A_762] {strides = array<i32>} : memref<12112xi32, #tpu.memory_space<vmem>>, vector<16xi32>,
        %gather3A_764 = tpu.vector_load_idx %arg7[%get3A_763] : memref<12288xi32, #tpu.memory_space<vmem>>[vector<16xi32>], vector<16xi32>,
        %shift_right_arithmetic3A_765 = arith.constant 8 : i32
        %shift_right_arithmetic3A_766 = vector.broadcast %shift_right_arithmetic3A_765 : i32 to vector<16xi32>
        %shift_right_arithmetic3A_767 = arith.shrsi %gather3A_764, %shift_right_arithmetic3A_766 : vector<16xi32>
        %and3A_768 = arith.constant 1 : i32
        %and3A_769 = vector.broadcast %and3A_768 : i32 to vector<16xi32>
        %and3A_770 = arith.andi %shift_right_arithmetic3A_767, %and3A_769 : vector<16xi32>
        %broadcast_in_dim3A_771 = arith.constant true
        %broadcast_in_dim3A_772 = vector.broadcast %broadcast_in_dim3A_771 : i1 to vector<16xi1>
        %masked_cumsum3A = tpu.scan <sum>, %and3A_770 masked %broadcast_in_dim3A_772 : vector<16xi32>, vector<16xi1> -> vector<16xi32>
        %add3A_773 = vector.broadcast %while3A_759 : i32 to vector<16xi32>
        %add3A_774 = arith.addi %add3A_773, %masked_cumsum3A : vector<16xi32>
        %sub3A_775 = arith.constant 1 : i32
        %sub3A_776 = vector.broadcast %sub3A_775 : i32 to vector<16xi32>
        %sub3A_777 = arith.subi %add3A_774, %sub3A_776 : vector<16xi32>
        %gt3A_778 = arith.constant 0 : i32
        %gt3A_779 = vector.broadcast %gt3A_778 : i32 to vector<16xi32>
        %gt3A_780 = arith.cmpi sgt, %and3A_770, %gt3A_779 : vector<16xi32>
        %lt3A_781 = arith.constant 32 : i32
        %lt3A_782 = vector.broadcast %lt3A_781 : i32 to vector<16xi32>
        %lt3A_783 = arith.cmpi slt, %sub3A_777, %lt3A_782 : vector<16xi32>
        %and3A_784 = arith.andi %gt3A_780, %lt3A_783 : vector<16xi1>
        %min3A = arith.constant 31 : i32
        %min3A_785 = vector.broadcast %min3A : i32 to vector<16xi32>
        %min3A_786 = arith.minsi %sub3A_777, %min3A_785 : vector<16xi32>
        tpu.vector_store_idx %arg11[%min3A_786], %get3A_763 masked %and3A_784 : memref<96xi32, #tpu.memory_space<vmem>>[vector<16xi32>], vector<16xi32>, vector<16xi1>
        %add3A_787 = arith.constant 1 : i32
        %add3A_788 = arith.addi %while3A_758, %add3A_787 : i32
        %reduce_sum3A = arith.constant true
        %reduce_sum3A_789 = vector.broadcast %reduce_sum3A : i1 to vector<16xi1>
        %reduce_sum3A_790 = tpu.scan <sum>, %and3A_770 masked %reduce_sum3A_789 : vector<16xi32>, vector<16xi1> -> vector<16xi32>
        %reduce_sum3A_791 = vector.extract %reduce_sum3A_790[15] : i32 from vector<16xi32>
        %add3A_792 = arith.addi %while3A_759, %reduce_sum3A_791 : i32
        scf.yield %add3A_788, %add3A_792 : i32, i32
      }
      %while3A_47 = arith.constant 0 : i32
      %while3A_48:2 = scf.while (%while3A_758 = %while3A_47, %while3A_759 = %while3A_46#1) : (i32, i32) -> (i32, i32) {
        %lt3A_760 = arith.constant 757 : i32
        %lt3A_761 = arith.cmpi slt, %while3A_758, %lt3A_760 : i32
        %lt3A_762 = arith.constant 32 : i32
        %lt3A_763 = arith.cmpi slt, %while3A_759, %lt3A_762 : i32
        %and3A_764 = arith.andi %lt3A_761, %lt3A_763 : i1
        scf.condition(%and3A_764) %while3A_758, %while3A_759 : i32, i32
      } do {
      ^bb0(%while3A_758: i32, %while3A_759: i32):
        %mul3A_760 = arith.constant 16 : i32
        %mul3A_761 = arith.muli %while3A_758, %mul3A_760 : i32
        %iota3A = tpu.iota {dimensions = array<i32: 0>} : vector<16xi32>
        %add3A_762 = vector.broadcast %mul3A_761 : i32 to vector<16xi32>
        %add3A_763 = arith.addi %add3A_762, %iota3A : vector<16xi32>
        %mul3A_764 = arith.constant 16 : i32
        %mul3A_765 = arith.muli %while3A_758, %mul3A_764 : i32
        %get3A_766 = arith.index_cast %mul3A_765 : i32 to index
        %get3A_767 = tpu.vector_load %arg7[%get3A_766] {strides = array<i32>} : memref<12288xi32, #tpu.memory_space<vmem>>, vector<16xi32>,
        %shift_right_arithmetic3A_768 = arith.constant 8 : i32
        %shift_right_arithmetic3A_769 = vector.broadcast %shift_right_arithmetic3A_768 : i32 to vector<16xi32>
        %shift_right_arithmetic3A_770 = arith.shrsi %get3A_767, %shift_right_arithmetic3A_769 : vector<16xi32>
        %and3A_771 = arith.constant 1 : i32
        %and3A_772 = vector.broadcast %and3A_771 : i32 to vector<16xi32>
        %and3A_773 = arith.andi %shift_right_arithmetic3A_770, %and3A_772 : vector<16xi32>
        %eq3A_774 = arith.constant 0 : i32
        %eq3A_775 = vector.broadcast %eq3A_774 : i32 to vector<16xi32>
        %eq3A_776 = arith.cmpi eq, %and3A_773, %eq3A_775 : vector<16xi32>
        %lt3A_777 = arith.constant 12100 : i32
        %lt3A_778 = vector.broadcast %lt3A_777 : i32 to vector<16xi32>
        %lt3A_779 = arith.cmpi slt, %add3A_763, %lt3A_778 : vector<16xi32>
        %and3A_780 = arith.andi %eq3A_776, %lt3A_779 : vector<16xi1>
        %convert_element_type3A_781 = arith.extui %and3A_780 : vector<16xi1> to vector<16xi32>
        %broadcast_in_dim3A_782 = arith.constant true
        %broadcast_in_dim3A_783 = vector.broadcast %broadcast_in_dim3A_782 : i1 to vector<16xi1>
        %masked_cumsum3A = tpu.scan <sum>, %convert_element_type3A_781 masked %broadcast_in_dim3A_783 : vector<16xi32>, vector<16xi1> -> vector<16xi32>
        %add3A_784 = vector.broadcast %while3A_759 : i32 to vector<16xi32>
        %add3A_785 = arith.addi %add3A_784, %masked_cumsum3A : vector<16xi32>
        %sub3A_786 = arith.constant 1 : i32
        %sub3A_787 = vector.broadcast %sub3A_786 : i32 to vector<16xi32>
        %sub3A_788 = arith.subi %add3A_785, %sub3A_787 : vector<16xi32>
        %lt3A_789 = arith.constant 32 : i32
        %lt3A_790 = vector.broadcast %lt3A_789 : i32 to vector<16xi32>
        %lt3A_791 = arith.cmpi slt, %sub3A_788, %lt3A_790 : vector<16xi32>
        %and3A_792 = arith.andi %and3A_780, %lt3A_791 : vector<16xi1>
        %min3A = arith.constant 31 : i32
        %min3A_793 = vector.broadcast %min3A : i32 to vector<16xi32>
        %min3A_794 = arith.minsi %sub3A_788, %min3A_793 : vector<16xi32>
        tpu.vector_store_idx %arg11[%min3A_794], %add3A_763 masked %and3A_792 : memref<96xi32, #tpu.memory_space<vmem>>[vector<16xi32>], vector<16xi32>, vector<16xi1>
        %add3A_795 = arith.constant 1 : i32
        %add3A_796 = arith.addi %while3A_758, %add3A_795 : i32
        %reduce_sum3A = arith.constant true
        %reduce_sum3A_797 = vector.broadcast %reduce_sum3A : i1 to vector<16xi1>
        %reduce_sum3A_798 = tpu.scan <sum>, %convert_element_type3A_781 masked %reduce_sum3A_797 : vector<16xi32>, vector<16xi1> -> vector<16xi32>
        %reduce_sum3A_799 = vector.extract %reduce_sum3A_798[15] : i32 from vector<16xi32>
        %add3A_800 = arith.addi %while3A_759, %reduce_sum3A_799 : i32
        scf.yield %add3A_796, %add3A_800 : i32, i32
      }
      %dma_wait3A_49 = arith.constant 0 : i32
      %dma_wait3A_50 = tpu.memref_slice %arg4[%arg1, %dma_wait3A_49] : memref<8x49152xf32, #tpu.memory_space<hbm>> -> memref<1x49152xf32, #tpu.memory_space<hbm>>
      %dma_wait3A_51 = tpu.memref_squeeze %dma_wait3A_50 : memref<1x49152xf32, #tpu.memory_space<hbm>> -> memref<49152xf32, #tpu.memory_space<hbm>>
      %dma_wait3A_52 = arith.constant 0 : i32
      %dma_wait3A_53 = tpu.memref_slice %arg4[%arg1, %dma_wait3A_52] : memref<8x49152xf32, #tpu.memory_space<hbm>> -> memref<1x49152xf32, #tpu.memory_space<hbm>>
      %dma_wait3A_54 = tpu.memref_squeeze %dma_wait3A_53 : memref<1x49152xf32, #tpu.memory_space<hbm>> -> memref<49152xf32, #tpu.memory_space<hbm>>
      tpu.wait_dma2 semaphore(%arg23 : memref<!tpu.dma_semaphore, #tpu.memory_space<semaphore_mem>>) src(%dma_wait3A_54 : memref<49152xf32, #tpu.memory_space<hbm>>) dst(%arg9 : memref<49152xf32, #tpu.memory_space<vmem>>)
      %dma_wait3A_55 = arith.constant 0 : i32
      %dma_wait3A_56 = tpu.memref_slice %arg5[%arg1, %dma_wait3A_55] : memref<8x640xf32, #tpu.memory_space<hbm>> -> memref<1x640xf32, #tpu.memory_space<hbm>>
      %dma_wait3A_57 = tpu.memref_squeeze %dma_wait3A_56 : memref<1x640xf32, #tpu.memory_space<hbm>> -> memref<640xf32, #tpu.memory_space<hbm>>
      %dma_wait3A_58 = arith.constant 0 : i32
      %dma_wait3A_59 = tpu.memref_slice %arg5[%arg1, %dma_wait3A_58] : memref<8x640xf32, #tpu.memory_space<hbm>> -> memref<1x640xf32, #tpu.memory_space<hbm>>
      %dma_wait3A_60 = tpu.memref_squeeze %dma_wait3A_59 : memref<1x640xf32, #tpu.memory_space<hbm>> -> memref<640xf32, #tpu.memory_space<hbm>>
      tpu.wait_dma2 semaphore(%arg23 : memref<!tpu.dma_semaphore, #tpu.memory_space<semaphore_mem>>) src(%dma_wait3A_60 : memref<640xf32, #tpu.memory_space<hbm>>) dst(%arg10 : memref<640xf32, #tpu.memory_space<vmem>>)
      %get3A = arith.constant 0 : index
      %get3A_61 = tpu.vector_load %arg11[%get3A] {strides = array<i32>} : memref<96xi32, #tpu.memory_space<vmem>>, vector<16xi32>,
      %gather3A = tpu.vector_load_idx %arg7[%get3A_61] : memref<12288xi32, #tpu.memory_space<vmem>>[vector<16xi32>], vector<16xi32>,
      %and3A_62 = arith.constant 127 : i32
      %and3A_63 = vector.broadcast %and3A_62 : i32 to vector<16xi32>
      %and3A_64 = arith.andi %gather3A, %and3A_63 : vector<16xi32>
      %shift_right_arithmetic3A = arith.constant 8 : i32
      %shift_right_arithmetic3A_65 = vector.broadcast %shift_right_arithmetic3A : i32 to vector<16xi32>
      %shift_right_arithmetic3A_66 = arith.shrsi %gather3A, %shift_right_arithmetic3A_65 : vector<16xi32>
      %and3A_67 = arith.constant 1 : i32
      %and3A_68 = vector.broadcast %and3A_67 : i32 to vector<16xi32>
      %and3A_69 = arith.andi %shift_right_arithmetic3A_66, %and3A_68 : vector<16xi32>
      %gather3A_70 = tpu.vector_load_idx %arg9[%get3A_61] : memref<49152xf32, #tpu.memory_space<vmem>>[vector<16xi32>], vector<16xf32>,
      %add3A = arith.constant 12288 : i32
      %add3A_71 = vector.broadcast %add3A : i32 to vector<16xi32>
      %add3A_72 = arith.addi %get3A_61, %add3A_71 : vector<16xi32>
      %gather3A_73 = tpu.vector_load_idx %arg9[%add3A_72] : memref<49152xf32, #tpu.memory_space<vmem>>[vector<16xi32>], vector<16xf32>,
      %add3A_74 = arith.constant 24576 : i32
      %add3A_75 = vector.broadcast %add3A_74 : i32 to vector<16xi32>
      %add3A_76 = arith.addi %get3A_61, %add3A_75 : vector<16xi32>
      %gather3A_77 = tpu.vector_load_idx %arg9[%add3A_76] : memref<49152xf32, #tpu.memory_space<vmem>>[vector<16xi32>], vector<16xf32>,
      %add3A_78 = arith.constant 36864 : i32
      %add3A_79 = vector.broadcast %add3A_78 : i32 to vector<16xi32>
      %add3A_80 = arith.addi %get3A_61, %add3A_79 : vector<16xi32>
      %gather3A_81 = tpu.vector_load_idx %arg9[%add3A_80] : memref<49152xf32, #tpu.memory_space<vmem>>[vector<16xi32>], vector<16xf32>,
      %gather3A_82 = tpu.vector_load_idx %arg10[%and3A_64] : memref<640xf32, #tpu.memory_space<vmem>>[vector<16xi32>], vector<16xf32>,
      %add3A_83 = arith.constant 128 : i32
      %add3A_84 = vector.broadcast %add3A_83 : i32 to vector<16xi32>
      %add3A_85 = arith.addi %and3A_64, %add3A_84 : vector<16xi32>
      %gather3A_86 = tpu.vector_load_idx %arg10[%add3A_85] : memref<640xf32, #tpu.memory_space<vmem>>[vector<16xi32>], vector<16xf32>,
      %add3A_87 = arith.constant 256 : i32
      %add3A_88 = vector.broadcast %add3A_87 : i32 to vector<16xi32>
      %add3A_89 = arith.addi %and3A_64, %add3A_88 : vector<16xi32>
      %gather3A_90 = tpu.vector_load_idx %arg10[%add3A_89] : memref<640xf32, #tpu.memory_space<vmem>>[vector<16xi32>], vector<16xf32>,
      %add3A_91 = arith.constant 384 : i32
      %add3A_92 = vector.broadcast %add3A_91 : i32 to vector<16xi32>
      %add3A_93 = arith.addi %and3A_64, %add3A_92 : vector<16xi32>
      %gather3A_94 = tpu.vector_load_idx %arg10[%add3A_93] : memref<640xf32, #tpu.memory_space<vmem>>[vector<16xi32>], vector<16xf32>,
      %gt3A = arith.constant 0 : i32
      %gt3A_95 = vector.broadcast %gt3A : i32 to vector<16xi32>
      %gt3A_96 = arith.cmpi sgt, %and3A_69, %gt3A_95 : vector<16xi32>
      %add3A_97 = arith.constant 512 : i32
      %add3A_98 = vector.broadcast %add3A_97 : i32 to vector<16xi32>
      %add3A_99 = arith.addi %and3A_64, %add3A_98 : vector<16xi32>
      %gather3A_100 = tpu.vector_load_idx %arg10[%add3A_99] : memref<640xf32, #tpu.memory_space<vmem>>[vector<16xi32>], vector<16xf32>,
      %jit3A = arith.constant 0.000000e+00 : f32
      %broadcast_in_dim3A = vector.broadcast %jit3A : f32 to vector<16xf32>
      %select_n3A = arith.select %gt3A_96, %gather3A_100, %broadcast_in_dim3A : vector<16xi1>, vector<16xf32>
      %swap3A = arith.constant 0 : index
      %swap3A_101 = tpu.vector_load %arg12[%swap3A] {strides = array<i32>} : memref<96xf32, #tpu.memory_space<vmem>>, vector<16xf32>,
      tpu.vector_store %arg12[%swap3A], %gather3A_70 {strides = array<i32>} : memref<96xf32, #tpu.memory_space<vmem>>, vector<16xf32>,
      %swap3A_102 = arith.constant 0 : index
      %swap3A_103 = tpu.vector_load %arg13[%swap3A_102] {strides = array<i32>} : memref<96xf32, #tpu.memory_space<vmem>>, vector<16xf32>,
      tpu.vector_store %arg13[%swap3A_102], %gather3A_73 {strides = array<i32>} : memref<96xf32, #tpu.memory_space<vmem>>, vector<16xf32>,
      %swap3A_104 = arith.constant 0 : index
      %swap3A_105 = tpu.vector_load %arg14[%swap3A_104] {strides = array<i32>} : memref<96xf32, #tpu.memory_space<vmem>>, vector<16xf32>,
      tpu.vector_store %arg14[%swap3A_104], %gather3A_77 {strides = array<i32>} : memref<96xf32, #tpu.memory_space<vmem>>, vector<16xf32>,
      %swap3A_106 = arith.constant 0 : index
      %swap3A_107 = tpu.vector_load %arg15[%swap3A_106] {strides = array<i32>} : memref<96xf32, #tpu.memory_space<vmem>>, vector<16xf32>,
      tpu.vector_store %arg15[%swap3A_106], %gather3A_81 {strides = array<i32>} : memref<96xf32, #tpu.memory_space<vmem>>, vector<16xf32>,
      %swap3A_108 = arith.constant 0 : index
      %swap3A_109 = tpu.vector_load %arg16[%swap3A_108] {strides = array<i32>} : memref<96xf32, #tpu.memory_space<vmem>>, vector<16xf32>,
      tpu.vector_store %arg16[%swap3A_108], %select_n3A {strides = array<i32>} : memref<96xf32, #tpu.memory_space<vmem>>, vector<16xf32>,
      %gt3A_110 = arith.constant 0.000000e+00 : f32
      %gt3A_111 = vector.broadcast %gt3A_110 : f32 to vector<16xf32>
      %gt3A_112 = arith.cmpf ogt, %select_n3A, %gt3A_111 : vector<16xf32>
      %broadcast_in_dim3A_113 = arith.constant 0.000000e+00 : f32
      %broadcast_in_dim3A_114 = vector.broadcast %broadcast_in_dim3A_113 : f32 to vector<16xf32>
      %sub3A = arith.subf %gather3A_77, %gather3A_70 : vector<16xf32>
      %add3A_115 = arith.constant 1.000000e+00 : f32
      %add3A_116 = vector.broadcast %add3A_115 : f32 to vector<16xf32>
      %add3A_117 = arith.addf %sub3A, %add3A_116 : vector<16xf32>
      %sub3A_118 = arith.subf %gather3A_81, %gather3A_73 : vector<16xf32>
      %add3A_119 = arith.constant 1.000000e+00 : f32
      %add3A_120 = vector.broadcast %add3A_119 : f32 to vector<16xf32>
      %add3A_121 = arith.addf %sub3A_118, %add3A_120 : vector<16xf32>
      %mul3A = arith.constant 5.000000e-01 : f32
      %mul3A_122 = vector.broadcast %mul3A : f32 to vector<16xf32>
      %mul3A_123 = arith.mulf %mul3A_122, %add3A_117 : vector<16xf32>
      %add3A_124 = arith.addf %gather3A_70, %mul3A_123 : vector<16xf32>
      %mul3A_125 = arith.constant 5.000000e-01 : f32
      %mul3A_126 = vector.broadcast %mul3A_125 : f32 to vector<16xf32>
      %mul3A_127 = arith.mulf %mul3A_126, %add3A_121 : vector<16xf32>
      %add3A_128 = arith.addf %gather3A_73, %mul3A_127 : vector<16xf32>
      %sub3A_129 = arith.subf %gather3A_90, %gather3A_82 : vector<16xf32>
      %add3A_130 = arith.constant 1.000000e+00 : f32
      %add3A_131 = vector.broadcast %add3A_130 : f32 to vector<16xf32>
      %add3A_132 = arith.addf %sub3A_129, %add3A_131 : vector<16xf32>
      %sub3A_133 = arith.subf %gather3A_94, %gather3A_86 : vector<16xf32>
      %add3A_134 = arith.constant 1.000000e+00 : f32
      %add3A_135 = vector.broadcast %add3A_134 : f32 to vector<16xf32>
      %add3A_136 = arith.addf %sub3A_133, %add3A_135 : vector<16xf32>
      %mul3A_137 = arith.constant 5.000000e-01 : f32
      %mul3A_138 = vector.broadcast %mul3A_137 : f32 to vector<16xf32>
      %mul3A_139 = arith.mulf %mul3A_138, %add3A_132 : vector<16xf32>
      %add3A_140 = arith.addf %gather3A_82, %mul3A_139 : vector<16xf32>
      %mul3A_141 = arith.constant 5.000000e-01 : f32
      %mul3A_142 = vector.broadcast %mul3A_141 : f32 to vector<16xf32>
      %mul3A_143 = arith.mulf %mul3A_142, %add3A_136 : vector<16xf32>
      %add3A_144 = arith.addf %gather3A_86, %mul3A_143 : vector<16xf32>
      %sub3A_145 = arith.subf %add3A_140, %add3A_124 : vector<16xf32>
      %div3A = arith.divf %sub3A_145, %add3A_117 : vector<16xf32>
      %select_n3A_146 = arith.select %gt3A_112, %div3A, %broadcast_in_dim3A_114 : vector<16xi1>, vector<16xf32>
      %swap3A_147 = arith.constant 0 : index
      %swap3A_148 = tpu.vector_load %arg17[%swap3A_147] {strides = array<i32>} : memref<96xf32, #tpu.memory_space<vmem>>, vector<16xf32>,
      tpu.vector_store %arg17[%swap3A_147], %select_n3A_146 {strides = array<i32>} : memref<96xf32, #tpu.memory_space<vmem>>, vector<16xf32>,
      %sub3A_149 = arith.subf %add3A_144, %add3A_128 : vector<16xf32>
      %div3A_150 = arith.divf %sub3A_149, %add3A_121 : vector<16xf32>
      %select_n3A_151 = arith.select %gt3A_112, %div3A_150, %broadcast_in_dim3A_114 : vector<16xi1>, vector<16xf32>
      %swap3A_152 = arith.constant 0 : index
      %swap3A_153 = tpu.vector_load %arg18[%swap3A_152] {strides = array<i32>} : memref<96xf32, #tpu.memory_space<vmem>>, vector<16xf32>,
      tpu.vector_store %arg18[%swap3A_152], %select_n3A_151 {strides = array<i32>} : memref<96xf32, #tpu.memory_space<vmem>>, vector<16xf32>,
      %div3A_154 = arith.divf %add3A_132, %add3A_117 : vector<16xf32>
      %bitcast3A = vector.bitcast %div3A_154 : vector<16xf32> to vector<16xi32>
      %shift_right_arithmetic3A_155 = arith.constant 23 : i32
      %shift_right_arithmetic3A_156 = vector.broadcast %shift_right_arithmetic3A_155 : i32 to vector<16xi32>
      %shift_right_arithmetic3A_157 = arith.shrsi %bitcast3A, %shift_right_arithmetic3A_156 : vector<16xi32>
      %and3A_158 = arith.constant 255 : i32
      %and3A_159 = vector.broadcast %and3A_158 : i32 to vector<16xi32>
      %and3A_160 = arith.andi %shift_right_arithmetic3A_157, %and3A_159 : vector<16xi32>
      %sub3A_161 = arith.constant 127 : i32
      %sub3A_162 = vector.broadcast %sub3A_161 : i32 to vector<16xi32>
      %sub3A_163 = arith.subi %and3A_160, %sub3A_162 : vector<16xi32>
      %and3A_164 = arith.constant 8388607 : i32
      %and3A_165 = vector.broadcast %and3A_164 : i32 to vector<16xi32>
      %and3A_166 = arith.andi %bitcast3A, %and3A_165 : vector<16xi32>
      %or3A = arith.constant 1065353216 : i32
      %or3A_167 = vector.broadcast %or3A : i32 to vector<16xi32>
      %or3A_168 = arith.ori %and3A_166, %or3A_167 : vector<16xi32>
      %bitcast3A_169 = vector.bitcast %or3A_168 : vector<16xi32> to vector<16xf32>
      %ge3A = arith.constant 1.41421354 : f32
      %ge3A_170 = vector.broadcast %ge3A : f32 to vector<16xf32>
      %ge3A_171 = arith.cmpf oge, %bitcast3A_169, %ge3A_170 : vector<16xf32>
      %add3A_172 = arith.constant 1 : i32
      %add3A_173 = vector.broadcast %add3A_172 : i32 to vector<16xi32>
      %add3A_174 = arith.addi %sub3A_163, %add3A_173 : vector<16xi32>
      %select_n3A_175 = arith.select %ge3A_171, %add3A_174, %sub3A_163 : vector<16xi1>, vector<16xi32>
      %mul3A_176 = arith.constant 5.000000e-01 : f32
      %mul3A_177 = vector.broadcast %mul3A_176 : f32 to vector<16xf32>
      %mul3A_178 = arith.mulf %bitcast3A_169, %mul3A_177 : vector<16xf32>
      %select_n3A_179 = arith.select %ge3A_171, %mul3A_178, %bitcast3A_169 : vector<16xi1>, vector<16xf32>
      %sub3A_180 = arith.constant 1.000000e+00 : f32
      %sub3A_181 = vector.broadcast %sub3A_180 : f32 to vector<16xf32>
      %sub3A_182 = arith.subf %select_n3A_179, %sub3A_181 : vector<16xf32>
      %add3A_183 = arith.constant 1.000000e+00 : f32
      %add3A_184 = vector.broadcast %add3A_183 : f32 to vector<16xf32>
      %add3A_185 = arith.addf %select_n3A_179, %add3A_184 : vector<16xf32>
      %div3A_186 = arith.divf %sub3A_182, %add3A_185 : vector<16xf32>
      %mul3A_187 = arith.mulf %div3A_186, %div3A_186 : vector<16xf32>
      %mul3A_188 = arith.constant 0.111111112 : f32
      %mul3A_189 = vector.broadcast %mul3A_188 : f32 to vector<16xf32>
      %mul3A_190 = arith.mulf %mul3A_187, %mul3A_189 : vector<16xf32>
      %add3A_191 = arith.constant 0.142857149 : f32
      %add3A_192 = vector.broadcast %add3A_191 : f32 to vector<16xf32>
      %add3A_193 = arith.addf %add3A_192, %mul3A_190 : vector<16xf32>
      %mul3A_194 = arith.mulf %mul3A_187, %add3A_193 : vector<16xf32>
      %add3A_195 = arith.constant 2.000000e-01 : f32
      %add3A_196 = vector.broadcast %add3A_195 : f32 to vector<16xf32>
      %add3A_197 = arith.addf %add3A_196, %mul3A_194 : vector<16xf32>
      %mul3A_198 = arith.mulf %mul3A_187, %add3A_197 : vector<16xf32>
      %add3A_199 = arith.constant 0.333333343 : f32
      %add3A_200 = vector.broadcast %add3A_199 : f32 to vector<16xf32>
      %add3A_201 = arith.addf %add3A_200, %mul3A_198 : vector<16xf32>
      %mul3A_202 = arith.mulf %mul3A_187, %add3A_201 : vector<16xf32>
      %add3A_203 = arith.constant 1.000000e+00 : f32
      %add3A_204 = vector.broadcast %add3A_203 : f32 to vector<16xf32>
      %add3A_205 = arith.addf %add3A_204, %mul3A_202 : vector<16xf32>
      %convert_element_type3A_206 = arith.sitofp %select_n3A_175 : vector<16xi32> to vector<16xf32>
      %mul3A_207 = arith.constant 0.693147182 : f32
      %mul3A_208 = vector.broadcast %mul3A_207 : f32 to vector<16xf32>
      %mul3A_209 = arith.mulf %convert_element_type3A_206, %mul3A_208 : vector<16xf32>
      %mul3A_210 = arith.constant 2.000000e+00 : f32
      %mul3A_211 = vector.broadcast %mul3A_210 : f32 to vector<16xf32>
      %mul3A_212 = arith.mulf %mul3A_211, %div3A_186 : vector<16xf32>
      %mul3A_213 = arith.mulf %mul3A_212, %add3A_205 : vector<16xf32>
      %add3A_214 = arith.addf %mul3A_209, %mul3A_213 : vector<16xf32>
      %select_n3A_215 = arith.select %gt3A_112, %add3A_214, %broadcast_in_dim3A_114 : vector<16xi1>, vector<16xf32>
      %swap3A_216 = arith.constant 0 : index
      %swap3A_217 = tpu.vector_load %arg19[%swap3A_216] {strides = array<i32>} : memref<96xf32, #tpu.memory_space<vmem>>, vector<16xf32>,
      tpu.vector_store %arg19[%swap3A_216], %select_n3A_215 {strides = array<i32>} : memref<96xf32, #tpu.memory_space<vmem>>, vector<16xf32>,
      %div3A_218 = arith.divf %add3A_136, %add3A_121 : vector<16xf32>
      %bitcast3A_219 = vector.bitcast %div3A_218 : vector<16xf32> to vector<16xi32>
      %shift_right_arithmetic3A_220 = arith.constant 23 : i32
      %shift_right_arithmetic3A_221 = vector.broadcast %shift_right_arithmetic3A_220 : i32 to vector<16xi32>
      %shift_right_arithmetic3A_222 = arith.shrsi %bitcast3A_219, %shift_right_arithmetic3A_221 : vector<16xi32>
      %and3A_223 = arith.constant 255 : i32
      %and3A_224 = vector.broadcast %and3A_223 : i32 to vector<16xi32>
      %and3A_225 = arith.andi %shift_right_arithmetic3A_222, %and3A_224 : vector<16xi32>
      %sub3A_226 = arith.constant 127 : i32
      %sub3A_227 = vector.broadcast %sub3A_226 : i32 to vector<16xi32>
      %sub3A_228 = arith.subi %and3A_225, %sub3A_227 : vector<16xi32>
      %and3A_229 = arith.constant 8388607 : i32
      %and3A_230 = vector.broadcast %and3A_229 : i32 to vector<16xi32>
      %and3A_231 = arith.andi %bitcast3A_219, %and3A_230 : vector<16xi32>
      %or3A_232 = arith.constant 1065353216 : i32
      %or3A_233 = vector.broadcast %or3A_232 : i32 to vector<16xi32>
      %or3A_234 = arith.ori %and3A_231, %or3A_233 : vector<16xi32>
      %bitcast3A_235 = vector.bitcast %or3A_234 : vector<16xi32> to vector<16xf32>
      %ge3A_236 = arith.constant 1.41421354 : f32
      %ge3A_237 = vector.broadcast %ge3A_236 : f32 to vector<16xf32>
      %ge3A_238 = arith.cmpf oge, %bitcast3A_235, %ge3A_237 : vector<16xf32>
      %add3A_239 = arith.constant 1 : i32
      %add3A_240 = vector.broadcast %add3A_239 : i32 to vector<16xi32>
      %add3A_241 = arith.addi %sub3A_228, %add3A_240 : vector<16xi32>
      %select_n3A_242 = arith.select %ge3A_238, %add3A_241, %sub3A_228 : vector<16xi1>, vector<16xi32>
      %mul3A_243 = arith.constant 5.000000e-01 : f32
      %mul3A_244 = vector.broadcast %mul3A_243 : f32 to vector<16xf32>
      %mul3A_245 = arith.mulf %bitcast3A_235, %mul3A_244 : vector<16xf32>
      %select_n3A_246 = arith.select %ge3A_238, %mul3A_245, %bitcast3A_235 : vector<16xi1>, vector<16xf32>
      %sub3A_247 = arith.constant 1.000000e+00 : f32
      %sub3A_248 = vector.broadcast %sub3A_247 : f32 to vector<16xf32>
      %sub3A_249 = arith.subf %select_n3A_246, %sub3A_248 : vector<16xf32>
      %add3A_250 = arith.constant 1.000000e+00 : f32
      %add3A_251 = vector.broadcast %add3A_250 : f32 to vector<16xf32>
      %add3A_252 = arith.addf %select_n3A_246, %add3A_251 : vector<16xf32>
      %div3A_253 = arith.divf %sub3A_249, %add3A_252 : vector<16xf32>
      %mul3A_254 = arith.mulf %div3A_253, %div3A_253 : vector<16xf32>
      %mul3A_255 = arith.constant 0.111111112 : f32
      %mul3A_256 = vector.broadcast %mul3A_255 : f32 to vector<16xf32>
      %mul3A_257 = arith.mulf %mul3A_254, %mul3A_256 : vector<16xf32>
      %add3A_258 = arith.constant 0.142857149 : f32
      %add3A_259 = vector.broadcast %add3A_258 : f32 to vector<16xf32>
      %add3A_260 = arith.addf %add3A_259, %mul3A_257 : vector<16xf32>
      %mul3A_261 = arith.mulf %mul3A_254, %add3A_260 : vector<16xf32>
      %add3A_262 = arith.constant 2.000000e-01 : f32
      %add3A_263 = vector.broadcast %add3A_262 : f32 to vector<16xf32>
      %add3A_264 = arith.addf %add3A_263, %mul3A_261 : vector<16xf32>
      %mul3A_265 = arith.mulf %mul3A_254, %add3A_264 : vector<16xf32>
      %add3A_266 = arith.constant 0.333333343 : f32
      %add3A_267 = vector.broadcast %add3A_266 : f32 to vector<16xf32>
      %add3A_268 = arith.addf %add3A_267, %mul3A_265 : vector<16xf32>
      %mul3A_269 = arith.mulf %mul3A_254, %add3A_268 : vector<16xf32>
      %add3A_270 = arith.constant 1.000000e+00 : f32
      %add3A_271 = vector.broadcast %add3A_270 : f32 to vector<16xf32>
      %add3A_272 = arith.addf %add3A_271, %mul3A_269 : vector<16xf32>
      %convert_element_type3A_273 = arith.sitofp %select_n3A_242 : vector<16xi32> to vector<16xf32>
      %mul3A_274 = arith.constant 0.693147182 : f32
      %mul3A_275 = vector.broadcast %mul3A_274 : f32 to vector<16xf32>
      %mul3A_276 = arith.mulf %convert_element_type3A_273, %mul3A_275 : vector<16xf32>
      %mul3A_277 = arith.constant 2.000000e+00 : f32
      %mul3A_278 = vector.broadcast %mul3A_277 : f32 to vector<16xf32>
      %mul3A_279 = arith.mulf %mul3A_278, %div3A_253 : vector<16xf32>
      %mul3A_280 = arith.mulf %mul3A_279, %add3A_272 : vector<16xf32>
      %add3A_281 = arith.addf %mul3A_276, %mul3A_280 : vector<16xf32>
      %select_n3A_282 = arith.select %gt3A_112, %add3A_281, %broadcast_in_dim3A_114 : vector<16xi1>, vector<16xf32>
      %swap3A_283 = arith.constant 0 : index
      %swap3A_284 = tpu.vector_load %arg20[%swap3A_283] {strides = array<i32>} : memref<96xf32, #tpu.memory_space<vmem>>, vector<16xf32>,
      tpu.vector_store %arg20[%swap3A_283], %select_n3A_282 {strides = array<i32>} : memref<96xf32, #tpu.memory_space<vmem>>, vector<16xf32>,
      %jit3A_285 = arith.constant 1.000000e+00 : f32
      %jit3A_286 = arith.constant 0.000000e+00 : f32
      %broadcast_in_dim3A_287 = vector.broadcast %jit3A_285 : f32 to vector<16xf32>
      %broadcast_in_dim3A_288 = vector.broadcast %jit3A_286 : f32 to vector<16xf32>
      %select_n3A_289 = arith.select %gt3A_112, %broadcast_in_dim3A_287, %broadcast_in_dim3A_288 : vector<16xi1>, vector<16xf32>
      %swap3A_290 = arith.constant 0 : index
      %swap3A_291 = tpu.vector_load %arg21[%swap3A_290] {strides = array<i32>} : memref<96xf32, #tpu.memory_space<vmem>>, vector<16xf32>,
      tpu.vector_store %arg21[%swap3A_290], %select_n3A_289 {strides = array<i32>} : memref<96xf32, #tpu.memory_space<vmem>>, vector<16xf32>,
      %get3A_292 = arith.constant 16 : index
      %get3A_293 = tpu.vector_load %arg11[%get3A_292] {strides = array<i32>} : memref<96xi32, #tpu.memory_space<vmem>>, vector<16xi32>,
      %gather3A_294 = tpu.vector_load_idx %arg7[%get3A_293] : memref<12288xi32, #tpu.memory_space<vmem>>[vector<16xi32>], vector<16xi32>,
      %and3A_295 = arith.constant 127 : i32
      %and3A_296 = vector.broadcast %and3A_295 : i32 to vector<16xi32>
      %and3A_297 = arith.andi %gather3A_294, %and3A_296 : vector<16xi32>
      %shift_right_arithmetic3A_298 = arith.constant 8 : i32
      %shift_right_arithmetic3A_299 = vector.broadcast %shift_right_arithmetic3A_298 : i32 to vector<16xi32>
      %shift_right_arithmetic3A_300 = arith.shrsi %gather3A_294, %shift_right_arithmetic3A_299 : vector<16xi32>
      %and3A_301 = arith.constant 1 : i32
      %and3A_302 = vector.broadcast %and3A_301 : i32 to vector<16xi32>
      %and3A_303 = arith.andi %shift_right_arithmetic3A_300, %and3A_302 : vector<16xi32>
      %gather3A_304 = tpu.vector_load_idx %arg9[%get3A_293] : memref<49152xf32, #tpu.memory_space<vmem>>[vector<16xi32>], vector<16xf32>,
      %add3A_305 = arith.constant 12288 : i32
      %add3A_306 = vector.broadcast %add3A_305 : i32 to vector<16xi32>
      %add3A_307 = arith.addi %get3A_293, %add3A_306 : vector<16xi32>
      %gather3A_308 = tpu.vector_load_idx %arg9[%add3A_307] : memref<49152xf32, #tpu.memory_space<vmem>>[vector<16xi32>], vector<16xf32>,
      %add3A_309 = arith.constant 24576 : i32
      %add3A_310 = vector.broadcast %add3A_309 : i32 to vector<16xi32>
      %add3A_311 = arith.addi %get3A_293, %add3A_310 : vector<16xi32>
      %gather3A_312 = tpu.vector_load_idx %arg9[%add3A_311] : memref<49152xf32, #tpu.memory_space<vmem>>[vector<16xi32>], vector<16xf32>,
      %add3A_313 = arith.constant 36864 : i32
      %add3A_314 = vector.broadcast %add3A_313 : i32 to vector<16xi32>
      %add3A_315 = arith.addi %get3A_293, %add3A_314 : vector<16xi32>
      %gather3A_316 = tpu.vector_load_idx %arg9[%add3A_315] : memref<49152xf32, #tpu.memory_space<vmem>>[vector<16xi32>], vector<16xf32>,
      %gather3A_317 = tpu.vector_load_idx %arg10[%and3A_297] : memref<640xf32, #tpu.memory_space<vmem>>[vector<16xi32>], vector<16xf32>,
      %add3A_318 = arith.constant 128 : i32
      %add3A_319 = vector.broadcast %add3A_318 : i32 to vector<16xi32>
      %add3A_320 = arith.addi %and3A_297, %add3A_319 : vector<16xi32>
      %gather3A_321 = tpu.vector_load_idx %arg10[%add3A_320] : memref<640xf32, #tpu.memory_space<vmem>>[vector<16xi32>], vector<16xf32>,
      %add3A_322 = arith.constant 256 : i32
      %add3A_323 = vector.broadcast %add3A_322 : i32 to vector<16xi32>
      %add3A_324 = arith.addi %and3A_297, %add3A_323 : vector<16xi32>
      %gather3A_325 = tpu.vector_load_idx %arg10[%add3A_324] : memref<640xf32, #tpu.memory_space<vmem>>[vector<16xi32>], vector<16xf32>,
      %add3A_326 = arith.constant 384 : i32
      %add3A_327 = vector.broadcast %add3A_326 : i32 to vector<16xi32>
      %add3A_328 = arith.addi %and3A_297, %add3A_327 : vector<16xi32>
      %gather3A_329 = tpu.vector_load_idx %arg10[%add3A_328] : memref<640xf32, #tpu.memory_space<vmem>>[vector<16xi32>], vector<16xf32>,
      %gt3A_330 = arith.constant 0 : i32
      %gt3A_331 = vector.broadcast %gt3A_330 : i32 to vector<16xi32>
      %gt3A_332 = arith.cmpi sgt, %and3A_303, %gt3A_331 : vector<16xi32>
      %add3A_333 = arith.constant 512 : i32
      %add3A_334 = vector.broadcast %add3A_333 : i32 to vector<16xi32>
      %add3A_335 = arith.addi %and3A_297, %add3A_334 : vector<16xi32>
      %gather3A_336 = tpu.vector_load_idx %arg10[%add3A_335] : memref<640xf32, #tpu.memory_space<vmem>>[vector<16xi32>], vector<16xf32>,
      %jit3A_337 = arith.constant 0.000000e+00 : f32
      %broadcast_in_dim3A_338 = vector.broadcast %jit3A_337 : f32 to vector<16xf32>
      %select_n3A_339 = arith.select %gt3A_332, %gather3A_336, %broadcast_in_dim3A_338 : vector<16xi1>, vector<16xf32>
      %swap3A_340 = arith.constant 16 : index
      %swap3A_341 = tpu.vector_load %arg12[%swap3A_340] {strides = array<i32>} : memref<96xf32, #tpu.memory_space<vmem>>, vector<16xf32>,
      tpu.vector_store %arg12[%swap3A_340], %gather3A_304 {strides = array<i32>} : memref<96xf32, #tpu.memory_space<vmem>>, vector<16xf32>,
      %swap3A_342 = arith.constant 16 : index
      %swap3A_343 = tpu.vector_load %arg13[%swap3A_342] {strides = array<i32>} : memref<96xf32, #tpu.memory_space<vmem>>, vector<16xf32>,
      tpu.vector_store %arg13[%swap3A_342], %gather3A_308 {strides = array<i32>} : memref<96xf32, #tpu.memory_space<vmem>>, vector<16xf32>,
      %swap3A_344 = arith.constant 16 : index
      %swap3A_345 = tpu.vector_load %arg14[%swap3A_344] {strides = array<i32>} : memref<96xf32, #tpu.memory_space<vmem>>, vector<16xf32>,
      tpu.vector_store %arg14[%swap3A_344], %gather3A_312 {strides = array<i32>} : memref<96xf32, #tpu.memory_space<vmem>>, vector<16xf32>,
      %swap3A_346 = arith.constant 16 : index
      %swap3A_347 = tpu.vector_load %arg15[%swap3A_346] {strides = array<i32>} : memref<96xf32, #tpu.memory_space<vmem>>, vector<16xf32>,
      tpu.vector_store %arg15[%swap3A_346], %gather3A_316 {strides = array<i32>} : memref<96xf32, #tpu.memory_space<vmem>>, vector<16xf32>,
      %swap3A_348 = arith.constant 16 : index
      %swap3A_349 = tpu.vector_load %arg16[%swap3A_348] {strides = array<i32>} : memref<96xf32, #tpu.memory_space<vmem>>, vector<16xf32>,
      tpu.vector_store %arg16[%swap3A_348], %select_n3A_339 {strides = array<i32>} : memref<96xf32, #tpu.memory_space<vmem>>, vector<16xf32>,
      %gt3A_350 = arith.constant 0.000000e+00 : f32
      %gt3A_351 = vector.broadcast %gt3A_350 : f32 to vector<16xf32>
      %gt3A_352 = arith.cmpf ogt, %select_n3A_339, %gt3A_351 : vector<16xf32>
      %broadcast_in_dim3A_353 = arith.constant 0.000000e+00 : f32
      %broadcast_in_dim3A_354 = vector.broadcast %broadcast_in_dim3A_353 : f32 to vector<16xf32>
      %sub3A_355 = arith.subf %gather3A_312, %gather3A_304 : vector<16xf32>
      %add3A_356 = arith.constant 1.000000e+00 : f32
      %add3A_357 = vector.broadcast %add3A_356 : f32 to vector<16xf32>
      %add3A_358 = arith.addf %sub3A_355, %add3A_357 : vector<16xf32>
      %sub3A_359 = arith.subf %gather3A_316, %gather3A_308 : vector<16xf32>
      %add3A_360 = arith.constant 1.000000e+00 : f32
      %add3A_361 = vector.broadcast %add3A_360 : f32 to vector<16xf32>
      %add3A_362 = arith.addf %sub3A_359, %add3A_361 : vector<16xf32>
      %mul3A_363 = arith.constant 5.000000e-01 : f32
      %mul3A_364 = vector.broadcast %mul3A_363 : f32 to vector<16xf32>
      %mul3A_365 = arith.mulf %mul3A_364, %add3A_358 : vector<16xf32>
      %add3A_366 = arith.addf %gather3A_304, %mul3A_365 : vector<16xf32>
      %mul3A_367 = arith.constant 5.000000e-01 : f32
      %mul3A_368 = vector.broadcast %mul3A_367 : f32 to vector<16xf32>
      %mul3A_369 = arith.mulf %mul3A_368, %add3A_362 : vector<16xf32>
      %add3A_370 = arith.addf %gather3A_308, %mul3A_369 : vector<16xf32>
      %sub3A_371 = arith.subf %gather3A_325, %gather3A_317 : vector<16xf32>
      %add3A_372 = arith.constant 1.000000e+00 : f32
      %add3A_373 = vector.broadcast %add3A_372 : f32 to vector<16xf32>
      %add3A_374 = arith.addf %sub3A_371, %add3A_373 : vector<16xf32>
      %sub3A_375 = arith.subf %gather3A_329, %gather3A_321 : vector<16xf32>
      %add3A_376 = arith.constant 1.000000e+00 : f32
      %add3A_377 = vector.broadcast %add3A_376 : f32 to vector<16xf32>
      %add3A_378 = arith.addf %sub3A_375, %add3A_377 : vector<16xf32>
      %mul3A_379 = arith.constant 5.000000e-01 : f32
      %mul3A_380 = vector.broadcast %mul3A_379 : f32 to vector<16xf32>
      %mul3A_381 = arith.mulf %mul3A_380, %add3A_374 : vector<16xf32>
      %add3A_382 = arith.addf %gather3A_317, %mul3A_381 : vector<16xf32>
      %mul3A_383 = arith.constant 5.000000e-01 : f32
      %mul3A_384 = vector.broadcast %mul3A_383 : f32 to vector<16xf32>
      %mul3A_385 = arith.mulf %mul3A_384, %add3A_378 : vector<16xf32>
      %add3A_386 = arith.addf %gather3A_321, %mul3A_385 : vector<16xf32>
      %sub3A_387 = arith.subf %add3A_382, %add3A_366 : vector<16xf32>
      %div3A_388 = arith.divf %sub3A_387, %add3A_358 : vector<16xf32>
      %select_n3A_389 = arith.select %gt3A_352, %div3A_388, %broadcast_in_dim3A_354 : vector<16xi1>, vector<16xf32>
      %swap3A_390 = arith.constant 16 : index
      %swap3A_391 = tpu.vector_load %arg17[%swap3A_390] {strides = array<i32>} : memref<96xf32, #tpu.memory_space<vmem>>, vector<16xf32>,
      tpu.vector_store %arg17[%swap3A_390], %select_n3A_389 {strides = array<i32>} : memref<96xf32, #tpu.memory_space<vmem>>, vector<16xf32>,
      %sub3A_392 = arith.subf %add3A_386, %add3A_370 : vector<16xf32>
      %div3A_393 = arith.divf %sub3A_392, %add3A_362 : vector<16xf32>
      %select_n3A_394 = arith.select %gt3A_352, %div3A_393, %broadcast_in_dim3A_354 : vector<16xi1>, vector<16xf32>
      %swap3A_395 = arith.constant 16 : index
      %swap3A_396 = tpu.vector_load %arg18[%swap3A_395] {strides = array<i32>} : memref<96xf32, #tpu.memory_space<vmem>>, vector<16xf32>,
      tpu.vector_store %arg18[%swap3A_395], %select_n3A_394 {strides = array<i32>} : memref<96xf32, #tpu.memory_space<vmem>>, vector<16xf32>,
      %div3A_397 = arith.divf %add3A_374, %add3A_358 : vector<16xf32>
      %bitcast3A_398 = vector.bitcast %div3A_397 : vector<16xf32> to vector<16xi32>
      %shift_right_arithmetic3A_399 = arith.constant 23 : i32
      %shift_right_arithmetic3A_400 = vector.broadcast %shift_right_arithmetic3A_399 : i32 to vector<16xi32>
      %shift_right_arithmetic3A_401 = arith.shrsi %bitcast3A_398, %shift_right_arithmetic3A_400 : vector<16xi32>
      %and3A_402 = arith.constant 255 : i32
      %and3A_403 = vector.broadcast %and3A_402 : i32 to vector<16xi32>
      %and3A_404 = arith.andi %shift_right_arithmetic3A_401, %and3A_403 : vector<16xi32>
      %sub3A_405 = arith.constant 127 : i32
      %sub3A_406 = vector.broadcast %sub3A_405 : i32 to vector<16xi32>
      %sub3A_407 = arith.subi %and3A_404, %sub3A_406 : vector<16xi32>
      %and3A_408 = arith.constant 8388607 : i32
      %and3A_409 = vector.broadcast %and3A_408 : i32 to vector<16xi32>
      %and3A_410 = arith.andi %bitcast3A_398, %and3A_409 : vector<16xi32>
      %or3A_411 = arith.constant 1065353216 : i32
      %or3A_412 = vector.broadcast %or3A_411 : i32 to vector<16xi32>
      %or3A_413 = arith.ori %and3A_410, %or3A_412 : vector<16xi32>
      %bitcast3A_414 = vector.bitcast %or3A_413 : vector<16xi32> to vector<16xf32>
      %ge3A_415 = arith.constant 1.41421354 : f32
      %ge3A_416 = vector.broadcast %ge3A_415 : f32 to vector<16xf32>
      %ge3A_417 = arith.cmpf oge, %bitcast3A_414, %ge3A_416 : vector<16xf32>
      %add3A_418 = arith.constant 1 : i32
      %add3A_419 = vector.broadcast %add3A_418 : i32 to vector<16xi32>
      %add3A_420 = arith.addi %sub3A_407, %add3A_419 : vector<16xi32>
      %select_n3A_421 = arith.select %ge3A_417, %add3A_420, %sub3A_407 : vector<16xi1>, vector<16xi32>
      %mul3A_422 = arith.constant 5.000000e-01 : f32
      %mul3A_423 = vector.broadcast %mul3A_422 : f32 to vector<16xf32>
      %mul3A_424 = arith.mulf %bitcast3A_414, %mul3A_423 : vector<16xf32>
      %select_n3A_425 = arith.select %ge3A_417, %mul3A_424, %bitcast3A_414 : vector<16xi1>, vector<16xf32>
      %sub3A_426 = arith.constant 1.000000e+00 : f32
      %sub3A_427 = vector.broadcast %sub3A_426 : f32 to vector<16xf32>
      %sub3A_428 = arith.subf %select_n3A_425, %sub3A_427 : vector<16xf32>
      %add3A_429 = arith.constant 1.000000e+00 : f32
      %add3A_430 = vector.broadcast %add3A_429 : f32 to vector<16xf32>
      %add3A_431 = arith.addf %select_n3A_425, %add3A_430 : vector<16xf32>
      %div3A_432 = arith.divf %sub3A_428, %add3A_431 : vector<16xf32>
      %mul3A_433 = arith.mulf %div3A_432, %div3A_432 : vector<16xf32>
      %mul3A_434 = arith.constant 0.111111112 : f32
      %mul3A_435 = vector.broadcast %mul3A_434 : f32 to vector<16xf32>
      %mul3A_436 = arith.mulf %mul3A_433, %mul3A_435 : vector<16xf32>
      %add3A_437 = arith.constant 0.142857149 : f32
      %add3A_438 = vector.broadcast %add3A_437 : f32 to vector<16xf32>
      %add3A_439 = arith.addf %add3A_438, %mul3A_436 : vector<16xf32>
      %mul3A_440 = arith.mulf %mul3A_433, %add3A_439 : vector<16xf32>
      %add3A_441 = arith.constant 2.000000e-01 : f32
      %add3A_442 = vector.broadcast %add3A_441 : f32 to vector<16xf32>
      %add3A_443 = arith.addf %add3A_442, %mul3A_440 : vector<16xf32>
      %mul3A_444 = arith.mulf %mul3A_433, %add3A_443 : vector<16xf32>
      %add3A_445 = arith.constant 0.333333343 : f32
      %add3A_446 = vector.broadcast %add3A_445 : f32 to vector<16xf32>
      %add3A_447 = arith.addf %add3A_446, %mul3A_444 : vector<16xf32>
      %mul3A_448 = arith.mulf %mul3A_433, %add3A_447 : vector<16xf32>
      %add3A_449 = arith.constant 1.000000e+00 : f32
      %add3A_450 = vector.broadcast %add3A_449 : f32 to vector<16xf32>
      %add3A_451 = arith.addf %add3A_450, %mul3A_448 : vector<16xf32>
      %convert_element_type3A_452 = arith.sitofp %select_n3A_421 : vector<16xi32> to vector<16xf32>
      %mul3A_453 = arith.constant 0.693147182 : f32
      %mul3A_454 = vector.broadcast %mul3A_453 : f32 to vector<16xf32>
      %mul3A_455 = arith.mulf %convert_element_type3A_452, %mul3A_454 : vector<16xf32>
      %mul3A_456 = arith.constant 2.000000e+00 : f32
      %mul3A_457 = vector.broadcast %mul3A_456 : f32 to vector<16xf32>
      %mul3A_458 = arith.mulf %mul3A_457, %div3A_432 : vector<16xf32>
      %mul3A_459 = arith.mulf %mul3A_458, %add3A_451 : vector<16xf32>
      %add3A_460 = arith.addf %mul3A_455, %mul3A_459 : vector<16xf32>
      %select_n3A_461 = arith.select %gt3A_352, %add3A_460, %broadcast_in_dim3A_354 : vector<16xi1>, vector<16xf32>
      %swap3A_462 = arith.constant 16 : index
      %swap3A_463 = tpu.vector_load %arg19[%swap3A_462] {strides = array<i32>} : memref<96xf32, #tpu.memory_space<vmem>>, vector<16xf32>,
      tpu.vector_store %arg19[%swap3A_462], %select_n3A_461 {strides = array<i32>} : memref<96xf32, #tpu.memory_space<vmem>>, vector<16xf32>,
      %div3A_464 = arith.divf %add3A_378, %add3A_362 : vector<16xf32>
      %bitcast3A_465 = vector.bitcast %div3A_464 : vector<16xf32> to vector<16xi32>
      %shift_right_arithmetic3A_466 = arith.constant 23 : i32
      %shift_right_arithmetic3A_467 = vector.broadcast %shift_right_arithmetic3A_466 : i32 to vector<16xi32>
      %shift_right_arithmetic3A_468 = arith.shrsi %bitcast3A_465, %shift_right_arithmetic3A_467 : vector<16xi32>
      %and3A_469 = arith.constant 255 : i32
      %and3A_470 = vector.broadcast %and3A_469 : i32 to vector<16xi32>
      %and3A_471 = arith.andi %shift_right_arithmetic3A_468, %and3A_470 : vector<16xi32>
      %sub3A_472 = arith.constant 127 : i32
      %sub3A_473 = vector.broadcast %sub3A_472 : i32 to vector<16xi32>
      %sub3A_474 = arith.subi %and3A_471, %sub3A_473 : vector<16xi32>
      %and3A_475 = arith.constant 8388607 : i32
      %and3A_476 = vector.broadcast %and3A_475 : i32 to vector<16xi32>
      %and3A_477 = arith.andi %bitcast3A_465, %and3A_476 : vector<16xi32>
      %or3A_478 = arith.constant 1065353216 : i32
      %or3A_479 = vector.broadcast %or3A_478 : i32 to vector<16xi32>
      %or3A_480 = arith.ori %and3A_477, %or3A_479 : vector<16xi32>
      %bitcast3A_481 = vector.bitcast %or3A_480 : vector<16xi32> to vector<16xf32>
      %ge3A_482 = arith.constant 1.41421354 : f32
      %ge3A_483 = vector.broadcast %ge3A_482 : f32 to vector<16xf32>
      %ge3A_484 = arith.cmpf oge, %bitcast3A_481, %ge3A_483 : vector<16xf32>
      %add3A_485 = arith.constant 1 : i32
      %add3A_486 = vector.broadcast %add3A_485 : i32 to vector<16xi32>
      %add3A_487 = arith.addi %sub3A_474, %add3A_486 : vector<16xi32>
      %select_n3A_488 = arith.select %ge3A_484, %add3A_487, %sub3A_474 : vector<16xi1>, vector<16xi32>
      %mul3A_489 = arith.constant 5.000000e-01 : f32
      %mul3A_490 = vector.broadcast %mul3A_489 : f32 to vector<16xf32>
      %mul3A_491 = arith.mulf %bitcast3A_481, %mul3A_490 : vector<16xf32>
      %select_n3A_492 = arith.select %ge3A_484, %mul3A_491, %bitcast3A_481 : vector<16xi1>, vector<16xf32>
      %sub3A_493 = arith.constant 1.000000e+00 : f32
      %sub3A_494 = vector.broadcast %sub3A_493 : f32 to vector<16xf32>
      %sub3A_495 = arith.subf %select_n3A_492, %sub3A_494 : vector<16xf32>
      %add3A_496 = arith.constant 1.000000e+00 : f32
      %add3A_497 = vector.broadcast %add3A_496 : f32 to vector<16xf32>
      %add3A_498 = arith.addf %select_n3A_492, %add3A_497 : vector<16xf32>
      %div3A_499 = arith.divf %sub3A_495, %add3A_498 : vector<16xf32>
      %mul3A_500 = arith.mulf %div3A_499, %div3A_499 : vector<16xf32>
      %mul3A_501 = arith.constant 0.111111112 : f32
      %mul3A_502 = vector.broadcast %mul3A_501 : f32 to vector<16xf32>
      %mul3A_503 = arith.mulf %mul3A_500, %mul3A_502 : vector<16xf32>
      %add3A_504 = arith.constant 0.142857149 : f32
      %add3A_505 = vector.broadcast %add3A_504 : f32 to vector<16xf32>
      %add3A_506 = arith.addf %add3A_505, %mul3A_503 : vector<16xf32>
      %mul3A_507 = arith.mulf %mul3A_500, %add3A_506 : vector<16xf32>
      %add3A_508 = arith.constant 2.000000e-01 : f32
      %add3A_509 = vector.broadcast %add3A_508 : f32 to vector<16xf32>
      %add3A_510 = arith.addf %add3A_509, %mul3A_507 : vector<16xf32>
      %mul3A_511 = arith.mulf %mul3A_500, %add3A_510 : vector<16xf32>
      %add3A_512 = arith.constant 0.333333343 : f32
      %add3A_513 = vector.broadcast %add3A_512 : f32 to vector<16xf32>
      %add3A_514 = arith.addf %add3A_513, %mul3A_511 : vector<16xf32>
      %mul3A_515 = arith.mulf %mul3A_500, %add3A_514 : vector<16xf32>
      %add3A_516 = arith.constant 1.000000e+00 : f32
      %add3A_517 = vector.broadcast %add3A_516 : f32 to vector<16xf32>
      %add3A_518 = arith.addf %add3A_517, %mul3A_515 : vector<16xf32>
      %convert_element_type3A_519 = arith.sitofp %select_n3A_488 : vector<16xi32> to vector<16xf32>
      %mul3A_520 = arith.constant 0.693147182 : f32
      %mul3A_521 = vector.broadcast %mul3A_520 : f32 to vector<16xf32>
      %mul3A_522 = arith.mulf %convert_element_type3A_519, %mul3A_521 : vector<16xf32>
      %mul3A_523 = arith.constant 2.000000e+00 : f32
      %mul3A_524 = vector.broadcast %mul3A_523 : f32 to vector<16xf32>
      %mul3A_525 = arith.mulf %mul3A_524, %div3A_499 : vector<16xf32>
      %mul3A_526 = arith.mulf %mul3A_525, %add3A_518 : vector<16xf32>
      %add3A_527 = arith.addf %mul3A_522, %mul3A_526 : vector<16xf32>
      %select_n3A_528 = arith.select %gt3A_352, %add3A_527, %broadcast_in_dim3A_354 : vector<16xi1>, vector<16xf32>
      %swap3A_529 = arith.constant 16 : index
      %swap3A_530 = tpu.vector_load %arg20[%swap3A_529] {strides = array<i32>} : memref<96xf32, #tpu.memory_space<vmem>>, vector<16xf32>,
      tpu.vector_store %arg20[%swap3A_529], %select_n3A_528 {strides = array<i32>} : memref<96xf32, #tpu.memory_space<vmem>>, vector<16xf32>,
      %jit3A_531 = arith.constant 1.000000e+00 : f32
      %jit3A_532 = arith.constant 0.000000e+00 : f32
      %broadcast_in_dim3A_533 = vector.broadcast %jit3A_531 : f32 to vector<16xf32>
      %broadcast_in_dim3A_534 = vector.broadcast %jit3A_532 : f32 to vector<16xf32>
      %select_n3A_535 = arith.select %gt3A_352, %broadcast_in_dim3A_533, %broadcast_in_dim3A_534 : vector<16xi1>, vector<16xf32>
      %swap3A_536 = arith.constant 16 : index
      %swap3A_537 = tpu.vector_load %arg21[%swap3A_536] {strides = array<i32>} : memref<96xf32, #tpu.memory_space<vmem>>, vector<16xf32>,
      tpu.vector_store %arg21[%swap3A_536], %select_n3A_535 {strides = array<i32>} : memref<96xf32, #tpu.memory_space<vmem>>, vector<16xf32>,
      %add3A_538 = arith.constant 0 : i32
      %add3A_539 = arith.addi %add3A_538, %arg1 : i32
      %dma_start3A_540 = arith.constant 0 : i32
      %dma_start3A_541 = tpu.memref_slice %arg12[%dma_start3A_540] : memref<96xf32, #tpu.memory_space<vmem>> -> memref<32xf32, #tpu.memory_space<vmem>>
      %dma_start3A_542 = arith.constant 0 : i32
      %dma_start3A_543 = tpu.memref_slice %arg6[%add3A_539, %dma_start3A_542] : memref<80x128xf32, #tpu.memory_space<hbm>> -> memref<1x32xf32, #tpu.memory_space<hbm>>
      %dma_start3A_544 = tpu.memref_squeeze %dma_start3A_543 : memref<1x32xf32, #tpu.memory_space<hbm>> -> memref<32xf32, #tpu.memory_space<hbm>>
      %dma_start3A_545 = arith.constant 0 : i32
      %dma_start3A_546 = tpu.memref_slice %arg6[%add3A_539, %dma_start3A_545] : memref<80x128xf32, #tpu.memory_space<hbm>> -> memref<1x32xf32, #tpu.memory_space<hbm>>
      %dma_start3A_547 = tpu.memref_squeeze %dma_start3A_546 : memref<1x32xf32, #tpu.memory_space<hbm>> -> memref<32xf32, #tpu.memory_space<hbm>>
      %dma_start3A_548 = arith.constant 0 : i32
      %dma_start3A_549 = tpu.memref_slice %arg12[%dma_start3A_548] : memref<96xf32, #tpu.memory_space<vmem>> -> memref<32xf32, #tpu.memory_space<vmem>>
      tpu.enqueue_dma source(%dma_start3A_549 : memref<32xf32, #tpu.memory_space<vmem>>) target(%dma_start3A_547 : memref<32xf32, #tpu.memory_space<hbm>>) target_semaphore(%arg24 : memref<!tpu.dma_semaphore, #tpu.memory_space<semaphore_mem>>)
      %add3A_550 = arith.constant 8 : i32
      %add3A_551 = arith.addi %add3A_550, %arg1 : i32
      %dma_start3A_552 = arith.constant 0 : i32
      %dma_start3A_553 = tpu.memref_slice %arg13[%dma_start3A_552] : memref<96xf32, #tpu.memory_space<vmem>> -> memref<32xf32, #tpu.memory_space<vmem>>
      %dma_start3A_554 = arith.constant 0 : i32
      %dma_start3A_555 = tpu.memref_slice %arg6[%add3A_551, %dma_start3A_554] : memref<80x128xf32, #tpu.memory_space<hbm>> -> memref<1x32xf32, #tpu.memory_space<hbm>>
      %dma_start3A_556 = tpu.memref_squeeze %dma_start3A_555 : memref<1x32xf32, #tpu.memory_space<hbm>> -> memref<32xf32, #tpu.memory_space<hbm>>
      %dma_start3A_557 = arith.constant 0 : i32
      %dma_start3A_558 = tpu.memref_slice %arg6[%add3A_551, %dma_start3A_557] : memref<80x128xf32, #tpu.memory_space<hbm>> -> memref<1x32xf32, #tpu.memory_space<hbm>>
      %dma_start3A_559 = tpu.memref_squeeze %dma_start3A_558 : memref<1x32xf32, #tpu.memory_space<hbm>> -> memref<32xf32, #tpu.memory_space<hbm>>
      %dma_start3A_560 = arith.constant 0 : i32
      %dma_start3A_561 = tpu.memref_slice %arg13[%dma_start3A_560] : memref<96xf32, #tpu.memory_space<vmem>> -> memref<32xf32, #tpu.memory_space<vmem>>
      tpu.enqueue_dma source(%dma_start3A_561 : memref<32xf32, #tpu.memory_space<vmem>>) target(%dma_start3A_559 : memref<32xf32, #tpu.memory_space<hbm>>) target_semaphore(%arg24 : memref<!tpu.dma_semaphore, #tpu.memory_space<semaphore_mem>>)
      %add3A_562 = arith.constant 16 : i32
      %add3A_563 = arith.addi %add3A_562, %arg1 : i32
      %dma_start3A_564 = arith.constant 0 : i32
      %dma_start3A_565 = tpu.memref_slice %arg14[%dma_start3A_564] : memref<96xf32, #tpu.memory_space<vmem>> -> memref<32xf32, #tpu.memory_space<vmem>>
      %dma_start3A_566 = arith.constant 0 : i32
      %dma_start3A_567 = tpu.memref_slice %arg6[%add3A_563, %dma_start3A_566] : memref<80x128xf32, #tpu.memory_space<hbm>> -> memref<1x32xf32, #tpu.memory_space<hbm>>
      %dma_start3A_568 = tpu.memref_squeeze %dma_start3A_567 : memref<1x32xf32, #tpu.memory_space<hbm>> -> memref<32xf32, #tpu.memory_space<hbm>>
      %dma_start3A_569 = arith.constant 0 : i32
      %dma_start3A_570 = tpu.memref_slice %arg6[%add3A_563, %dma_start3A_569] : memref<80x128xf32, #tpu.memory_space<hbm>> -> memref<1x32xf32, #tpu.memory_space<hbm>>
      %dma_start3A_571 = tpu.memref_squeeze %dma_start3A_570 : memref<1x32xf32, #tpu.memory_space<hbm>> -> memref<32xf32, #tpu.memory_space<hbm>>
      %dma_start3A_572 = arith.constant 0 : i32
      %dma_start3A_573 = tpu.memref_slice %arg14[%dma_start3A_572] : memref<96xf32, #tpu.memory_space<vmem>> -> memref<32xf32, #tpu.memory_space<vmem>>
      tpu.enqueue_dma source(%dma_start3A_573 : memref<32xf32, #tpu.memory_space<vmem>>) target(%dma_start3A_571 : memref<32xf32, #tpu.memory_space<hbm>>) target_semaphore(%arg24 : memref<!tpu.dma_semaphore, #tpu.memory_space<semaphore_mem>>)
      %add3A_574 = arith.constant 24 : i32
      %add3A_575 = arith.addi %add3A_574, %arg1 : i32
      %dma_start3A_576 = arith.constant 0 : i32
      %dma_start3A_577 = tpu.memref_slice %arg15[%dma_start3A_576] : memref<96xf32, #tpu.memory_space<vmem>> -> memref<32xf32, #tpu.memory_space<vmem>>
      %dma_start3A_578 = arith.constant 0 : i32
      %dma_start3A_579 = tpu.memref_slice %arg6[%add3A_575, %dma_start3A_578] : memref<80x128xf32, #tpu.memory_space<hbm>> -> memref<1x32xf32, #tpu.memory_space<hbm>>
      %dma_start3A_580 = tpu.memref_squeeze %dma_start3A_579 : memref<1x32xf32, #tpu.memory_space<hbm>> -> memref<32xf32, #tpu.memory_space<hbm>>
      %dma_start3A_581 = arith.constant 0 : i32
      %dma_start3A_582 = tpu.memref_slice %arg6[%add3A_575, %dma_start3A_581] : memref<80x128xf32, #tpu.memory_space<hbm>> -> memref<1x32xf32, #tpu.memory_space<hbm>>
      %dma_start3A_583 = tpu.memref_squeeze %dma_start3A_582 : memref<1x32xf32, #tpu.memory_space<hbm>> -> memref<32xf32, #tpu.memory_space<hbm>>
      %dma_start3A_584 = arith.constant 0 : i32
      %dma_start3A_585 = tpu.memref_slice %arg15[%dma_start3A_584] : memref<96xf32, #tpu.memory_space<vmem>> -> memref<32xf32, #tpu.memory_space<vmem>>
      tpu.enqueue_dma source(%dma_start3A_585 : memref<32xf32, #tpu.memory_space<vmem>>) target(%dma_start3A_583 : memref<32xf32, #tpu.memory_space<hbm>>) target_semaphore(%arg24 : memref<!tpu.dma_semaphore, #tpu.memory_space<semaphore_mem>>)
      %add3A_586 = arith.constant 32 : i32
      %add3A_587 = arith.addi %add3A_586, %arg1 : i32
      %dma_start3A_588 = arith.constant 0 : i32
      %dma_start3A_589 = tpu.memref_slice %arg16[%dma_start3A_588] : memref<96xf32, #tpu.memory_space<vmem>> -> memref<32xf32, #tpu.memory_space<vmem>>
      %dma_start3A_590 = arith.constant 0 : i32
      %dma_start3A_591 = tpu.memref_slice %arg6[%add3A_587, %dma_start3A_590] : memref<80x128xf32, #tpu.memory_space<hbm>> -> memref<1x32xf32, #tpu.memory_space<hbm>>
      %dma_start3A_592 = tpu.memref_squeeze %dma_start3A_591 : memref<1x32xf32, #tpu.memory_space<hbm>> -> memref<32xf32, #tpu.memory_space<hbm>>
      %dma_start3A_593 = arith.constant 0 : i32
      %dma_start3A_594 = tpu.memref_slice %arg6[%add3A_587, %dma_start3A_593] : memref<80x128xf32, #tpu.memory_space<hbm>> -> memref<1x32xf32, #tpu.memory_space<hbm>>
      %dma_start3A_595 = tpu.memref_squeeze %dma_start3A_594 : memref<1x32xf32, #tpu.memory_space<hbm>> -> memref<32xf32, #tpu.memory_space<hbm>>
      %dma_start3A_596 = arith.constant 0 : i32
      %dma_start3A_597 = tpu.memref_slice %arg16[%dma_start3A_596] : memref<96xf32, #tpu.memory_space<vmem>> -> memref<32xf32, #tpu.memory_space<vmem>>
      tpu.enqueue_dma source(%dma_start3A_597 : memref<32xf32, #tpu.memory_space<vmem>>) target(%dma_start3A_595 : memref<32xf32, #tpu.memory_space<hbm>>) target_semaphore(%arg24 : memref<!tpu.dma_semaphore, #tpu.memory_space<semaphore_mem>>)
      %add3A_598 = arith.constant 40 : i32
      %add3A_599 = arith.addi %add3A_598, %arg1 : i32
      %dma_start3A_600 = arith.constant 0 : i32
      %dma_start3A_601 = tpu.memref_slice %arg17[%dma_start3A_600] : memref<96xf32, #tpu.memory_space<vmem>> -> memref<32xf32, #tpu.memory_space<vmem>>
      %dma_start3A_602 = arith.constant 0 : i32
      %dma_start3A_603 = tpu.memref_slice %arg6[%add3A_599, %dma_start3A_602] : memref<80x128xf32, #tpu.memory_space<hbm>> -> memref<1x32xf32, #tpu.memory_space<hbm>>
      %dma_start3A_604 = tpu.memref_squeeze %dma_start3A_603 : memref<1x32xf32, #tpu.memory_space<hbm>> -> memref<32xf32, #tpu.memory_space<hbm>>
      %dma_start3A_605 = arith.constant 0 : i32
      %dma_start3A_606 = tpu.memref_slice %arg6[%add3A_599, %dma_start3A_605] : memref<80x128xf32, #tpu.memory_space<hbm>> -> memref<1x32xf32, #tpu.memory_space<hbm>>
      %dma_start3A_607 = tpu.memref_squeeze %dma_start3A_606 : memref<1x32xf32, #tpu.memory_space<hbm>> -> memref<32xf32, #tpu.memory_space<hbm>>
      %dma_start3A_608 = arith.constant 0 : i32
      %dma_start3A_609 = tpu.memref_slice %arg17[%dma_start3A_608] : memref<96xf32, #tpu.memory_space<vmem>> -> memref<32xf32, #tpu.memory_space<vmem>>
      tpu.enqueue_dma source(%dma_start3A_609 : memref<32xf32, #tpu.memory_space<vmem>>) target(%dma_start3A_607 : memref<32xf32, #tpu.memory_space<hbm>>) target_semaphore(%arg24 : memref<!tpu.dma_semaphore, #tpu.memory_space<semaphore_mem>>)
      %add3A_610 = arith.constant 48 : i32
      %add3A_611 = arith.addi %add3A_610, %arg1 : i32
      %dma_start3A_612 = arith.constant 0 : i32
      %dma_start3A_613 = tpu.memref_slice %arg18[%dma_start3A_612] : memref<96xf32, #tpu.memory_space<vmem>> -> memref<32xf32, #tpu.memory_space<vmem>>
      %dma_start3A_614 = arith.constant 0 : i32
      %dma_start3A_615 = tpu.memref_slice %arg6[%add3A_611, %dma_start3A_614] : memref<80x128xf32, #tpu.memory_space<hbm>> -> memref<1x32xf32, #tpu.memory_space<hbm>>
      %dma_start3A_616 = tpu.memref_squeeze %dma_start3A_615 : memref<1x32xf32, #tpu.memory_space<hbm>> -> memref<32xf32, #tpu.memory_space<hbm>>
      %dma_start3A_617 = arith.constant 0 : i32
      %dma_start3A_618 = tpu.memref_slice %arg6[%add3A_611, %dma_start3A_617] : memref<80x128xf32, #tpu.memory_space<hbm>> -> memref<1x32xf32, #tpu.memory_space<hbm>>
      %dma_start3A_619 = tpu.memref_squeeze %dma_start3A_618 : memref<1x32xf32, #tpu.memory_space<hbm>> -> memref<32xf32, #tpu.memory_space<hbm>>
      %dma_start3A_620 = arith.constant 0 : i32
      %dma_start3A_621 = tpu.memref_slice %arg18[%dma_start3A_620] : memref<96xf32, #tpu.memory_space<vmem>> -> memref<32xf32, #tpu.memory_space<vmem>>
      tpu.enqueue_dma source(%dma_start3A_621 : memref<32xf32, #tpu.memory_space<vmem>>) target(%dma_start3A_619 : memref<32xf32, #tpu.memory_space<hbm>>) target_semaphore(%arg24 : memref<!tpu.dma_semaphore, #tpu.memory_space<semaphore_mem>>)
      %add3A_622 = arith.constant 56 : i32
      %add3A_623 = arith.addi %add3A_622, %arg1 : i32
      %dma_start3A_624 = arith.constant 0 : i32
      %dma_start3A_625 = tpu.memref_slice %arg19[%dma_start3A_624] : memref<96xf32, #tpu.memory_space<vmem>> -> memref<32xf32, #tpu.memory_space<vmem>>
      %dma_start3A_626 = arith.constant 0 : i32
      %dma_start3A_627 = tpu.memref_slice %arg6[%add3A_623, %dma_start3A_626] : memref<80x128xf32, #tpu.memory_space<hbm>> -> memref<1x32xf32, #tpu.memory_space<hbm>>
      %dma_start3A_628 = tpu.memref_squeeze %dma_start3A_627 : memref<1x32xf32, #tpu.memory_space<hbm>> -> memref<32xf32, #tpu.memory_space<hbm>>
      %dma_start3A_629 = arith.constant 0 : i32
      %dma_start3A_630 = tpu.memref_slice %arg6[%add3A_623, %dma_start3A_629] : memref<80x128xf32, #tpu.memory_space<hbm>> -> memref<1x32xf32, #tpu.memory_space<hbm>>
      %dma_start3A_631 = tpu.memref_squeeze %dma_start3A_630 : memref<1x32xf32, #tpu.memory_space<hbm>> -> memref<32xf32, #tpu.memory_space<hbm>>
      %dma_start3A_632 = arith.constant 0 : i32
      %dma_start3A_633 = tpu.memref_slice %arg19[%dma_start3A_632] : memref<96xf32, #tpu.memory_space<vmem>> -> memref<32xf32, #tpu.memory_space<vmem>>
      tpu.enqueue_dma source(%dma_start3A_633 : memref<32xf32, #tpu.memory_space<vmem>>) target(%dma_start3A_631 : memref<32xf32, #tpu.memory_space<hbm>>) target_semaphore(%arg24 : memref<!tpu.dma_semaphore, #tpu.memory_space<semaphore_mem>>)
      %add3A_634 = arith.constant 64 : i32
      %add3A_635 = arith.addi %add3A_634, %arg1 : i32
      %dma_start3A_636 = arith.constant 0 : i32
      %dma_start3A_637 = tpu.memref_slice %arg20[%dma_start3A_636] : memref<96xf32, #tpu.memory_space<vmem>> -> memref<32xf32, #tpu.memory_space<vmem>>
      %dma_start3A_638 = arith.constant 0 : i32
      %dma_start3A_639 = tpu.memref_slice %arg6[%add3A_635, %dma_start3A_638] : memref<80x128xf32, #tpu.memory_space<hbm>> -> memref<1x32xf32, #tpu.memory_space<hbm>>
      %dma_start3A_640 = tpu.memref_squeeze %dma_start3A_639 : memref<1x32xf32, #tpu.memory_space<hbm>> -> memref<32xf32, #tpu.memory_space<hbm>>
      %dma_start3A_641 = arith.constant 0 : i32
      %dma_start3A_642 = tpu.memref_slice %arg6[%add3A_635, %dma_start3A_641] : memref<80x128xf32, #tpu.memory_space<hbm>> -> memref<1x32xf32, #tpu.memory_space<hbm>>
      %dma_start3A_643 = tpu.memref_squeeze %dma_start3A_642 : memref<1x32xf32, #tpu.memory_space<hbm>> -> memref<32xf32, #tpu.memory_space<hbm>>
      %dma_start3A_644 = arith.constant 0 : i32
      %dma_start3A_645 = tpu.memref_slice %arg20[%dma_start3A_644] : memref<96xf32, #tpu.memory_space<vmem>> -> memref<32xf32, #tpu.memory_space<vmem>>
      tpu.enqueue_dma source(%dma_start3A_645 : memref<32xf32, #tpu.memory_space<vmem>>) target(%dma_start3A_643 : memref<32xf32, #tpu.memory_space<hbm>>) target_semaphore(%arg24 : memref<!tpu.dma_semaphore, #tpu.memory_space<semaphore_mem>>)
      %add3A_646 = arith.constant 72 : i32
      %add3A_647 = arith.addi %add3A_646, %arg1 : i32
      %dma_start3A_648 = arith.constant 0 : i32
      %dma_start3A_649 = tpu.memref_slice %arg21[%dma_start3A_648] : memref<96xf32, #tpu.memory_space<vmem>> -> memref<32xf32, #tpu.memory_space<vmem>>
      %dma_start3A_650 = arith.constant 0 : i32
      %dma_start3A_651 = tpu.memref_slice %arg6[%add3A_647, %dma_start3A_650] : memref<80x128xf32, #tpu.memory_space<hbm>> -> memref<1x32xf32, #tpu.memory_space<hbm>>
      %dma_start3A_652 = tpu.memref_squeeze %dma_start3A_651 : memref<1x32xf32, #tpu.memory_space<hbm>> -> memref<32xf32, #tpu.memory_space<hbm>>
      %dma_start3A_653 = arith.constant 0 : i32
      %dma_start3A_654 = tpu.memref_slice %arg6[%add3A_647, %dma_start3A_653] : memref<80x128xf32, #tpu.memory_space<hbm>> -> memref<1x32xf32, #tpu.memory_space<hbm>>
      %dma_start3A_655 = tpu.memref_squeeze %dma_start3A_654 : memref<1x32xf32, #tpu.memory_space<hbm>> -> memref<32xf32, #tpu.memory_space<hbm>>
      %dma_start3A_656 = arith.constant 0 : i32
      %dma_start3A_657 = tpu.memref_slice %arg21[%dma_start3A_656] : memref<96xf32, #tpu.memory_space<vmem>> -> memref<32xf32, #tpu.memory_space<vmem>>
      tpu.enqueue_dma source(%dma_start3A_657 : memref<32xf32, #tpu.memory_space<vmem>>) target(%dma_start3A_655 : memref<32xf32, #tpu.memory_space<hbm>>) target_semaphore(%arg24 : memref<!tpu.dma_semaphore, #tpu.memory_space<semaphore_mem>>)
      %dma_wait3A_658 = arith.constant 0 : i32
      %dma_wait3A_659 = tpu.memref_slice %arg12[%dma_wait3A_658] : memref<96xf32, #tpu.memory_space<vmem>> -> memref<32xf32, #tpu.memory_space<vmem>>
      %dma_wait3A_660 = arith.constant 0 : i32
      %dma_wait3A_661 = tpu.memref_slice %arg6[%add3A_539, %dma_wait3A_660] : memref<80x128xf32, #tpu.memory_space<hbm>> -> memref<1x32xf32, #tpu.memory_space<hbm>>
      %dma_wait3A_662 = tpu.memref_squeeze %dma_wait3A_661 : memref<1x32xf32, #tpu.memory_space<hbm>> -> memref<32xf32, #tpu.memory_space<hbm>>
      %dma_wait3A_663 = arith.constant 0 : i32
      %dma_wait3A_664 = tpu.memref_slice %arg6[%add3A_539, %dma_wait3A_663] : memref<80x128xf32, #tpu.memory_space<hbm>> -> memref<1x32xf32, #tpu.memory_space<hbm>>
      %dma_wait3A_665 = tpu.memref_squeeze %dma_wait3A_664 : memref<1x32xf32, #tpu.memory_space<hbm>> -> memref<32xf32, #tpu.memory_space<hbm>>
      %dma_wait3A_666 = arith.constant 0 : i32
      %dma_wait3A_667 = tpu.memref_slice %arg12[%dma_wait3A_666] : memref<96xf32, #tpu.memory_space<vmem>> -> memref<32xf32, #tpu.memory_space<vmem>>
      tpu.wait_dma2 semaphore(%arg24 : memref<!tpu.dma_semaphore, #tpu.memory_space<semaphore_mem>>) src(%dma_wait3A_667 : memref<32xf32, #tpu.memory_space<vmem>>) dst(%dma_wait3A_665 : memref<32xf32, #tpu.memory_space<hbm>>)
      %dma_wait3A_668 = arith.constant 0 : i32
      %dma_wait3A_669 = tpu.memref_slice %arg13[%dma_wait3A_668] : memref<96xf32, #tpu.memory_space<vmem>> -> memref<32xf32, #tpu.memory_space<vmem>>
      %dma_wait3A_670 = arith.constant 0 : i32
      %dma_wait3A_671 = tpu.memref_slice %arg6[%add3A_551, %dma_wait3A_670] : memref<80x128xf32, #tpu.memory_space<hbm>> -> memref<1x32xf32, #tpu.memory_space<hbm>>
      %dma_wait3A_672 = tpu.memref_squeeze %dma_wait3A_671 : memref<1x32xf32, #tpu.memory_space<hbm>> -> memref<32xf32, #tpu.memory_space<hbm>>
      %dma_wait3A_673 = arith.constant 0 : i32
      %dma_wait3A_674 = tpu.memref_slice %arg6[%add3A_551, %dma_wait3A_673] : memref<80x128xf32, #tpu.memory_space<hbm>> -> memref<1x32xf32, #tpu.memory_space<hbm>>
      %dma_wait3A_675 = tpu.memref_squeeze %dma_wait3A_674 : memref<1x32xf32, #tpu.memory_space<hbm>> -> memref<32xf32, #tpu.memory_space<hbm>>
      %dma_wait3A_676 = arith.constant 0 : i32
      %dma_wait3A_677 = tpu.memref_slice %arg13[%dma_wait3A_676] : memref<96xf32, #tpu.memory_space<vmem>> -> memref<32xf32, #tpu.memory_space<vmem>>
      tpu.wait_dma2 semaphore(%arg24 : memref<!tpu.dma_semaphore, #tpu.memory_space<semaphore_mem>>) src(%dma_wait3A_677 : memref<32xf32, #tpu.memory_space<vmem>>) dst(%dma_wait3A_675 : memref<32xf32, #tpu.memory_space<hbm>>)
      %dma_wait3A_678 = arith.constant 0 : i32
      %dma_wait3A_679 = tpu.memref_slice %arg14[%dma_wait3A_678] : memref<96xf32, #tpu.memory_space<vmem>> -> memref<32xf32, #tpu.memory_space<vmem>>
      %dma_wait3A_680 = arith.constant 0 : i32
      %dma_wait3A_681 = tpu.memref_slice %arg6[%add3A_563, %dma_wait3A_680] : memref<80x128xf32, #tpu.memory_space<hbm>> -> memref<1x32xf32, #tpu.memory_space<hbm>>
      %dma_wait3A_682 = tpu.memref_squeeze %dma_wait3A_681 : memref<1x32xf32, #tpu.memory_space<hbm>> -> memref<32xf32, #tpu.memory_space<hbm>>
      %dma_wait3A_683 = arith.constant 0 : i32
      %dma_wait3A_684 = tpu.memref_slice %arg6[%add3A_563, %dma_wait3A_683] : memref<80x128xf32, #tpu.memory_space<hbm>> -> memref<1x32xf32, #tpu.memory_space<hbm>>
      %dma_wait3A_685 = tpu.memref_squeeze %dma_wait3A_684 : memref<1x32xf32, #tpu.memory_space<hbm>> -> memref<32xf32, #tpu.memory_space<hbm>>
      %dma_wait3A_686 = arith.constant 0 : i32
      %dma_wait3A_687 = tpu.memref_slice %arg14[%dma_wait3A_686] : memref<96xf32, #tpu.memory_space<vmem>> -> memref<32xf32, #tpu.memory_space<vmem>>
      tpu.wait_dma2 semaphore(%arg24 : memref<!tpu.dma_semaphore, #tpu.memory_space<semaphore_mem>>) src(%dma_wait3A_687 : memref<32xf32, #tpu.memory_space<vmem>>) dst(%dma_wait3A_685 : memref<32xf32, #tpu.memory_space<hbm>>)
      %dma_wait3A_688 = arith.constant 0 : i32
      %dma_wait3A_689 = tpu.memref_slice %arg15[%dma_wait3A_688] : memref<96xf32, #tpu.memory_space<vmem>> -> memref<32xf32, #tpu.memory_space<vmem>>
      %dma_wait3A_690 = arith.constant 0 : i32
      %dma_wait3A_691 = tpu.memref_slice %arg6[%add3A_575, %dma_wait3A_690] : memref<80x128xf32, #tpu.memory_space<hbm>> -> memref<1x32xf32, #tpu.memory_space<hbm>>
      %dma_wait3A_692 = tpu.memref_squeeze %dma_wait3A_691 : memref<1x32xf32, #tpu.memory_space<hbm>> -> memref<32xf32, #tpu.memory_space<hbm>>
      %dma_wait3A_693 = arith.constant 0 : i32
      %dma_wait3A_694 = tpu.memref_slice %arg6[%add3A_575, %dma_wait3A_693] : memref<80x128xf32, #tpu.memory_space<hbm>> -> memref<1x32xf32, #tpu.memory_space<hbm>>
      %dma_wait3A_695 = tpu.memref_squeeze %dma_wait3A_694 : memref<1x32xf32, #tpu.memory_space<hbm>> -> memref<32xf32, #tpu.memory_space<hbm>>
      %dma_wait3A_696 = arith.constant 0 : i32
      %dma_wait3A_697 = tpu.memref_slice %arg15[%dma_wait3A_696] : memref<96xf32, #tpu.memory_space<vmem>> -> memref<32xf32, #tpu.memory_space<vmem>>
      tpu.wait_dma2 semaphore(%arg24 : memref<!tpu.dma_semaphore, #tpu.memory_space<semaphore_mem>>) src(%dma_wait3A_697 : memref<32xf32, #tpu.memory_space<vmem>>) dst(%dma_wait3A_695 : memref<32xf32, #tpu.memory_space<hbm>>)
      %dma_wait3A_698 = arith.constant 0 : i32
      %dma_wait3A_699 = tpu.memref_slice %arg16[%dma_wait3A_698] : memref<96xf32, #tpu.memory_space<vmem>> -> memref<32xf32, #tpu.memory_space<vmem>>
      %dma_wait3A_700 = arith.constant 0 : i32
      %dma_wait3A_701 = tpu.memref_slice %arg6[%add3A_587, %dma_wait3A_700] : memref<80x128xf32, #tpu.memory_space<hbm>> -> memref<1x32xf32, #tpu.memory_space<hbm>>
      %dma_wait3A_702 = tpu.memref_squeeze %dma_wait3A_701 : memref<1x32xf32, #tpu.memory_space<hbm>> -> memref<32xf32, #tpu.memory_space<hbm>>
      %dma_wait3A_703 = arith.constant 0 : i32
      %dma_wait3A_704 = tpu.memref_slice %arg6[%add3A_587, %dma_wait3A_703] : memref<80x128xf32, #tpu.memory_space<hbm>> -> memref<1x32xf32, #tpu.memory_space<hbm>>
      %dma_wait3A_705 = tpu.memref_squeeze %dma_wait3A_704 : memref<1x32xf32, #tpu.memory_space<hbm>> -> memref<32xf32, #tpu.memory_space<hbm>>
      %dma_wait3A_706 = arith.constant 0 : i32
      %dma_wait3A_707 = tpu.memref_slice %arg16[%dma_wait3A_706] : memref<96xf32, #tpu.memory_space<vmem>> -> memref<32xf32, #tpu.memory_space<vmem>>
      tpu.wait_dma2 semaphore(%arg24 : memref<!tpu.dma_semaphore, #tpu.memory_space<semaphore_mem>>) src(%dma_wait3A_707 : memref<32xf32, #tpu.memory_space<vmem>>) dst(%dma_wait3A_705 : memref<32xf32, #tpu.memory_space<hbm>>)
      %dma_wait3A_708 = arith.constant 0 : i32
      %dma_wait3A_709 = tpu.memref_slice %arg17[%dma_wait3A_708] : memref<96xf32, #tpu.memory_space<vmem>> -> memref<32xf32, #tpu.memory_space<vmem>>
      %dma_wait3A_710 = arith.constant 0 : i32
      %dma_wait3A_711 = tpu.memref_slice %arg6[%add3A_599, %dma_wait3A_710] : memref<80x128xf32, #tpu.memory_space<hbm>> -> memref<1x32xf32, #tpu.memory_space<hbm>>
      %dma_wait3A_712 = tpu.memref_squeeze %dma_wait3A_711 : memref<1x32xf32, #tpu.memory_space<hbm>> -> memref<32xf32, #tpu.memory_space<hbm>>
      %dma_wait3A_713 = arith.constant 0 : i32
      %dma_wait3A_714 = tpu.memref_slice %arg6[%add3A_599, %dma_wait3A_713] : memref<80x128xf32, #tpu.memory_space<hbm>> -> memref<1x32xf32, #tpu.memory_space<hbm>>
      %dma_wait3A_715 = tpu.memref_squeeze %dma_wait3A_714 : memref<1x32xf32, #tpu.memory_space<hbm>> -> memref<32xf32, #tpu.memory_space<hbm>>
      %dma_wait3A_716 = arith.constant 0 : i32
      %dma_wait3A_717 = tpu.memref_slice %arg17[%dma_wait3A_716] : memref<96xf32, #tpu.memory_space<vmem>> -> memref<32xf32, #tpu.memory_space<vmem>>
      tpu.wait_dma2 semaphore(%arg24 : memref<!tpu.dma_semaphore, #tpu.memory_space<semaphore_mem>>) src(%dma_wait3A_717 : memref<32xf32, #tpu.memory_space<vmem>>) dst(%dma_wait3A_715 : memref<32xf32, #tpu.memory_space<hbm>>)
      %dma_wait3A_718 = arith.constant 0 : i32
      %dma_wait3A_719 = tpu.memref_slice %arg18[%dma_wait3A_718] : memref<96xf32, #tpu.memory_space<vmem>> -> memref<32xf32, #tpu.memory_space<vmem>>
      %dma_wait3A_720 = arith.constant 0 : i32
      %dma_wait3A_721 = tpu.memref_slice %arg6[%add3A_611, %dma_wait3A_720] : memref<80x128xf32, #tpu.memory_space<hbm>> -> memref<1x32xf32, #tpu.memory_space<hbm>>
      %dma_wait3A_722 = tpu.memref_squeeze %dma_wait3A_721 : memref<1x32xf32, #tpu.memory_space<hbm>> -> memref<32xf32, #tpu.memory_space<hbm>>
      %dma_wait3A_723 = arith.constant 0 : i32
      %dma_wait3A_724 = tpu.memref_slice %arg6[%add3A_611, %dma_wait3A_723] : memref<80x128xf32, #tpu.memory_space<hbm>> -> memref<1x32xf32, #tpu.memory_space<hbm>>
      %dma_wait3A_725 = tpu.memref_squeeze %dma_wait3A_724 : memref<1x32xf32, #tpu.memory_space<hbm>> -> memref<32xf32, #tpu.memory_space<hbm>>
      %dma_wait3A_726 = arith.constant 0 : i32
      %dma_wait3A_727 = tpu.memref_slice %arg18[%dma_wait3A_726] : memref<96xf32, #tpu.memory_space<vmem>> -> memref<32xf32, #tpu.memory_space<vmem>>
      tpu.wait_dma2 semaphore(%arg24 : memref<!tpu.dma_semaphore, #tpu.memory_space<semaphore_mem>>) src(%dma_wait3A_727 : memref<32xf32, #tpu.memory_space<vmem>>) dst(%dma_wait3A_725 : memref<32xf32, #tpu.memory_space<hbm>>)
      %dma_wait3A_728 = arith.constant 0 : i32
      %dma_wait3A_729 = tpu.memref_slice %arg19[%dma_wait3A_728] : memref<96xf32, #tpu.memory_space<vmem>> -> memref<32xf32, #tpu.memory_space<vmem>>
      %dma_wait3A_730 = arith.constant 0 : i32
      %dma_wait3A_731 = tpu.memref_slice %arg6[%add3A_623, %dma_wait3A_730] : memref<80x128xf32, #tpu.memory_space<hbm>> -> memref<1x32xf32, #tpu.memory_space<hbm>>
      %dma_wait3A_732 = tpu.memref_squeeze %dma_wait3A_731 : memref<1x32xf32, #tpu.memory_space<hbm>> -> memref<32xf32, #tpu.memory_space<hbm>>
      %dma_wait3A_733 = arith.constant 0 : i32
      %dma_wait3A_734 = tpu.memref_slice %arg6[%add3A_623, %dma_wait3A_733] : memref<80x128xf32, #tpu.memory_space<hbm>> -> memref<1x32xf32, #tpu.memory_space<hbm>>
      %dma_wait3A_735 = tpu.memref_squeeze %dma_wait3A_734 : memref<1x32xf32, #tpu.memory_space<hbm>> -> memref<32xf32, #tpu.memory_space<hbm>>
      %dma_wait3A_736 = arith.constant 0 : i32
      %dma_wait3A_737 = tpu.memref_slice %arg19[%dma_wait3A_736] : memref<96xf32, #tpu.memory_space<vmem>> -> memref<32xf32, #tpu.memory_space<vmem>>
      tpu.wait_dma2 semaphore(%arg24 : memref<!tpu.dma_semaphore, #tpu.memory_space<semaphore_mem>>) src(%dma_wait3A_737 : memref<32xf32, #tpu.memory_space<vmem>>) dst(%dma_wait3A_735 : memref<32xf32, #tpu.memory_space<hbm>>)
      %dma_wait3A_738 = arith.constant 0 : i32
      %dma_wait3A_739 = tpu.memref_slice %arg20[%dma_wait3A_738] : memref<96xf32, #tpu.memory_space<vmem>> -> memref<32xf32, #tpu.memory_space<vmem>>
      %dma_wait3A_740 = arith.constant 0 : i32
      %dma_wait3A_741 = tpu.memref_slice %arg6[%add3A_635, %dma_wait3A_740] : memref<80x128xf32, #tpu.memory_space<hbm>> -> memref<1x32xf32, #tpu.memory_space<hbm>>
      %dma_wait3A_742 = tpu.memref_squeeze %dma_wait3A_741 : memref<1x32xf32, #tpu.memory_space<hbm>> -> memref<32xf32, #tpu.memory_space<hbm>>
      %dma_wait3A_743 = arith.constant 0 : i32
      %dma_wait3A_744 = tpu.memref_slice %arg6[%add3A_635, %dma_wait3A_743] : memref<80x128xf32, #tpu.memory_space<hbm>> -> memref<1x32xf32, #tpu.memory_space<hbm>>
      %dma_wait3A_745 = tpu.memref_squeeze %dma_wait3A_744 : memref<1x32xf32, #tpu.memory_space<hbm>> -> memref<32xf32, #tpu.memory_space<hbm>>
      %dma_wait3A_746 = arith.constant 0 : i32
      %dma_wait3A_747 = tpu.memref_slice %arg20[%dma_wait3A_746] : memref<96xf32, #tpu.memory_space<vmem>> -> memref<32xf32, #tpu.memory_space<vmem>>
      tpu.wait_dma2 semaphore(%arg24 : memref<!tpu.dma_semaphore, #tpu.memory_space<semaphore_mem>>) src(%dma_wait3A_747 : memref<32xf32, #tpu.memory_space<vmem>>) dst(%dma_wait3A_745 : memref<32xf32, #tpu.memory_space<hbm>>)
      %dma_wait3A_748 = arith.constant 0 : i32
      %dma_wait3A_749 = tpu.memref_slice %arg21[%dma_wait3A_748] : memref<96xf32, #tpu.memory_space<vmem>> -> memref<32xf32, #tpu.memory_space<vmem>>
      %dma_wait3A_750 = arith.constant 0 : i32
      %dma_wait3A_751 = tpu.memref_slice %arg6[%add3A_647, %dma_wait3A_750] : memref<80x128xf32, #tpu.memory_space<hbm>> -> memref<1x32xf32, #tpu.memory_space<hbm>>
      %dma_wait3A_752 = tpu.memref_squeeze %dma_wait3A_751 : memref<1x32xf32, #tpu.memory_space<hbm>> -> memref<32xf32, #tpu.memory_space<hbm>>
      %dma_wait3A_753 = arith.constant 0 : i32
      %dma_wait3A_754 = tpu.memref_slice %arg6[%add3A_647, %dma_wait3A_753] : memref<80x128xf32, #tpu.memory_space<hbm>> -> memref<1x32xf32, #tpu.memory_space<hbm>>
      %dma_wait3A_755 = tpu.memref_squeeze %dma_wait3A_754 : memref<1x32xf32, #tpu.memory_space<hbm>> -> memref<32xf32, #tpu.memory_space<hbm>>
      %dma_wait3A_756 = arith.constant 0 : i32
      %dma_wait3A_757 = tpu.memref_slice %arg21[%dma_wait3A_756] : memref<96xf32, #tpu.memory_space<vmem>> -> memref<32xf32, #tpu.memory_space<vmem>>
      tpu.wait_dma2 semaphore(%arg24 : memref<!tpu.dma_semaphore, #tpu.memory_space<semaphore_mem>>) src(%dma_wait3A_757 : memref<32xf32, #tpu.memory_space<vmem>>) dst(%dma_wait3A_755 : memref<32xf32, #tpu.memory_space<hbm>>)
    } else {
    }
    %lt3A_3 = arith.constant 8 : i32
    %lt3A_4 = arith.cmpi slt, %arg1, %lt3A_3 : i32
    %eq3A_5 = arith.constant 1 : i32
    %eq3A_6 = arith.cmpi eq, %arg0, %eq3A_5 : i32
    %and3A_7 = arith.andi %lt3A_4, %eq3A_6 : i1
    %convert_element_type3A_8 = arith.extui %and3A_7 : i1 to i32
    %cond3A_9 = arith.constant 0 : i32
    %cond3A_10 = arith.cmpi ne, %convert_element_type3A_8, %cond3A_9 : i32
    scf.if %cond3A_10 {
      %dma_start3A = arith.constant 0 : i32
      %dma_start3A_11 = tpu.memref_slice %arg2[%arg1, %dma_start3A] : memref<8x12288xi32, #tpu.memory_space<hbm>> -> memref<1x12288xi32, #tpu.memory_space<hbm>>
      %dma_start3A_12 = tpu.memref_squeeze %dma_start3A_11 : memref<1x12288xi32, #tpu.memory_space<hbm>> -> memref<12288xi32, #tpu.memory_space<hbm>>
      %dma_start3A_13 = arith.constant 0 : i32
      %dma_start3A_14 = tpu.memref_slice %arg2[%arg1, %dma_start3A_13] : memref<8x12288xi32, #tpu.memory_space<hbm>> -> memref<1x12288xi32, #tpu.memory_space<hbm>>
      %dma_start3A_15 = tpu.memref_squeeze %dma_start3A_14 : memref<1x12288xi32, #tpu.memory_space<hbm>> -> memref<12288xi32, #tpu.memory_space<hbm>>
      tpu.enqueue_dma source(%dma_start3A_15 : memref<12288xi32, #tpu.memory_space<hbm>>) target(%arg7 : memref<12288xi32, #tpu.memory_space<vmem>>) target_semaphore(%arg22 : memref<!tpu.dma_semaphore, #tpu.memory_space<semaphore_mem>>)
      %dma_start3A_16 = arith.constant 0 : i32
      %dma_start3A_17 = tpu.memref_slice %arg3[%arg1, %dma_start3A_16] : memref<8x12112xi32, #tpu.memory_space<hbm>> -> memref<1x12112xi32, #tpu.memory_space<hbm>>
      %dma_start3A_18 = tpu.memref_squeeze %dma_start3A_17 : memref<1x12112xi32, #tpu.memory_space<hbm>> -> memref<12112xi32, #tpu.memory_space<hbm>>
      %dma_start3A_19 = arith.constant 0 : i32
      %dma_start3A_20 = tpu.memref_slice %arg3[%arg1, %dma_start3A_19] : memref<8x12112xi32, #tpu.memory_space<hbm>> -> memref<1x12112xi32, #tpu.memory_space<hbm>>
      %dma_start3A_21 = tpu.memref_squeeze %dma_start3A_20 : memref<1x12112xi32, #tpu.memory_space<hbm>> -> memref<12112xi32, #tpu.memory_space<hbm>>
      tpu.enqueue_dma source(%dma_start3A_21 : memref<12112xi32, #tpu.memory_space<hbm>>) target(%arg8 : memref<12112xi32, #tpu.memory_space<vmem>>) target_semaphore(%arg22 : memref<!tpu.dma_semaphore, #tpu.memory_space<semaphore_mem>>)
      %dma_start3A_22 = arith.constant 0 : i32
      %dma_start3A_23 = tpu.memref_slice %arg4[%arg1, %dma_start3A_22] : memref<8x49152xf32, #tpu.memory_space<hbm>> -> memref<1x49152xf32, #tpu.memory_space<hbm>>
      %dma_start3A_24 = tpu.memref_squeeze %dma_start3A_23 : memref<1x49152xf32, #tpu.memory_space<hbm>> -> memref<49152xf32, #tpu.memory_space<hbm>>
      %dma_start3A_25 = arith.constant 0 : i32
      %dma_start3A_26 = tpu.memref_slice %arg4[%arg1, %dma_start3A_25] : memref<8x49152xf32, #tpu.memory_space<hbm>> -> memref<1x49152xf32, #tpu.memory_space<hbm>>
      %dma_start3A_27 = tpu.memref_squeeze %dma_start3A_26 : memref<1x49152xf32, #tpu.memory_space<hbm>> -> memref<49152xf32, #tpu.memory_space<hbm>>
      tpu.enqueue_dma source(%dma_start3A_27 : memref<49152xf32, #tpu.memory_space<hbm>>) target(%arg9 : memref<49152xf32, #tpu.memory_space<vmem>>) target_semaphore(%arg23 : memref<!tpu.dma_semaphore, #tpu.memory_space<semaphore_mem>>)
      %dma_wait3A = arith.constant 0 : i32
      %dma_wait3A_28 = tpu.memref_slice %arg2[%arg1, %dma_wait3A] : memref<8x12288xi32, #tpu.memory_space<hbm>> -> memref<1x12288xi32, #tpu.memory_space<hbm>>
      %dma_wait3A_29 = tpu.memref_squeeze %dma_wait3A_28 : memref<1x12288xi32, #tpu.memory_space<hbm>> -> memref<12288xi32, #tpu.memory_space<hbm>>
      %dma_wait3A_30 = arith.constant 0 : i32
      %dma_wait3A_31 = tpu.memref_slice %arg2[%arg1, %dma_wait3A_30] : memref<8x12288xi32, #tpu.memory_space<hbm>> -> memref<1x12288xi32, #tpu.memory_space<hbm>>
      %dma_wait3A_32 = tpu.memref_squeeze %dma_wait3A_31 : memref<1x12288xi32, #tpu.memory_space<hbm>> -> memref<12288xi32, #tpu.memory_space<hbm>>
      tpu.wait_dma2 semaphore(%arg22 : memref<!tpu.dma_semaphore, #tpu.memory_space<semaphore_mem>>) src(%dma_wait3A_32 : memref<12288xi32, #tpu.memory_space<hbm>>) dst(%arg7 : memref<12288xi32, #tpu.memory_space<vmem>>)
      %dma_wait3A_33 = arith.constant 0 : i32
      %dma_wait3A_34 = tpu.memref_slice %arg3[%arg1, %dma_wait3A_33] : memref<8x12112xi32, #tpu.memory_space<hbm>> -> memref<1x12112xi32, #tpu.memory_space<hbm>>
      %dma_wait3A_35 = tpu.memref_squeeze %dma_wait3A_34 : memref<1x12112xi32, #tpu.memory_space<hbm>> -> memref<12112xi32, #tpu.memory_space<hbm>>
      %dma_wait3A_36 = arith.constant 0 : i32
      %dma_wait3A_37 = tpu.memref_slice %arg3[%arg1, %dma_wait3A_36] : memref<8x12112xi32, #tpu.memory_space<hbm>> -> memref<1x12112xi32, #tpu.memory_space<hbm>>
      %dma_wait3A_38 = tpu.memref_squeeze %dma_wait3A_37 : memref<1x12112xi32, #tpu.memory_space<hbm>> -> memref<12112xi32, #tpu.memory_space<hbm>>
      tpu.wait_dma2 semaphore(%arg22 : memref<!tpu.dma_semaphore, #tpu.memory_space<semaphore_mem>>) src(%dma_wait3A_38 : memref<12112xi32, #tpu.memory_space<hbm>>) dst(%arg8 : memref<12112xi32, #tpu.memory_space<vmem>>)
      %while3A = arith.constant 0 : i32
      %while3A_39 = arith.constant 0 : i32
      %while3A_40:2 = scf.while (%while3A_476 = %while3A, %while3A_477 = %while3A_39) : (i32, i32) -> (i32, i32) {
        %lt3A_478 = arith.constant 757 : i32
        %lt3A_479 = arith.cmpi slt, %while3A_476, %lt3A_478 : i32
        %lt3A_480 = arith.constant 96 : i32
        %lt3A_481 = arith.cmpi slt, %while3A_477, %lt3A_480 : i32
        %and3A_482 = arith.andi %lt3A_479, %lt3A_481 : i1
        scf.condition(%and3A_482) %while3A_476, %while3A_477 : i32, i32
      } do {
      ^bb0(%while3A_476: i32, %while3A_477: i32):
        %mul3A = arith.constant 16 : i32
        %mul3A_478 = arith.muli %while3A_476, %mul3A : i32
        %get3A_479 = arith.index_cast %mul3A_478 : i32 to index
        %get3A_480 = tpu.vector_load %arg8[%get3A_479] {strides = array<i32>} : memref<12112xi32, #tpu.memory_space<vmem>>, vector<16xi32>,
        %gather3A_481 = tpu.vector_load_idx %arg7[%get3A_480] : memref<12288xi32, #tpu.memory_space<vmem>>[vector<16xi32>], vector<16xi32>,
        %shift_right_arithmetic3A = arith.constant 9 : i32
        %shift_right_arithmetic3A_482 = vector.broadcast %shift_right_arithmetic3A : i32 to vector<16xi32>
        %shift_right_arithmetic3A_483 = arith.shrsi %gather3A_481, %shift_right_arithmetic3A_482 : vector<16xi32>
        %and3A_484 = arith.constant 1 : i32
        %and3A_485 = vector.broadcast %and3A_484 : i32 to vector<16xi32>
        %and3A_486 = arith.andi %shift_right_arithmetic3A_483, %and3A_485 : vector<16xi32>
        %broadcast_in_dim3A_487 = arith.constant true
        %broadcast_in_dim3A_488 = vector.broadcast %broadcast_in_dim3A_487 : i1 to vector<16xi1>
        %masked_cumsum3A = tpu.scan <sum>, %and3A_486 masked %broadcast_in_dim3A_488 : vector<16xi32>, vector<16xi1> -> vector<16xi32>
        %add3A_489 = vector.broadcast %while3A_477 : i32 to vector<16xi32>
        %add3A_490 = arith.addi %add3A_489, %masked_cumsum3A : vector<16xi32>
        %sub3A = arith.constant 1 : i32
        %sub3A_491 = vector.broadcast %sub3A : i32 to vector<16xi32>
        %sub3A_492 = arith.subi %add3A_490, %sub3A_491 : vector<16xi32>
        %gt3A = arith.constant 0 : i32
        %gt3A_493 = vector.broadcast %gt3A : i32 to vector<16xi32>
        %gt3A_494 = arith.cmpi sgt, %and3A_486, %gt3A_493 : vector<16xi32>
        %lt3A_495 = arith.constant 96 : i32
        %lt3A_496 = vector.broadcast %lt3A_495 : i32 to vector<16xi32>
        %lt3A_497 = arith.cmpi slt, %sub3A_492, %lt3A_496 : vector<16xi32>
        %and3A_498 = arith.andi %gt3A_494, %lt3A_497 : vector<16xi1>
        %min3A = arith.constant 95 : i32
        %min3A_499 = vector.broadcast %min3A : i32 to vector<16xi32>
        %min3A_500 = arith.minsi %sub3A_492, %min3A_499 : vector<16xi32>
        tpu.vector_store_idx %arg11[%min3A_500], %get3A_480 masked %and3A_498 : memref<96xi32, #tpu.memory_space<vmem>>[vector<16xi32>], vector<16xi32>, vector<16xi1>
        %add3A_501 = arith.constant 1 : i32
        %add3A_502 = arith.addi %while3A_476, %add3A_501 : i32
        %reduce_sum3A = arith.constant true
        %reduce_sum3A_503 = vector.broadcast %reduce_sum3A : i1 to vector<16xi1>
        %reduce_sum3A_504 = tpu.scan <sum>, %and3A_486 masked %reduce_sum3A_503 : vector<16xi32>, vector<16xi1> -> vector<16xi32>
        %reduce_sum3A_505 = vector.extract %reduce_sum3A_504[15] : i32 from vector<16xi32>
        %add3A_506 = arith.addi %while3A_477, %reduce_sum3A_505 : i32
        scf.yield %add3A_502, %add3A_506 : i32, i32
      }
      %while3A_41 = arith.constant 0 : i32
      %while3A_42:2 = scf.while (%while3A_476 = %while3A_41, %while3A_477 = %while3A_40#1) : (i32, i32) -> (i32, i32) {
        %lt3A_478 = arith.constant 757 : i32
        %lt3A_479 = arith.cmpi slt, %while3A_476, %lt3A_478 : i32
        %lt3A_480 = arith.constant 96 : i32
        %lt3A_481 = arith.cmpi slt, %while3A_477, %lt3A_480 : i32
        %and3A_482 = arith.andi %lt3A_479, %lt3A_481 : i1
        scf.condition(%and3A_482) %while3A_476, %while3A_477 : i32, i32
      } do {
      ^bb0(%while3A_476: i32, %while3A_477: i32):
        %mul3A = arith.constant 16 : i32
        %mul3A_478 = arith.muli %while3A_476, %mul3A : i32
        %iota3A = tpu.iota {dimensions = array<i32: 0>} : vector<16xi32>
        %add3A_479 = vector.broadcast %mul3A_478 : i32 to vector<16xi32>
        %add3A_480 = arith.addi %add3A_479, %iota3A : vector<16xi32>
        %mul3A_481 = arith.constant 16 : i32
        %mul3A_482 = arith.muli %while3A_476, %mul3A_481 : i32
        %get3A_483 = arith.index_cast %mul3A_482 : i32 to index
        %get3A_484 = tpu.vector_load %arg7[%get3A_483] {strides = array<i32>} : memref<12288xi32, #tpu.memory_space<vmem>>, vector<16xi32>,
        %shift_right_arithmetic3A = arith.constant 9 : i32
        %shift_right_arithmetic3A_485 = vector.broadcast %shift_right_arithmetic3A : i32 to vector<16xi32>
        %shift_right_arithmetic3A_486 = arith.shrsi %get3A_484, %shift_right_arithmetic3A_485 : vector<16xi32>
        %and3A_487 = arith.constant 1 : i32
        %and3A_488 = vector.broadcast %and3A_487 : i32 to vector<16xi32>
        %and3A_489 = arith.andi %shift_right_arithmetic3A_486, %and3A_488 : vector<16xi32>
        %eq3A_490 = arith.constant 0 : i32
        %eq3A_491 = vector.broadcast %eq3A_490 : i32 to vector<16xi32>
        %eq3A_492 = arith.cmpi eq, %and3A_489, %eq3A_491 : vector<16xi32>
        %lt3A_493 = arith.constant 12100 : i32
        %lt3A_494 = vector.broadcast %lt3A_493 : i32 to vector<16xi32>
        %lt3A_495 = arith.cmpi slt, %add3A_480, %lt3A_494 : vector<16xi32>
        %and3A_496 = arith.andi %eq3A_492, %lt3A_495 : vector<16xi1>
        %convert_element_type3A_497 = arith.extui %and3A_496 : vector<16xi1> to vector<16xi32>
        %broadcast_in_dim3A_498 = arith.constant true
        %broadcast_in_dim3A_499 = vector.broadcast %broadcast_in_dim3A_498 : i1 to vector<16xi1>
        %masked_cumsum3A = tpu.scan <sum>, %convert_element_type3A_497 masked %broadcast_in_dim3A_499 : vector<16xi32>, vector<16xi1> -> vector<16xi32>
        %add3A_500 = vector.broadcast %while3A_477 : i32 to vector<16xi32>
        %add3A_501 = arith.addi %add3A_500, %masked_cumsum3A : vector<16xi32>
        %sub3A = arith.constant 1 : i32
        %sub3A_502 = vector.broadcast %sub3A : i32 to vector<16xi32>
        %sub3A_503 = arith.subi %add3A_501, %sub3A_502 : vector<16xi32>
        %lt3A_504 = arith.constant 96 : i32
        %lt3A_505 = vector.broadcast %lt3A_504 : i32 to vector<16xi32>
        %lt3A_506 = arith.cmpi slt, %sub3A_503, %lt3A_505 : vector<16xi32>
        %and3A_507 = arith.andi %and3A_496, %lt3A_506 : vector<16xi1>
        %min3A = arith.constant 95 : i32
        %min3A_508 = vector.broadcast %min3A : i32 to vector<16xi32>
        %min3A_509 = arith.minsi %sub3A_503, %min3A_508 : vector<16xi32>
        tpu.vector_store_idx %arg11[%min3A_509], %add3A_480 masked %and3A_507 : memref<96xi32, #tpu.memory_space<vmem>>[vector<16xi32>], vector<16xi32>, vector<16xi1>
        %add3A_510 = arith.constant 1 : i32
        %add3A_511 = arith.addi %while3A_476, %add3A_510 : i32
        %reduce_sum3A = arith.constant true
        %reduce_sum3A_512 = vector.broadcast %reduce_sum3A : i1 to vector<16xi1>
        %reduce_sum3A_513 = tpu.scan <sum>, %convert_element_type3A_497 masked %reduce_sum3A_512 : vector<16xi32>, vector<16xi1> -> vector<16xi32>
        %reduce_sum3A_514 = vector.extract %reduce_sum3A_513[15] : i32 from vector<16xi32>
        %add3A_515 = arith.addi %while3A_477, %reduce_sum3A_514 : i32
        scf.yield %add3A_511, %add3A_515 : i32, i32
      }
      %dma_wait3A_43 = arith.constant 0 : i32
      %dma_wait3A_44 = tpu.memref_slice %arg4[%arg1, %dma_wait3A_43] : memref<8x49152xf32, #tpu.memory_space<hbm>> -> memref<1x49152xf32, #tpu.memory_space<hbm>>
      %dma_wait3A_45 = tpu.memref_squeeze %dma_wait3A_44 : memref<1x49152xf32, #tpu.memory_space<hbm>> -> memref<49152xf32, #tpu.memory_space<hbm>>
      %dma_wait3A_46 = arith.constant 0 : i32
      %dma_wait3A_47 = tpu.memref_slice %arg4[%arg1, %dma_wait3A_46] : memref<8x49152xf32, #tpu.memory_space<hbm>> -> memref<1x49152xf32, #tpu.memory_space<hbm>>
      %dma_wait3A_48 = tpu.memref_squeeze %dma_wait3A_47 : memref<1x49152xf32, #tpu.memory_space<hbm>> -> memref<49152xf32, #tpu.memory_space<hbm>>
      tpu.wait_dma2 semaphore(%arg23 : memref<!tpu.dma_semaphore, #tpu.memory_space<semaphore_mem>>) src(%dma_wait3A_48 : memref<49152xf32, #tpu.memory_space<hbm>>) dst(%arg9 : memref<49152xf32, #tpu.memory_space<vmem>>)
      %broadcast_in_dim3A = arith.constant 0.000000e+00 : f32
      %broadcast_in_dim3A_49 = vector.broadcast %broadcast_in_dim3A : f32 to vector<16xf32>
      %get3A = arith.constant 0 : index
      %get3A_50 = tpu.vector_load %arg11[%get3A] {strides = array<i32>} : memref<96xi32, #tpu.memory_space<vmem>>, vector<16xi32>,
      %gather3A = tpu.vector_load_idx %arg9[%get3A_50] : memref<49152xf32, #tpu.memory_space<vmem>>[vector<16xi32>], vector<16xf32>,
      %swap3A = arith.constant 0 : index
      %swap3A_51 = tpu.vector_load %arg12[%swap3A] {strides = array<i32>} : memref<96xf32, #tpu.memory_space<vmem>>, vector<16xf32>,
      tpu.vector_store %arg12[%swap3A], %gather3A {strides = array<i32>} : memref<96xf32, #tpu.memory_space<vmem>>, vector<16xf32>,
      %add3A = arith.constant 12288 : i32
      %add3A_52 = vector.broadcast %add3A : i32 to vector<16xi32>
      %add3A_53 = arith.addi %get3A_50, %add3A_52 : vector<16xi32>
      %gather3A_54 = tpu.vector_load_idx %arg9[%add3A_53] : memref<49152xf32, #tpu.memory_space<vmem>>[vector<16xi32>], vector<16xf32>,
      %swap3A_55 = arith.constant 0 : index
      %swap3A_56 = tpu.vector_load %arg13[%swap3A_55] {strides = array<i32>} : memref<96xf32, #tpu.memory_space<vmem>>, vector<16xf32>,
      tpu.vector_store %arg13[%swap3A_55], %gather3A_54 {strides = array<i32>} : memref<96xf32, #tpu.memory_space<vmem>>, vector<16xf32>,
      %add3A_57 = arith.constant 24576 : i32
      %add3A_58 = vector.broadcast %add3A_57 : i32 to vector<16xi32>
      %add3A_59 = arith.addi %get3A_50, %add3A_58 : vector<16xi32>
      %gather3A_60 = tpu.vector_load_idx %arg9[%add3A_59] : memref<49152xf32, #tpu.memory_space<vmem>>[vector<16xi32>], vector<16xf32>,
      %swap3A_61 = arith.constant 0 : index
      %swap3A_62 = tpu.vector_load %arg14[%swap3A_61] {strides = array<i32>} : memref<96xf32, #tpu.memory_space<vmem>>, vector<16xf32>,
      tpu.vector_store %arg14[%swap3A_61], %gather3A_60 {strides = array<i32>} : memref<96xf32, #tpu.memory_space<vmem>>, vector<16xf32>,
      %add3A_63 = arith.constant 36864 : i32
      %add3A_64 = vector.broadcast %add3A_63 : i32 to vector<16xi32>
      %add3A_65 = arith.addi %get3A_50, %add3A_64 : vector<16xi32>
      %gather3A_66 = tpu.vector_load_idx %arg9[%add3A_65] : memref<49152xf32, #tpu.memory_space<vmem>>[vector<16xi32>], vector<16xf32>,
      %swap3A_67 = arith.constant 0 : index
      %swap3A_68 = tpu.vector_load %arg15[%swap3A_67] {strides = array<i32>} : memref<96xf32, #tpu.memory_space<vmem>>, vector<16xf32>,
      tpu.vector_store %arg15[%swap3A_67], %gather3A_66 {strides = array<i32>} : memref<96xf32, #tpu.memory_space<vmem>>, vector<16xf32>,
      %swap3A_69 = arith.constant 0 : index
      %swap3A_70 = tpu.vector_load %arg16[%swap3A_69] {strides = array<i32>} : memref<96xf32, #tpu.memory_space<vmem>>, vector<16xf32>,
      tpu.vector_store %arg16[%swap3A_69], %broadcast_in_dim3A_49 {strides = array<i32>} : memref<96xf32, #tpu.memory_space<vmem>>, vector<16xf32>,
      %swap3A_71 = arith.constant 0 : index
      %swap3A_72 = tpu.vector_load %arg17[%swap3A_71] {strides = array<i32>} : memref<96xf32, #tpu.memory_space<vmem>>, vector<16xf32>,
      tpu.vector_store %arg17[%swap3A_71], %broadcast_in_dim3A_49 {strides = array<i32>} : memref<96xf32, #tpu.memory_space<vmem>>, vector<16xf32>,
      %swap3A_73 = arith.constant 0 : index
      %swap3A_74 = tpu.vector_load %arg18[%swap3A_73] {strides = array<i32>} : memref<96xf32, #tpu.memory_space<vmem>>, vector<16xf32>,
      tpu.vector_store %arg18[%swap3A_73], %broadcast_in_dim3A_49 {strides = array<i32>} : memref<96xf32, #tpu.memory_space<vmem>>, vector<16xf32>,
      %swap3A_75 = arith.constant 0 : index
      %swap3A_76 = tpu.vector_load %arg19[%swap3A_75] {strides = array<i32>} : memref<96xf32, #tpu.memory_space<vmem>>, vector<16xf32>,
      tpu.vector_store %arg19[%swap3A_75], %broadcast_in_dim3A_49 {strides = array<i32>} : memref<96xf32, #tpu.memory_space<vmem>>, vector<16xf32>,
      %swap3A_77 = arith.constant 0 : index
      %swap3A_78 = tpu.vector_load %arg20[%swap3A_77] {strides = array<i32>} : memref<96xf32, #tpu.memory_space<vmem>>, vector<16xf32>,
      tpu.vector_store %arg20[%swap3A_77], %broadcast_in_dim3A_49 {strides = array<i32>} : memref<96xf32, #tpu.memory_space<vmem>>, vector<16xf32>,
      %swap3A_79 = arith.constant 0 : index
      %swap3A_80 = tpu.vector_load %arg21[%swap3A_79] {strides = array<i32>} : memref<96xf32, #tpu.memory_space<vmem>>, vector<16xf32>,
      tpu.vector_store %arg21[%swap3A_79], %broadcast_in_dim3A_49 {strides = array<i32>} : memref<96xf32, #tpu.memory_space<vmem>>, vector<16xf32>,
      %get3A_81 = arith.constant 16 : index
      %get3A_82 = tpu.vector_load %arg11[%get3A_81] {strides = array<i32>} : memref<96xi32, #tpu.memory_space<vmem>>, vector<16xi32>,
      %gather3A_83 = tpu.vector_load_idx %arg9[%get3A_82] : memref<49152xf32, #tpu.memory_space<vmem>>[vector<16xi32>], vector<16xf32>,
      %swap3A_84 = arith.constant 16 : index
      %swap3A_85 = tpu.vector_load %arg12[%swap3A_84] {strides = array<i32>} : memref<96xf32, #tpu.memory_space<vmem>>, vector<16xf32>,
      tpu.vector_store %arg12[%swap3A_84], %gather3A_83 {strides = array<i32>} : memref<96xf32, #tpu.memory_space<vmem>>, vector<16xf32>,
      %add3A_86 = arith.constant 12288 : i32
      %add3A_87 = vector.broadcast %add3A_86 : i32 to vector<16xi32>
      %add3A_88 = arith.addi %get3A_82, %add3A_87 : vector<16xi32>
      %gather3A_89 = tpu.vector_load_idx %arg9[%add3A_88] : memref<49152xf32, #tpu.memory_space<vmem>>[vector<16xi32>], vector<16xf32>,
      %swap3A_90 = arith.constant 16 : index
      %swap3A_91 = tpu.vector_load %arg13[%swap3A_90] {strides = array<i32>} : memref<96xf32, #tpu.memory_space<vmem>>, vector<16xf32>,
      tpu.vector_store %arg13[%swap3A_90], %gather3A_89 {strides = array<i32>} : memref<96xf32, #tpu.memory_space<vmem>>, vector<16xf32>,
      %add3A_92 = arith.constant 24576 : i32
      %add3A_93 = vector.broadcast %add3A_92 : i32 to vector<16xi32>
      %add3A_94 = arith.addi %get3A_82, %add3A_93 : vector<16xi32>
      %gather3A_95 = tpu.vector_load_idx %arg9[%add3A_94] : memref<49152xf32, #tpu.memory_space<vmem>>[vector<16xi32>], vector<16xf32>,
      %swap3A_96 = arith.constant 16 : index
      %swap3A_97 = tpu.vector_load %arg14[%swap3A_96] {strides = array<i32>} : memref<96xf32, #tpu.memory_space<vmem>>, vector<16xf32>,
      tpu.vector_store %arg14[%swap3A_96], %gather3A_95 {strides = array<i32>} : memref<96xf32, #tpu.memory_space<vmem>>, vector<16xf32>,
      %add3A_98 = arith.constant 36864 : i32
      %add3A_99 = vector.broadcast %add3A_98 : i32 to vector<16xi32>
      %add3A_100 = arith.addi %get3A_82, %add3A_99 : vector<16xi32>
      %gather3A_101 = tpu.vector_load_idx %arg9[%add3A_100] : memref<49152xf32, #tpu.memory_space<vmem>>[vector<16xi32>], vector<16xf32>,
      %swap3A_102 = arith.constant 16 : index
      %swap3A_103 = tpu.vector_load %arg15[%swap3A_102] {strides = array<i32>} : memref<96xf32, #tpu.memory_space<vmem>>, vector<16xf32>,
      tpu.vector_store %arg15[%swap3A_102], %gather3A_101 {strides = array<i32>} : memref<96xf32, #tpu.memory_space<vmem>>, vector<16xf32>,
      %swap3A_104 = arith.constant 16 : index
      %swap3A_105 = tpu.vector_load %arg16[%swap3A_104] {strides = array<i32>} : memref<96xf32, #tpu.memory_space<vmem>>, vector<16xf32>,
      tpu.vector_store %arg16[%swap3A_104], %broadcast_in_dim3A_49 {strides = array<i32>} : memref<96xf32, #tpu.memory_space<vmem>>, vector<16xf32>,
      %swap3A_106 = arith.constant 16 : index
      %swap3A_107 = tpu.vector_load %arg17[%swap3A_106] {strides = array<i32>} : memref<96xf32, #tpu.memory_space<vmem>>, vector<16xf32>,
      tpu.vector_store %arg17[%swap3A_106], %broadcast_in_dim3A_49 {strides = array<i32>} : memref<96xf32, #tpu.memory_space<vmem>>, vector<16xf32>,
      %swap3A_108 = arith.constant 16 : index
      %swap3A_109 = tpu.vector_load %arg18[%swap3A_108] {strides = array<i32>} : memref<96xf32, #tpu.memory_space<vmem>>, vector<16xf32>,
      tpu.vector_store %arg18[%swap3A_108], %broadcast_in_dim3A_49 {strides = array<i32>} : memref<96xf32, #tpu.memory_space<vmem>>, vector<16xf32>,
      %swap3A_110 = arith.constant 16 : index
      %swap3A_111 = tpu.vector_load %arg19[%swap3A_110] {strides = array<i32>} : memref<96xf32, #tpu.memory_space<vmem>>, vector<16xf32>,
      tpu.vector_store %arg19[%swap3A_110], %broadcast_in_dim3A_49 {strides = array<i32>} : memref<96xf32, #tpu.memory_space<vmem>>, vector<16xf32>,
      %swap3A_112 = arith.constant 16 : index
      %swap3A_113 = tpu.vector_load %arg20[%swap3A_112] {strides = array<i32>} : memref<96xf32, #tpu.memory_space<vmem>>, vector<16xf32>,
      tpu.vector_store %arg20[%swap3A_112], %broadcast_in_dim3A_49 {strides = array<i32>} : memref<96xf32, #tpu.memory_space<vmem>>, vector<16xf32>,
      %swap3A_114 = arith.constant 16 : index
      %swap3A_115 = tpu.vector_load %arg21[%swap3A_114] {strides = array<i32>} : memref<96xf32, #tpu.memory_space<vmem>>, vector<16xf32>,
      tpu.vector_store %arg21[%swap3A_114], %broadcast_in_dim3A_49 {strides = array<i32>} : memref<96xf32, #tpu.memory_space<vmem>>, vector<16xf32>,
      %get3A_116 = arith.constant 32 : index
      %get3A_117 = tpu.vector_load %arg11[%get3A_116] {strides = array<i32>} : memref<96xi32, #tpu.memory_space<vmem>>, vector<16xi32>,
      %gather3A_118 = tpu.vector_load_idx %arg9[%get3A_117] : memref<49152xf32, #tpu.memory_space<vmem>>[vector<16xi32>], vector<16xf32>,
      %swap3A_119 = arith.constant 32 : index
      %swap3A_120 = tpu.vector_load %arg12[%swap3A_119] {strides = array<i32>} : memref<96xf32, #tpu.memory_space<vmem>>, vector<16xf32>,
      tpu.vector_store %arg12[%swap3A_119], %gather3A_118 {strides = array<i32>} : memref<96xf32, #tpu.memory_space<vmem>>, vector<16xf32>,
      %add3A_121 = arith.constant 12288 : i32
      %add3A_122 = vector.broadcast %add3A_121 : i32 to vector<16xi32>
      %add3A_123 = arith.addi %get3A_117, %add3A_122 : vector<16xi32>
      %gather3A_124 = tpu.vector_load_idx %arg9[%add3A_123] : memref<49152xf32, #tpu.memory_space<vmem>>[vector<16xi32>], vector<16xf32>,
      %swap3A_125 = arith.constant 32 : index
      %swap3A_126 = tpu.vector_load %arg13[%swap3A_125] {strides = array<i32>} : memref<96xf32, #tpu.memory_space<vmem>>, vector<16xf32>,
      tpu.vector_store %arg13[%swap3A_125], %gather3A_124 {strides = array<i32>} : memref<96xf32, #tpu.memory_space<vmem>>, vector<16xf32>,
      %add3A_127 = arith.constant 24576 : i32
      %add3A_128 = vector.broadcast %add3A_127 : i32 to vector<16xi32>
      %add3A_129 = arith.addi %get3A_117, %add3A_128 : vector<16xi32>
      %gather3A_130 = tpu.vector_load_idx %arg9[%add3A_129] : memref<49152xf32, #tpu.memory_space<vmem>>[vector<16xi32>], vector<16xf32>,
      %swap3A_131 = arith.constant 32 : index
      %swap3A_132 = tpu.vector_load %arg14[%swap3A_131] {strides = array<i32>} : memref<96xf32, #tpu.memory_space<vmem>>, vector<16xf32>,
      tpu.vector_store %arg14[%swap3A_131], %gather3A_130 {strides = array<i32>} : memref<96xf32, #tpu.memory_space<vmem>>, vector<16xf32>,
      %add3A_133 = arith.constant 36864 : i32
      %add3A_134 = vector.broadcast %add3A_133 : i32 to vector<16xi32>
      %add3A_135 = arith.addi %get3A_117, %add3A_134 : vector<16xi32>
      %gather3A_136 = tpu.vector_load_idx %arg9[%add3A_135] : memref<49152xf32, #tpu.memory_space<vmem>>[vector<16xi32>], vector<16xf32>,
      %swap3A_137 = arith.constant 32 : index
      %swap3A_138 = tpu.vector_load %arg15[%swap3A_137] {strides = array<i32>} : memref<96xf32, #tpu.memory_space<vmem>>, vector<16xf32>,
      tpu.vector_store %arg15[%swap3A_137], %gather3A_136 {strides = array<i32>} : memref<96xf32, #tpu.memory_space<vmem>>, vector<16xf32>,
      %swap3A_139 = arith.constant 32 : index
      %swap3A_140 = tpu.vector_load %arg16[%swap3A_139] {strides = array<i32>} : memref<96xf32, #tpu.memory_space<vmem>>, vector<16xf32>,
      tpu.vector_store %arg16[%swap3A_139], %broadcast_in_dim3A_49 {strides = array<i32>} : memref<96xf32, #tpu.memory_space<vmem>>, vector<16xf32>,
      %swap3A_141 = arith.constant 32 : index
      %swap3A_142 = tpu.vector_load %arg17[%swap3A_141] {strides = array<i32>} : memref<96xf32, #tpu.memory_space<vmem>>, vector<16xf32>,
      tpu.vector_store %arg17[%swap3A_141], %broadcast_in_dim3A_49 {strides = array<i32>} : memref<96xf32, #tpu.memory_space<vmem>>, vector<16xf32>,
      %swap3A_143 = arith.constant 32 : index
      %swap3A_144 = tpu.vector_load %arg18[%swap3A_143] {strides = array<i32>} : memref<96xf32, #tpu.memory_space<vmem>>, vector<16xf32>,
      tpu.vector_store %arg18[%swap3A_143], %broadcast_in_dim3A_49 {strides = array<i32>} : memref<96xf32, #tpu.memory_space<vmem>>, vector<16xf32>,
      %swap3A_145 = arith.constant 32 : index
      %swap3A_146 = tpu.vector_load %arg19[%swap3A_145] {strides = array<i32>} : memref<96xf32, #tpu.memory_space<vmem>>, vector<16xf32>,
      tpu.vector_store %arg19[%swap3A_145], %broadcast_in_dim3A_49 {strides = array<i32>} : memref<96xf32, #tpu.memory_space<vmem>>, vector<16xf32>,
      %swap3A_147 = arith.constant 32 : index
      %swap3A_148 = tpu.vector_load %arg20[%swap3A_147] {strides = array<i32>} : memref<96xf32, #tpu.memory_space<vmem>>, vector<16xf32>,
      tpu.vector_store %arg20[%swap3A_147], %broadcast_in_dim3A_49 {strides = array<i32>} : memref<96xf32, #tpu.memory_space<vmem>>, vector<16xf32>,
      %swap3A_149 = arith.constant 32 : index
      %swap3A_150 = tpu.vector_load %arg21[%swap3A_149] {strides = array<i32>} : memref<96xf32, #tpu.memory_space<vmem>>, vector<16xf32>,
      tpu.vector_store %arg21[%swap3A_149], %broadcast_in_dim3A_49 {strides = array<i32>} : memref<96xf32, #tpu.memory_space<vmem>>, vector<16xf32>,
      %get3A_151 = arith.constant 48 : index
      %get3A_152 = tpu.vector_load %arg11[%get3A_151] {strides = array<i32>} : memref<96xi32, #tpu.memory_space<vmem>>, vector<16xi32>,
      %gather3A_153 = tpu.vector_load_idx %arg9[%get3A_152] : memref<49152xf32, #tpu.memory_space<vmem>>[vector<16xi32>], vector<16xf32>,
      %swap3A_154 = arith.constant 48 : index
      %swap3A_155 = tpu.vector_load %arg12[%swap3A_154] {strides = array<i32>} : memref<96xf32, #tpu.memory_space<vmem>>, vector<16xf32>,
      tpu.vector_store %arg12[%swap3A_154], %gather3A_153 {strides = array<i32>} : memref<96xf32, #tpu.memory_space<vmem>>, vector<16xf32>,
      %add3A_156 = arith.constant 12288 : i32
      %add3A_157 = vector.broadcast %add3A_156 : i32 to vector<16xi32>
      %add3A_158 = arith.addi %get3A_152, %add3A_157 : vector<16xi32>
      %gather3A_159 = tpu.vector_load_idx %arg9[%add3A_158] : memref<49152xf32, #tpu.memory_space<vmem>>[vector<16xi32>], vector<16xf32>,
      %swap3A_160 = arith.constant 48 : index
      %swap3A_161 = tpu.vector_load %arg13[%swap3A_160] {strides = array<i32>} : memref<96xf32, #tpu.memory_space<vmem>>, vector<16xf32>,
      tpu.vector_store %arg13[%swap3A_160], %gather3A_159 {strides = array<i32>} : memref<96xf32, #tpu.memory_space<vmem>>, vector<16xf32>,
      %add3A_162 = arith.constant 24576 : i32
      %add3A_163 = vector.broadcast %add3A_162 : i32 to vector<16xi32>
      %add3A_164 = arith.addi %get3A_152, %add3A_163 : vector<16xi32>
      %gather3A_165 = tpu.vector_load_idx %arg9[%add3A_164] : memref<49152xf32, #tpu.memory_space<vmem>>[vector<16xi32>], vector<16xf32>,
      %swap3A_166 = arith.constant 48 : index
      %swap3A_167 = tpu.vector_load %arg14[%swap3A_166] {strides = array<i32>} : memref<96xf32, #tpu.memory_space<vmem>>, vector<16xf32>,
      tpu.vector_store %arg14[%swap3A_166], %gather3A_165 {strides = array<i32>} : memref<96xf32, #tpu.memory_space<vmem>>, vector<16xf32>,
      %add3A_168 = arith.constant 36864 : i32
      %add3A_169 = vector.broadcast %add3A_168 : i32 to vector<16xi32>
      %add3A_170 = arith.addi %get3A_152, %add3A_169 : vector<16xi32>
      %gather3A_171 = tpu.vector_load_idx %arg9[%add3A_170] : memref<49152xf32, #tpu.memory_space<vmem>>[vector<16xi32>], vector<16xf32>,
      %swap3A_172 = arith.constant 48 : index
      %swap3A_173 = tpu.vector_load %arg15[%swap3A_172] {strides = array<i32>} : memref<96xf32, #tpu.memory_space<vmem>>, vector<16xf32>,
      tpu.vector_store %arg15[%swap3A_172], %gather3A_171 {strides = array<i32>} : memref<96xf32, #tpu.memory_space<vmem>>, vector<16xf32>,
      %swap3A_174 = arith.constant 48 : index
      %swap3A_175 = tpu.vector_load %arg16[%swap3A_174] {strides = array<i32>} : memref<96xf32, #tpu.memory_space<vmem>>, vector<16xf32>,
      tpu.vector_store %arg16[%swap3A_174], %broadcast_in_dim3A_49 {strides = array<i32>} : memref<96xf32, #tpu.memory_space<vmem>>, vector<16xf32>,
      %swap3A_176 = arith.constant 48 : index
      %swap3A_177 = tpu.vector_load %arg17[%swap3A_176] {strides = array<i32>} : memref<96xf32, #tpu.memory_space<vmem>>, vector<16xf32>,
      tpu.vector_store %arg17[%swap3A_176], %broadcast_in_dim3A_49 {strides = array<i32>} : memref<96xf32, #tpu.memory_space<vmem>>, vector<16xf32>,
      %swap3A_178 = arith.constant 48 : index
      %swap3A_179 = tpu.vector_load %arg18[%swap3A_178] {strides = array<i32>} : memref<96xf32, #tpu.memory_space<vmem>>, vector<16xf32>,
      tpu.vector_store %arg18[%swap3A_178], %broadcast_in_dim3A_49 {strides = array<i32>} : memref<96xf32, #tpu.memory_space<vmem>>, vector<16xf32>,
      %swap3A_180 = arith.constant 48 : index
      %swap3A_181 = tpu.vector_load %arg19[%swap3A_180] {strides = array<i32>} : memref<96xf32, #tpu.memory_space<vmem>>, vector<16xf32>,
      tpu.vector_store %arg19[%swap3A_180], %broadcast_in_dim3A_49 {strides = array<i32>} : memref<96xf32, #tpu.memory_space<vmem>>, vector<16xf32>,
      %swap3A_182 = arith.constant 48 : index
      %swap3A_183 = tpu.vector_load %arg20[%swap3A_182] {strides = array<i32>} : memref<96xf32, #tpu.memory_space<vmem>>, vector<16xf32>,
      tpu.vector_store %arg20[%swap3A_182], %broadcast_in_dim3A_49 {strides = array<i32>} : memref<96xf32, #tpu.memory_space<vmem>>, vector<16xf32>,
      %swap3A_184 = arith.constant 48 : index
      %swap3A_185 = tpu.vector_load %arg21[%swap3A_184] {strides = array<i32>} : memref<96xf32, #tpu.memory_space<vmem>>, vector<16xf32>,
      tpu.vector_store %arg21[%swap3A_184], %broadcast_in_dim3A_49 {strides = array<i32>} : memref<96xf32, #tpu.memory_space<vmem>>, vector<16xf32>,
      %get3A_186 = arith.constant 64 : index
      %get3A_187 = tpu.vector_load %arg11[%get3A_186] {strides = array<i32>} : memref<96xi32, #tpu.memory_space<vmem>>, vector<16xi32>,
      %gather3A_188 = tpu.vector_load_idx %arg9[%get3A_187] : memref<49152xf32, #tpu.memory_space<vmem>>[vector<16xi32>], vector<16xf32>,
      %swap3A_189 = arith.constant 64 : index
      %swap3A_190 = tpu.vector_load %arg12[%swap3A_189] {strides = array<i32>} : memref<96xf32, #tpu.memory_space<vmem>>, vector<16xf32>,
      tpu.vector_store %arg12[%swap3A_189], %gather3A_188 {strides = array<i32>} : memref<96xf32, #tpu.memory_space<vmem>>, vector<16xf32>,
      %add3A_191 = arith.constant 12288 : i32
      %add3A_192 = vector.broadcast %add3A_191 : i32 to vector<16xi32>
      %add3A_193 = arith.addi %get3A_187, %add3A_192 : vector<16xi32>
      %gather3A_194 = tpu.vector_load_idx %arg9[%add3A_193] : memref<49152xf32, #tpu.memory_space<vmem>>[vector<16xi32>], vector<16xf32>,
      %swap3A_195 = arith.constant 64 : index
      %swap3A_196 = tpu.vector_load %arg13[%swap3A_195] {strides = array<i32>} : memref<96xf32, #tpu.memory_space<vmem>>, vector<16xf32>,
      tpu.vector_store %arg13[%swap3A_195], %gather3A_194 {strides = array<i32>} : memref<96xf32, #tpu.memory_space<vmem>>, vector<16xf32>,
      %add3A_197 = arith.constant 24576 : i32
      %add3A_198 = vector.broadcast %add3A_197 : i32 to vector<16xi32>
      %add3A_199 = arith.addi %get3A_187, %add3A_198 : vector<16xi32>
      %gather3A_200 = tpu.vector_load_idx %arg9[%add3A_199] : memref<49152xf32, #tpu.memory_space<vmem>>[vector<16xi32>], vector<16xf32>,
      %swap3A_201 = arith.constant 64 : index
      %swap3A_202 = tpu.vector_load %arg14[%swap3A_201] {strides = array<i32>} : memref<96xf32, #tpu.memory_space<vmem>>, vector<16xf32>,
      tpu.vector_store %arg14[%swap3A_201], %gather3A_200 {strides = array<i32>} : memref<96xf32, #tpu.memory_space<vmem>>, vector<16xf32>,
      %add3A_203 = arith.constant 36864 : i32
      %add3A_204 = vector.broadcast %add3A_203 : i32 to vector<16xi32>
      %add3A_205 = arith.addi %get3A_187, %add3A_204 : vector<16xi32>
      %gather3A_206 = tpu.vector_load_idx %arg9[%add3A_205] : memref<49152xf32, #tpu.memory_space<vmem>>[vector<16xi32>], vector<16xf32>,
      %swap3A_207 = arith.constant 64 : index
      %swap3A_208 = tpu.vector_load %arg15[%swap3A_207] {strides = array<i32>} : memref<96xf32, #tpu.memory_space<vmem>>, vector<16xf32>,
      tpu.vector_store %arg15[%swap3A_207], %gather3A_206 {strides = array<i32>} : memref<96xf32, #tpu.memory_space<vmem>>, vector<16xf32>,
      %swap3A_209 = arith.constant 64 : index
      %swap3A_210 = tpu.vector_load %arg16[%swap3A_209] {strides = array<i32>} : memref<96xf32, #tpu.memory_space<vmem>>, vector<16xf32>,
      tpu.vector_store %arg16[%swap3A_209], %broadcast_in_dim3A_49 {strides = array<i32>} : memref<96xf32, #tpu.memory_space<vmem>>, vector<16xf32>,
      %swap3A_211 = arith.constant 64 : index
      %swap3A_212 = tpu.vector_load %arg17[%swap3A_211] {strides = array<i32>} : memref<96xf32, #tpu.memory_space<vmem>>, vector<16xf32>,
      tpu.vector_store %arg17[%swap3A_211], %broadcast_in_dim3A_49 {strides = array<i32>} : memref<96xf32, #tpu.memory_space<vmem>>, vector<16xf32>,
      %swap3A_213 = arith.constant 64 : index
      %swap3A_214 = tpu.vector_load %arg18[%swap3A_213] {strides = array<i32>} : memref<96xf32, #tpu.memory_space<vmem>>, vector<16xf32>,
      tpu.vector_store %arg18[%swap3A_213], %broadcast_in_dim3A_49 {strides = array<i32>} : memref<96xf32, #tpu.memory_space<vmem>>, vector<16xf32>,
      %swap3A_215 = arith.constant 64 : index
      %swap3A_216 = tpu.vector_load %arg19[%swap3A_215] {strides = array<i32>} : memref<96xf32, #tpu.memory_space<vmem>>, vector<16xf32>,
      tpu.vector_store %arg19[%swap3A_215], %broadcast_in_dim3A_49 {strides = array<i32>} : memref<96xf32, #tpu.memory_space<vmem>>, vector<16xf32>,
      %swap3A_217 = arith.constant 64 : index
      %swap3A_218 = tpu.vector_load %arg20[%swap3A_217] {strides = array<i32>} : memref<96xf32, #tpu.memory_space<vmem>>, vector<16xf32>,
      tpu.vector_store %arg20[%swap3A_217], %broadcast_in_dim3A_49 {strides = array<i32>} : memref<96xf32, #tpu.memory_space<vmem>>, vector<16xf32>,
      %swap3A_219 = arith.constant 64 : index
      %swap3A_220 = tpu.vector_load %arg21[%swap3A_219] {strides = array<i32>} : memref<96xf32, #tpu.memory_space<vmem>>, vector<16xf32>,
      tpu.vector_store %arg21[%swap3A_219], %broadcast_in_dim3A_49 {strides = array<i32>} : memref<96xf32, #tpu.memory_space<vmem>>, vector<16xf32>,
      %get3A_221 = arith.constant 80 : index
      %get3A_222 = tpu.vector_load %arg11[%get3A_221] {strides = array<i32>} : memref<96xi32, #tpu.memory_space<vmem>>, vector<16xi32>,
      %gather3A_223 = tpu.vector_load_idx %arg9[%get3A_222] : memref<49152xf32, #tpu.memory_space<vmem>>[vector<16xi32>], vector<16xf32>,
      %swap3A_224 = arith.constant 80 : index
      %swap3A_225 = tpu.vector_load %arg12[%swap3A_224] {strides = array<i32>} : memref<96xf32, #tpu.memory_space<vmem>>, vector<16xf32>,
      tpu.vector_store %arg12[%swap3A_224], %gather3A_223 {strides = array<i32>} : memref<96xf32, #tpu.memory_space<vmem>>, vector<16xf32>,
      %add3A_226 = arith.constant 12288 : i32
      %add3A_227 = vector.broadcast %add3A_226 : i32 to vector<16xi32>
      %add3A_228 = arith.addi %get3A_222, %add3A_227 : vector<16xi32>
      %gather3A_229 = tpu.vector_load_idx %arg9[%add3A_228] : memref<49152xf32, #tpu.memory_space<vmem>>[vector<16xi32>], vector<16xf32>,
      %swap3A_230 = arith.constant 80 : index
      %swap3A_231 = tpu.vector_load %arg13[%swap3A_230] {strides = array<i32>} : memref<96xf32, #tpu.memory_space<vmem>>, vector<16xf32>,
      tpu.vector_store %arg13[%swap3A_230], %gather3A_229 {strides = array<i32>} : memref<96xf32, #tpu.memory_space<vmem>>, vector<16xf32>,
      %add3A_232 = arith.constant 24576 : i32
      %add3A_233 = vector.broadcast %add3A_232 : i32 to vector<16xi32>
      %add3A_234 = arith.addi %get3A_222, %add3A_233 : vector<16xi32>
      %gather3A_235 = tpu.vector_load_idx %arg9[%add3A_234] : memref<49152xf32, #tpu.memory_space<vmem>>[vector<16xi32>], vector<16xf32>,
      %swap3A_236 = arith.constant 80 : index
      %swap3A_237 = tpu.vector_load %arg14[%swap3A_236] {strides = array<i32>} : memref<96xf32, #tpu.memory_space<vmem>>, vector<16xf32>,
      tpu.vector_store %arg14[%swap3A_236], %gather3A_235 {strides = array<i32>} : memref<96xf32, #tpu.memory_space<vmem>>, vector<16xf32>,
      %add3A_238 = arith.constant 36864 : i32
      %add3A_239 = vector.broadcast %add3A_238 : i32 to vector<16xi32>
      %add3A_240 = arith.addi %get3A_222, %add3A_239 : vector<16xi32>
      %gather3A_241 = tpu.vector_load_idx %arg9[%add3A_240] : memref<49152xf32, #tpu.memory_space<vmem>>[vector<16xi32>], vector<16xf32>,
      %swap3A_242 = arith.constant 80 : index
      %swap3A_243 = tpu.vector_load %arg15[%swap3A_242] {strides = array<i32>} : memref<96xf32, #tpu.memory_space<vmem>>, vector<16xf32>,
      tpu.vector_store %arg15[%swap3A_242], %gather3A_241 {strides = array<i32>} : memref<96xf32, #tpu.memory_space<vmem>>, vector<16xf32>,
      %swap3A_244 = arith.constant 80 : index
      %swap3A_245 = tpu.vector_load %arg16[%swap3A_244] {strides = array<i32>} : memref<96xf32, #tpu.memory_space<vmem>>, vector<16xf32>,
      tpu.vector_store %arg16[%swap3A_244], %broadcast_in_dim3A_49 {strides = array<i32>} : memref<96xf32, #tpu.memory_space<vmem>>, vector<16xf32>,
      %swap3A_246 = arith.constant 80 : index
      %swap3A_247 = tpu.vector_load %arg17[%swap3A_246] {strides = array<i32>} : memref<96xf32, #tpu.memory_space<vmem>>, vector<16xf32>,
      tpu.vector_store %arg17[%swap3A_246], %broadcast_in_dim3A_49 {strides = array<i32>} : memref<96xf32, #tpu.memory_space<vmem>>, vector<16xf32>,
      %swap3A_248 = arith.constant 80 : index
      %swap3A_249 = tpu.vector_load %arg18[%swap3A_248] {strides = array<i32>} : memref<96xf32, #tpu.memory_space<vmem>>, vector<16xf32>,
      tpu.vector_store %arg18[%swap3A_248], %broadcast_in_dim3A_49 {strides = array<i32>} : memref<96xf32, #tpu.memory_space<vmem>>, vector<16xf32>,
      %swap3A_250 = arith.constant 80 : index
      %swap3A_251 = tpu.vector_load %arg19[%swap3A_250] {strides = array<i32>} : memref<96xf32, #tpu.memory_space<vmem>>, vector<16xf32>,
      tpu.vector_store %arg19[%swap3A_250], %broadcast_in_dim3A_49 {strides = array<i32>} : memref<96xf32, #tpu.memory_space<vmem>>, vector<16xf32>,
      %swap3A_252 = arith.constant 80 : index
      %swap3A_253 = tpu.vector_load %arg20[%swap3A_252] {strides = array<i32>} : memref<96xf32, #tpu.memory_space<vmem>>, vector<16xf32>,
      tpu.vector_store %arg20[%swap3A_252], %broadcast_in_dim3A_49 {strides = array<i32>} : memref<96xf32, #tpu.memory_space<vmem>>, vector<16xf32>,
      %swap3A_254 = arith.constant 80 : index
      %swap3A_255 = tpu.vector_load %arg21[%swap3A_254] {strides = array<i32>} : memref<96xf32, #tpu.memory_space<vmem>>, vector<16xf32>,
      tpu.vector_store %arg21[%swap3A_254], %broadcast_in_dim3A_49 {strides = array<i32>} : memref<96xf32, #tpu.memory_space<vmem>>, vector<16xf32>,
      %add3A_256 = arith.constant 0 : i32
      %add3A_257 = arith.addi %add3A_256, %arg1 : i32
      %dma_start3A_258 = arith.constant 0 : i32
      %dma_start3A_259 = tpu.memref_slice %arg12[%dma_start3A_258] : memref<96xf32, #tpu.memory_space<vmem>> -> memref<96xf32, #tpu.memory_space<vmem>>
      %dma_start3A_260 = arith.constant 32 : i32
      %dma_start3A_261 = tpu.memref_slice %arg6[%add3A_257, %dma_start3A_260] : memref<80x128xf32, #tpu.memory_space<hbm>> -> memref<1x96xf32, #tpu.memory_space<hbm>>
      %dma_start3A_262 = tpu.memref_squeeze %dma_start3A_261 : memref<1x96xf32, #tpu.memory_space<hbm>> -> memref<96xf32, #tpu.memory_space<hbm>>
      %dma_start3A_263 = arith.constant 32 : i32
      %dma_start3A_264 = tpu.memref_slice %arg6[%add3A_257, %dma_start3A_263] : memref<80x128xf32, #tpu.memory_space<hbm>> -> memref<1x96xf32, #tpu.memory_space<hbm>>
      %dma_start3A_265 = tpu.memref_squeeze %dma_start3A_264 : memref<1x96xf32, #tpu.memory_space<hbm>> -> memref<96xf32, #tpu.memory_space<hbm>>
      %dma_start3A_266 = arith.constant 0 : i32
      %dma_start3A_267 = tpu.memref_slice %arg12[%dma_start3A_266] : memref<96xf32, #tpu.memory_space<vmem>> -> memref<96xf32, #tpu.memory_space<vmem>>
      tpu.enqueue_dma source(%dma_start3A_267 : memref<96xf32, #tpu.memory_space<vmem>>) target(%dma_start3A_265 : memref<96xf32, #tpu.memory_space<hbm>>) target_semaphore(%arg24 : memref<!tpu.dma_semaphore, #tpu.memory_space<semaphore_mem>>)
      %add3A_268 = arith.constant 8 : i32
      %add3A_269 = arith.addi %add3A_268, %arg1 : i32
      %dma_start3A_270 = arith.constant 0 : i32
      %dma_start3A_271 = tpu.memref_slice %arg13[%dma_start3A_270] : memref<96xf32, #tpu.memory_space<vmem>> -> memref<96xf32, #tpu.memory_space<vmem>>
      %dma_start3A_272 = arith.constant 32 : i32
      %dma_start3A_273 = tpu.memref_slice %arg6[%add3A_269, %dma_start3A_272] : memref<80x128xf32, #tpu.memory_space<hbm>> -> memref<1x96xf32, #tpu.memory_space<hbm>>
      %dma_start3A_274 = tpu.memref_squeeze %dma_start3A_273 : memref<1x96xf32, #tpu.memory_space<hbm>> -> memref<96xf32, #tpu.memory_space<hbm>>
      %dma_start3A_275 = arith.constant 32 : i32
      %dma_start3A_276 = tpu.memref_slice %arg6[%add3A_269, %dma_start3A_275] : memref<80x128xf32, #tpu.memory_space<hbm>> -> memref<1x96xf32, #tpu.memory_space<hbm>>
      %dma_start3A_277 = tpu.memref_squeeze %dma_start3A_276 : memref<1x96xf32, #tpu.memory_space<hbm>> -> memref<96xf32, #tpu.memory_space<hbm>>
      %dma_start3A_278 = arith.constant 0 : i32
      %dma_start3A_279 = tpu.memref_slice %arg13[%dma_start3A_278] : memref<96xf32, #tpu.memory_space<vmem>> -> memref<96xf32, #tpu.memory_space<vmem>>
      tpu.enqueue_dma source(%dma_start3A_279 : memref<96xf32, #tpu.memory_space<vmem>>) target(%dma_start3A_277 : memref<96xf32, #tpu.memory_space<hbm>>) target_semaphore(%arg24 : memref<!tpu.dma_semaphore, #tpu.memory_space<semaphore_mem>>)
      %add3A_280 = arith.constant 16 : i32
      %add3A_281 = arith.addi %add3A_280, %arg1 : i32
      %dma_start3A_282 = arith.constant 0 : i32
      %dma_start3A_283 = tpu.memref_slice %arg14[%dma_start3A_282] : memref<96xf32, #tpu.memory_space<vmem>> -> memref<96xf32, #tpu.memory_space<vmem>>
      %dma_start3A_284 = arith.constant 32 : i32
      %dma_start3A_285 = tpu.memref_slice %arg6[%add3A_281, %dma_start3A_284] : memref<80x128xf32, #tpu.memory_space<hbm>> -> memref<1x96xf32, #tpu.memory_space<hbm>>
      %dma_start3A_286 = tpu.memref_squeeze %dma_start3A_285 : memref<1x96xf32, #tpu.memory_space<hbm>> -> memref<96xf32, #tpu.memory_space<hbm>>
      %dma_start3A_287 = arith.constant 32 : i32
      %dma_start3A_288 = tpu.memref_slice %arg6[%add3A_281, %dma_start3A_287] : memref<80x128xf32, #tpu.memory_space<hbm>> -> memref<1x96xf32, #tpu.memory_space<hbm>>
      %dma_start3A_289 = tpu.memref_squeeze %dma_start3A_288 : memref<1x96xf32, #tpu.memory_space<hbm>> -> memref<96xf32, #tpu.memory_space<hbm>>
      %dma_start3A_290 = arith.constant 0 : i32
      %dma_start3A_291 = tpu.memref_slice %arg14[%dma_start3A_290] : memref<96xf32, #tpu.memory_space<vmem>> -> memref<96xf32, #tpu.memory_space<vmem>>
      tpu.enqueue_dma source(%dma_start3A_291 : memref<96xf32, #tpu.memory_space<vmem>>) target(%dma_start3A_289 : memref<96xf32, #tpu.memory_space<hbm>>) target_semaphore(%arg24 : memref<!tpu.dma_semaphore, #tpu.memory_space<semaphore_mem>>)
      %add3A_292 = arith.constant 24 : i32
      %add3A_293 = arith.addi %add3A_292, %arg1 : i32
      %dma_start3A_294 = arith.constant 0 : i32
      %dma_start3A_295 = tpu.memref_slice %arg15[%dma_start3A_294] : memref<96xf32, #tpu.memory_space<vmem>> -> memref<96xf32, #tpu.memory_space<vmem>>
      %dma_start3A_296 = arith.constant 32 : i32
      %dma_start3A_297 = tpu.memref_slice %arg6[%add3A_293, %dma_start3A_296] : memref<80x128xf32, #tpu.memory_space<hbm>> -> memref<1x96xf32, #tpu.memory_space<hbm>>
      %dma_start3A_298 = tpu.memref_squeeze %dma_start3A_297 : memref<1x96xf32, #tpu.memory_space<hbm>> -> memref<96xf32, #tpu.memory_space<hbm>>
      %dma_start3A_299 = arith.constant 32 : i32
      %dma_start3A_300 = tpu.memref_slice %arg6[%add3A_293, %dma_start3A_299] : memref<80x128xf32, #tpu.memory_space<hbm>> -> memref<1x96xf32, #tpu.memory_space<hbm>>
      %dma_start3A_301 = tpu.memref_squeeze %dma_start3A_300 : memref<1x96xf32, #tpu.memory_space<hbm>> -> memref<96xf32, #tpu.memory_space<hbm>>
      %dma_start3A_302 = arith.constant 0 : i32
      %dma_start3A_303 = tpu.memref_slice %arg15[%dma_start3A_302] : memref<96xf32, #tpu.memory_space<vmem>> -> memref<96xf32, #tpu.memory_space<vmem>>
      tpu.enqueue_dma source(%dma_start3A_303 : memref<96xf32, #tpu.memory_space<vmem>>) target(%dma_start3A_301 : memref<96xf32, #tpu.memory_space<hbm>>) target_semaphore(%arg24 : memref<!tpu.dma_semaphore, #tpu.memory_space<semaphore_mem>>)
      %add3A_304 = arith.constant 32 : i32
      %add3A_305 = arith.addi %add3A_304, %arg1 : i32
      %dma_start3A_306 = arith.constant 0 : i32
      %dma_start3A_307 = tpu.memref_slice %arg16[%dma_start3A_306] : memref<96xf32, #tpu.memory_space<vmem>> -> memref<96xf32, #tpu.memory_space<vmem>>
      %dma_start3A_308 = arith.constant 32 : i32
      %dma_start3A_309 = tpu.memref_slice %arg6[%add3A_305, %dma_start3A_308] : memref<80x128xf32, #tpu.memory_space<hbm>> -> memref<1x96xf32, #tpu.memory_space<hbm>>
      %dma_start3A_310 = tpu.memref_squeeze %dma_start3A_309 : memref<1x96xf32, #tpu.memory_space<hbm>> -> memref<96xf32, #tpu.memory_space<hbm>>
      %dma_start3A_311 = arith.constant 32 : i32
      %dma_start3A_312 = tpu.memref_slice %arg6[%add3A_305, %dma_start3A_311] : memref<80x128xf32, #tpu.memory_space<hbm>> -> memref<1x96xf32, #tpu.memory_space<hbm>>
      %dma_start3A_313 = tpu.memref_squeeze %dma_start3A_312 : memref<1x96xf32, #tpu.memory_space<hbm>> -> memref<96xf32, #tpu.memory_space<hbm>>
      %dma_start3A_314 = arith.constant 0 : i32
      %dma_start3A_315 = tpu.memref_slice %arg16[%dma_start3A_314] : memref<96xf32, #tpu.memory_space<vmem>> -> memref<96xf32, #tpu.memory_space<vmem>>
      tpu.enqueue_dma source(%dma_start3A_315 : memref<96xf32, #tpu.memory_space<vmem>>) target(%dma_start3A_313 : memref<96xf32, #tpu.memory_space<hbm>>) target_semaphore(%arg24 : memref<!tpu.dma_semaphore, #tpu.memory_space<semaphore_mem>>)
      %add3A_316 = arith.constant 40 : i32
      %add3A_317 = arith.addi %add3A_316, %arg1 : i32
      %dma_start3A_318 = arith.constant 0 : i32
      %dma_start3A_319 = tpu.memref_slice %arg17[%dma_start3A_318] : memref<96xf32, #tpu.memory_space<vmem>> -> memref<96xf32, #tpu.memory_space<vmem>>
      %dma_start3A_320 = arith.constant 32 : i32
      %dma_start3A_321 = tpu.memref_slice %arg6[%add3A_317, %dma_start3A_320] : memref<80x128xf32, #tpu.memory_space<hbm>> -> memref<1x96xf32, #tpu.memory_space<hbm>>
      %dma_start3A_322 = tpu.memref_squeeze %dma_start3A_321 : memref<1x96xf32, #tpu.memory_space<hbm>> -> memref<96xf32, #tpu.memory_space<hbm>>
      %dma_start3A_323 = arith.constant 32 : i32
      %dma_start3A_324 = tpu.memref_slice %arg6[%add3A_317, %dma_start3A_323] : memref<80x128xf32, #tpu.memory_space<hbm>> -> memref<1x96xf32, #tpu.memory_space<hbm>>
      %dma_start3A_325 = tpu.memref_squeeze %dma_start3A_324 : memref<1x96xf32, #tpu.memory_space<hbm>> -> memref<96xf32, #tpu.memory_space<hbm>>
      %dma_start3A_326 = arith.constant 0 : i32
      %dma_start3A_327 = tpu.memref_slice %arg17[%dma_start3A_326] : memref<96xf32, #tpu.memory_space<vmem>> -> memref<96xf32, #tpu.memory_space<vmem>>
      tpu.enqueue_dma source(%dma_start3A_327 : memref<96xf32, #tpu.memory_space<vmem>>) target(%dma_start3A_325 : memref<96xf32, #tpu.memory_space<hbm>>) target_semaphore(%arg24 : memref<!tpu.dma_semaphore, #tpu.memory_space<semaphore_mem>>)
      %add3A_328 = arith.constant 48 : i32
      %add3A_329 = arith.addi %add3A_328, %arg1 : i32
      %dma_start3A_330 = arith.constant 0 : i32
      %dma_start3A_331 = tpu.memref_slice %arg18[%dma_start3A_330] : memref<96xf32, #tpu.memory_space<vmem>> -> memref<96xf32, #tpu.memory_space<vmem>>
      %dma_start3A_332 = arith.constant 32 : i32
      %dma_start3A_333 = tpu.memref_slice %arg6[%add3A_329, %dma_start3A_332] : memref<80x128xf32, #tpu.memory_space<hbm>> -> memref<1x96xf32, #tpu.memory_space<hbm>>
      %dma_start3A_334 = tpu.memref_squeeze %dma_start3A_333 : memref<1x96xf32, #tpu.memory_space<hbm>> -> memref<96xf32, #tpu.memory_space<hbm>>
      %dma_start3A_335 = arith.constant 32 : i32
      %dma_start3A_336 = tpu.memref_slice %arg6[%add3A_329, %dma_start3A_335] : memref<80x128xf32, #tpu.memory_space<hbm>> -> memref<1x96xf32, #tpu.memory_space<hbm>>
      %dma_start3A_337 = tpu.memref_squeeze %dma_start3A_336 : memref<1x96xf32, #tpu.memory_space<hbm>> -> memref<96xf32, #tpu.memory_space<hbm>>
      %dma_start3A_338 = arith.constant 0 : i32
      %dma_start3A_339 = tpu.memref_slice %arg18[%dma_start3A_338] : memref<96xf32, #tpu.memory_space<vmem>> -> memref<96xf32, #tpu.memory_space<vmem>>
      tpu.enqueue_dma source(%dma_start3A_339 : memref<96xf32, #tpu.memory_space<vmem>>) target(%dma_start3A_337 : memref<96xf32, #tpu.memory_space<hbm>>) target_semaphore(%arg24 : memref<!tpu.dma_semaphore, #tpu.memory_space<semaphore_mem>>)
      %add3A_340 = arith.constant 56 : i32
      %add3A_341 = arith.addi %add3A_340, %arg1 : i32
      %dma_start3A_342 = arith.constant 0 : i32
      %dma_start3A_343 = tpu.memref_slice %arg19[%dma_start3A_342] : memref<96xf32, #tpu.memory_space<vmem>> -> memref<96xf32, #tpu.memory_space<vmem>>
      %dma_start3A_344 = arith.constant 32 : i32
      %dma_start3A_345 = tpu.memref_slice %arg6[%add3A_341, %dma_start3A_344] : memref<80x128xf32, #tpu.memory_space<hbm>> -> memref<1x96xf32, #tpu.memory_space<hbm>>
      %dma_start3A_346 = tpu.memref_squeeze %dma_start3A_345 : memref<1x96xf32, #tpu.memory_space<hbm>> -> memref<96xf32, #tpu.memory_space<hbm>>
      %dma_start3A_347 = arith.constant 32 : i32
      %dma_start3A_348 = tpu.memref_slice %arg6[%add3A_341, %dma_start3A_347] : memref<80x128xf32, #tpu.memory_space<hbm>> -> memref<1x96xf32, #tpu.memory_space<hbm>>
      %dma_start3A_349 = tpu.memref_squeeze %dma_start3A_348 : memref<1x96xf32, #tpu.memory_space<hbm>> -> memref<96xf32, #tpu.memory_space<hbm>>
      %dma_start3A_350 = arith.constant 0 : i32
      %dma_start3A_351 = tpu.memref_slice %arg19[%dma_start3A_350] : memref<96xf32, #tpu.memory_space<vmem>> -> memref<96xf32, #tpu.memory_space<vmem>>
      tpu.enqueue_dma source(%dma_start3A_351 : memref<96xf32, #tpu.memory_space<vmem>>) target(%dma_start3A_349 : memref<96xf32, #tpu.memory_space<hbm>>) target_semaphore(%arg24 : memref<!tpu.dma_semaphore, #tpu.memory_space<semaphore_mem>>)
      %add3A_352 = arith.constant 64 : i32
      %add3A_353 = arith.addi %add3A_352, %arg1 : i32
      %dma_start3A_354 = arith.constant 0 : i32
      %dma_start3A_355 = tpu.memref_slice %arg20[%dma_start3A_354] : memref<96xf32, #tpu.memory_space<vmem>> -> memref<96xf32, #tpu.memory_space<vmem>>
      %dma_start3A_356 = arith.constant 32 : i32
      %dma_start3A_357 = tpu.memref_slice %arg6[%add3A_353, %dma_start3A_356] : memref<80x128xf32, #tpu.memory_space<hbm>> -> memref<1x96xf32, #tpu.memory_space<hbm>>
      %dma_start3A_358 = tpu.memref_squeeze %dma_start3A_357 : memref<1x96xf32, #tpu.memory_space<hbm>> -> memref<96xf32, #tpu.memory_space<hbm>>
      %dma_start3A_359 = arith.constant 32 : i32
      %dma_start3A_360 = tpu.memref_slice %arg6[%add3A_353, %dma_start3A_359] : memref<80x128xf32, #tpu.memory_space<hbm>> -> memref<1x96xf32, #tpu.memory_space<hbm>>
      %dma_start3A_361 = tpu.memref_squeeze %dma_start3A_360 : memref<1x96xf32, #tpu.memory_space<hbm>> -> memref<96xf32, #tpu.memory_space<hbm>>
      %dma_start3A_362 = arith.constant 0 : i32
      %dma_start3A_363 = tpu.memref_slice %arg20[%dma_start3A_362] : memref<96xf32, #tpu.memory_space<vmem>> -> memref<96xf32, #tpu.memory_space<vmem>>
      tpu.enqueue_dma source(%dma_start3A_363 : memref<96xf32, #tpu.memory_space<vmem>>) target(%dma_start3A_361 : memref<96xf32, #tpu.memory_space<hbm>>) target_semaphore(%arg24 : memref<!tpu.dma_semaphore, #tpu.memory_space<semaphore_mem>>)
      %add3A_364 = arith.constant 72 : i32
      %add3A_365 = arith.addi %add3A_364, %arg1 : i32
      %dma_start3A_366 = arith.constant 0 : i32
      %dma_start3A_367 = tpu.memref_slice %arg21[%dma_start3A_366] : memref<96xf32, #tpu.memory_space<vmem>> -> memref<96xf32, #tpu.memory_space<vmem>>
      %dma_start3A_368 = arith.constant 32 : i32
      %dma_start3A_369 = tpu.memref_slice %arg6[%add3A_365, %dma_start3A_368] : memref<80x128xf32, #tpu.memory_space<hbm>> -> memref<1x96xf32, #tpu.memory_space<hbm>>
      %dma_start3A_370 = tpu.memref_squeeze %dma_start3A_369 : memref<1x96xf32, #tpu.memory_space<hbm>> -> memref<96xf32, #tpu.memory_space<hbm>>
      %dma_start3A_371 = arith.constant 32 : i32
      %dma_start3A_372 = tpu.memref_slice %arg6[%add3A_365, %dma_start3A_371] : memref<80x128xf32, #tpu.memory_space<hbm>> -> memref<1x96xf32, #tpu.memory_space<hbm>>
      %dma_start3A_373 = tpu.memref_squeeze %dma_start3A_372 : memref<1x96xf32, #tpu.memory_space<hbm>> -> memref<96xf32, #tpu.memory_space<hbm>>
      %dma_start3A_374 = arith.constant 0 : i32
      %dma_start3A_375 = tpu.memref_slice %arg21[%dma_start3A_374] : memref<96xf32, #tpu.memory_space<vmem>> -> memref<96xf32, #tpu.memory_space<vmem>>
      tpu.enqueue_dma source(%dma_start3A_375 : memref<96xf32, #tpu.memory_space<vmem>>) target(%dma_start3A_373 : memref<96xf32, #tpu.memory_space<hbm>>) target_semaphore(%arg24 : memref<!tpu.dma_semaphore, #tpu.memory_space<semaphore_mem>>)
      %dma_wait3A_376 = arith.constant 0 : i32
      %dma_wait3A_377 = tpu.memref_slice %arg12[%dma_wait3A_376] : memref<96xf32, #tpu.memory_space<vmem>> -> memref<96xf32, #tpu.memory_space<vmem>>
      %dma_wait3A_378 = arith.constant 32 : i32
      %dma_wait3A_379 = tpu.memref_slice %arg6[%add3A_257, %dma_wait3A_378] : memref<80x128xf32, #tpu.memory_space<hbm>> -> memref<1x96xf32, #tpu.memory_space<hbm>>
      %dma_wait3A_380 = tpu.memref_squeeze %dma_wait3A_379 : memref<1x96xf32, #tpu.memory_space<hbm>> -> memref<96xf32, #tpu.memory_space<hbm>>
      %dma_wait3A_381 = arith.constant 32 : i32
      %dma_wait3A_382 = tpu.memref_slice %arg6[%add3A_257, %dma_wait3A_381] : memref<80x128xf32, #tpu.memory_space<hbm>> -> memref<1x96xf32, #tpu.memory_space<hbm>>
      %dma_wait3A_383 = tpu.memref_squeeze %dma_wait3A_382 : memref<1x96xf32, #tpu.memory_space<hbm>> -> memref<96xf32, #tpu.memory_space<hbm>>
      %dma_wait3A_384 = arith.constant 0 : i32
      %dma_wait3A_385 = tpu.memref_slice %arg12[%dma_wait3A_384] : memref<96xf32, #tpu.memory_space<vmem>> -> memref<96xf32, #tpu.memory_space<vmem>>
      tpu.wait_dma2 semaphore(%arg24 : memref<!tpu.dma_semaphore, #tpu.memory_space<semaphore_mem>>) src(%dma_wait3A_385 : memref<96xf32, #tpu.memory_space<vmem>>) dst(%dma_wait3A_383 : memref<96xf32, #tpu.memory_space<hbm>>)
      %dma_wait3A_386 = arith.constant 0 : i32
      %dma_wait3A_387 = tpu.memref_slice %arg13[%dma_wait3A_386] : memref<96xf32, #tpu.memory_space<vmem>> -> memref<96xf32, #tpu.memory_space<vmem>>
      %dma_wait3A_388 = arith.constant 32 : i32
      %dma_wait3A_389 = tpu.memref_slice %arg6[%add3A_269, %dma_wait3A_388] : memref<80x128xf32, #tpu.memory_space<hbm>> -> memref<1x96xf32, #tpu.memory_space<hbm>>
      %dma_wait3A_390 = tpu.memref_squeeze %dma_wait3A_389 : memref<1x96xf32, #tpu.memory_space<hbm>> -> memref<96xf32, #tpu.memory_space<hbm>>
      %dma_wait3A_391 = arith.constant 32 : i32
      %dma_wait3A_392 = tpu.memref_slice %arg6[%add3A_269, %dma_wait3A_391] : memref<80x128xf32, #tpu.memory_space<hbm>> -> memref<1x96xf32, #tpu.memory_space<hbm>>
      %dma_wait3A_393 = tpu.memref_squeeze %dma_wait3A_392 : memref<1x96xf32, #tpu.memory_space<hbm>> -> memref<96xf32, #tpu.memory_space<hbm>>
      %dma_wait3A_394 = arith.constant 0 : i32
      %dma_wait3A_395 = tpu.memref_slice %arg13[%dma_wait3A_394] : memref<96xf32, #tpu.memory_space<vmem>> -> memref<96xf32, #tpu.memory_space<vmem>>
      tpu.wait_dma2 semaphore(%arg24 : memref<!tpu.dma_semaphore, #tpu.memory_space<semaphore_mem>>) src(%dma_wait3A_395 : memref<96xf32, #tpu.memory_space<vmem>>) dst(%dma_wait3A_393 : memref<96xf32, #tpu.memory_space<hbm>>)
      %dma_wait3A_396 = arith.constant 0 : i32
      %dma_wait3A_397 = tpu.memref_slice %arg14[%dma_wait3A_396] : memref<96xf32, #tpu.memory_space<vmem>> -> memref<96xf32, #tpu.memory_space<vmem>>
      %dma_wait3A_398 = arith.constant 32 : i32
      %dma_wait3A_399 = tpu.memref_slice %arg6[%add3A_281, %dma_wait3A_398] : memref<80x128xf32, #tpu.memory_space<hbm>> -> memref<1x96xf32, #tpu.memory_space<hbm>>
      %dma_wait3A_400 = tpu.memref_squeeze %dma_wait3A_399 : memref<1x96xf32, #tpu.memory_space<hbm>> -> memref<96xf32, #tpu.memory_space<hbm>>
      %dma_wait3A_401 = arith.constant 32 : i32
      %dma_wait3A_402 = tpu.memref_slice %arg6[%add3A_281, %dma_wait3A_401] : memref<80x128xf32, #tpu.memory_space<hbm>> -> memref<1x96xf32, #tpu.memory_space<hbm>>
      %dma_wait3A_403 = tpu.memref_squeeze %dma_wait3A_402 : memref<1x96xf32, #tpu.memory_space<hbm>> -> memref<96xf32, #tpu.memory_space<hbm>>
      %dma_wait3A_404 = arith.constant 0 : i32
      %dma_wait3A_405 = tpu.memref_slice %arg14[%dma_wait3A_404] : memref<96xf32, #tpu.memory_space<vmem>> -> memref<96xf32, #tpu.memory_space<vmem>>
      tpu.wait_dma2 semaphore(%arg24 : memref<!tpu.dma_semaphore, #tpu.memory_space<semaphore_mem>>) src(%dma_wait3A_405 : memref<96xf32, #tpu.memory_space<vmem>>) dst(%dma_wait3A_403 : memref<96xf32, #tpu.memory_space<hbm>>)
      %dma_wait3A_406 = arith.constant 0 : i32
      %dma_wait3A_407 = tpu.memref_slice %arg15[%dma_wait3A_406] : memref<96xf32, #tpu.memory_space<vmem>> -> memref<96xf32, #tpu.memory_space<vmem>>
      %dma_wait3A_408 = arith.constant 32 : i32
      %dma_wait3A_409 = tpu.memref_slice %arg6[%add3A_293, %dma_wait3A_408] : memref<80x128xf32, #tpu.memory_space<hbm>> -> memref<1x96xf32, #tpu.memory_space<hbm>>
      %dma_wait3A_410 = tpu.memref_squeeze %dma_wait3A_409 : memref<1x96xf32, #tpu.memory_space<hbm>> -> memref<96xf32, #tpu.memory_space<hbm>>
      %dma_wait3A_411 = arith.constant 32 : i32
      %dma_wait3A_412 = tpu.memref_slice %arg6[%add3A_293, %dma_wait3A_411] : memref<80x128xf32, #tpu.memory_space<hbm>> -> memref<1x96xf32, #tpu.memory_space<hbm>>
      %dma_wait3A_413 = tpu.memref_squeeze %dma_wait3A_412 : memref<1x96xf32, #tpu.memory_space<hbm>> -> memref<96xf32, #tpu.memory_space<hbm>>
      %dma_wait3A_414 = arith.constant 0 : i32
      %dma_wait3A_415 = tpu.memref_slice %arg15[%dma_wait3A_414] : memref<96xf32, #tpu.memory_space<vmem>> -> memref<96xf32, #tpu.memory_space<vmem>>
      tpu.wait_dma2 semaphore(%arg24 : memref<!tpu.dma_semaphore, #tpu.memory_space<semaphore_mem>>) src(%dma_wait3A_415 : memref<96xf32, #tpu.memory_space<vmem>>) dst(%dma_wait3A_413 : memref<96xf32, #tpu.memory_space<hbm>>)
      %dma_wait3A_416 = arith.constant 0 : i32
      %dma_wait3A_417 = tpu.memref_slice %arg16[%dma_wait3A_416] : memref<96xf32, #tpu.memory_space<vmem>> -> memref<96xf32, #tpu.memory_space<vmem>>
      %dma_wait3A_418 = arith.constant 32 : i32
      %dma_wait3A_419 = tpu.memref_slice %arg6[%add3A_305, %dma_wait3A_418] : memref<80x128xf32, #tpu.memory_space<hbm>> -> memref<1x96xf32, #tpu.memory_space<hbm>>
      %dma_wait3A_420 = tpu.memref_squeeze %dma_wait3A_419 : memref<1x96xf32, #tpu.memory_space<hbm>> -> memref<96xf32, #tpu.memory_space<hbm>>
      %dma_wait3A_421 = arith.constant 32 : i32
      %dma_wait3A_422 = tpu.memref_slice %arg6[%add3A_305, %dma_wait3A_421] : memref<80x128xf32, #tpu.memory_space<hbm>> -> memref<1x96xf32, #tpu.memory_space<hbm>>
      %dma_wait3A_423 = tpu.memref_squeeze %dma_wait3A_422 : memref<1x96xf32, #tpu.memory_space<hbm>> -> memref<96xf32, #tpu.memory_space<hbm>>
      %dma_wait3A_424 = arith.constant 0 : i32
      %dma_wait3A_425 = tpu.memref_slice %arg16[%dma_wait3A_424] : memref<96xf32, #tpu.memory_space<vmem>> -> memref<96xf32, #tpu.memory_space<vmem>>
      tpu.wait_dma2 semaphore(%arg24 : memref<!tpu.dma_semaphore, #tpu.memory_space<semaphore_mem>>) src(%dma_wait3A_425 : memref<96xf32, #tpu.memory_space<vmem>>) dst(%dma_wait3A_423 : memref<96xf32, #tpu.memory_space<hbm>>)
      %dma_wait3A_426 = arith.constant 0 : i32
      %dma_wait3A_427 = tpu.memref_slice %arg17[%dma_wait3A_426] : memref<96xf32, #tpu.memory_space<vmem>> -> memref<96xf32, #tpu.memory_space<vmem>>
      %dma_wait3A_428 = arith.constant 32 : i32
      %dma_wait3A_429 = tpu.memref_slice %arg6[%add3A_317, %dma_wait3A_428] : memref<80x128xf32, #tpu.memory_space<hbm>> -> memref<1x96xf32, #tpu.memory_space<hbm>>
      %dma_wait3A_430 = tpu.memref_squeeze %dma_wait3A_429 : memref<1x96xf32, #tpu.memory_space<hbm>> -> memref<96xf32, #tpu.memory_space<hbm>>
      %dma_wait3A_431 = arith.constant 32 : i32
      %dma_wait3A_432 = tpu.memref_slice %arg6[%add3A_317, %dma_wait3A_431] : memref<80x128xf32, #tpu.memory_space<hbm>> -> memref<1x96xf32, #tpu.memory_space<hbm>>
      %dma_wait3A_433 = tpu.memref_squeeze %dma_wait3A_432 : memref<1x96xf32, #tpu.memory_space<hbm>> -> memref<96xf32, #tpu.memory_space<hbm>>
      %dma_wait3A_434 = arith.constant 0 : i32
      %dma_wait3A_435 = tpu.memref_slice %arg17[%dma_wait3A_434] : memref<96xf32, #tpu.memory_space<vmem>> -> memref<96xf32, #tpu.memory_space<vmem>>
      tpu.wait_dma2 semaphore(%arg24 : memref<!tpu.dma_semaphore, #tpu.memory_space<semaphore_mem>>) src(%dma_wait3A_435 : memref<96xf32, #tpu.memory_space<vmem>>) dst(%dma_wait3A_433 : memref<96xf32, #tpu.memory_space<hbm>>)
      %dma_wait3A_436 = arith.constant 0 : i32
      %dma_wait3A_437 = tpu.memref_slice %arg18[%dma_wait3A_436] : memref<96xf32, #tpu.memory_space<vmem>> -> memref<96xf32, #tpu.memory_space<vmem>>
      %dma_wait3A_438 = arith.constant 32 : i32
      %dma_wait3A_439 = tpu.memref_slice %arg6[%add3A_329, %dma_wait3A_438] : memref<80x128xf32, #tpu.memory_space<hbm>> -> memref<1x96xf32, #tpu.memory_space<hbm>>
      %dma_wait3A_440 = tpu.memref_squeeze %dma_wait3A_439 : memref<1x96xf32, #tpu.memory_space<hbm>> -> memref<96xf32, #tpu.memory_space<hbm>>
      %dma_wait3A_441 = arith.constant 32 : i32
      %dma_wait3A_442 = tpu.memref_slice %arg6[%add3A_329, %dma_wait3A_441] : memref<80x128xf32, #tpu.memory_space<hbm>> -> memref<1x96xf32, #tpu.memory_space<hbm>>
      %dma_wait3A_443 = tpu.memref_squeeze %dma_wait3A_442 : memref<1x96xf32, #tpu.memory_space<hbm>> -> memref<96xf32, #tpu.memory_space<hbm>>
      %dma_wait3A_444 = arith.constant 0 : i32
      %dma_wait3A_445 = tpu.memref_slice %arg18[%dma_wait3A_444] : memref<96xf32, #tpu.memory_space<vmem>> -> memref<96xf32, #tpu.memory_space<vmem>>
      tpu.wait_dma2 semaphore(%arg24 : memref<!tpu.dma_semaphore, #tpu.memory_space<semaphore_mem>>) src(%dma_wait3A_445 : memref<96xf32, #tpu.memory_space<vmem>>) dst(%dma_wait3A_443 : memref<96xf32, #tpu.memory_space<hbm>>)
      %dma_wait3A_446 = arith.constant 0 : i32
      %dma_wait3A_447 = tpu.memref_slice %arg19[%dma_wait3A_446] : memref<96xf32, #tpu.memory_space<vmem>> -> memref<96xf32, #tpu.memory_space<vmem>>
      %dma_wait3A_448 = arith.constant 32 : i32
      %dma_wait3A_449 = tpu.memref_slice %arg6[%add3A_341, %dma_wait3A_448] : memref<80x128xf32, #tpu.memory_space<hbm>> -> memref<1x96xf32, #tpu.memory_space<hbm>>
      %dma_wait3A_450 = tpu.memref_squeeze %dma_wait3A_449 : memref<1x96xf32, #tpu.memory_space<hbm>> -> memref<96xf32, #tpu.memory_space<hbm>>
      %dma_wait3A_451 = arith.constant 32 : i32
      %dma_wait3A_452 = tpu.memref_slice %arg6[%add3A_341, %dma_wait3A_451] : memref<80x128xf32, #tpu.memory_space<hbm>> -> memref<1x96xf32, #tpu.memory_space<hbm>>
      %dma_wait3A_453 = tpu.memref_squeeze %dma_wait3A_452 : memref<1x96xf32, #tpu.memory_space<hbm>> -> memref<96xf32, #tpu.memory_space<hbm>>
      %dma_wait3A_454 = arith.constant 0 : i32
      %dma_wait3A_455 = tpu.memref_slice %arg19[%dma_wait3A_454] : memref<96xf32, #tpu.memory_space<vmem>> -> memref<96xf32, #tpu.memory_space<vmem>>
      tpu.wait_dma2 semaphore(%arg24 : memref<!tpu.dma_semaphore, #tpu.memory_space<semaphore_mem>>) src(%dma_wait3A_455 : memref<96xf32, #tpu.memory_space<vmem>>) dst(%dma_wait3A_453 : memref<96xf32, #tpu.memory_space<hbm>>)
      %dma_wait3A_456 = arith.constant 0 : i32
      %dma_wait3A_457 = tpu.memref_slice %arg20[%dma_wait3A_456] : memref<96xf32, #tpu.memory_space<vmem>> -> memref<96xf32, #tpu.memory_space<vmem>>
      %dma_wait3A_458 = arith.constant 32 : i32
      %dma_wait3A_459 = tpu.memref_slice %arg6[%add3A_353, %dma_wait3A_458] : memref<80x128xf32, #tpu.memory_space<hbm>> -> memref<1x96xf32, #tpu.memory_space<hbm>>
      %dma_wait3A_460 = tpu.memref_squeeze %dma_wait3A_459 : memref<1x96xf32, #tpu.memory_space<hbm>> -> memref<96xf32, #tpu.memory_space<hbm>>
      %dma_wait3A_461 = arith.constant 32 : i32
      %dma_wait3A_462 = tpu.memref_slice %arg6[%add3A_353, %dma_wait3A_461] : memref<80x128xf32, #tpu.memory_space<hbm>> -> memref<1x96xf32, #tpu.memory_space<hbm>>
      %dma_wait3A_463 = tpu.memref_squeeze %dma_wait3A_462 : memref<1x96xf32, #tpu.memory_space<hbm>> -> memref<96xf32, #tpu.memory_space<hbm>>
      %dma_wait3A_464 = arith.constant 0 : i32
      %dma_wait3A_465 = tpu.memref_slice %arg20[%dma_wait3A_464] : memref<96xf32, #tpu.memory_space<vmem>> -> memref<96xf32, #tpu.memory_space<vmem>>
      tpu.wait_dma2 semaphore(%arg24 : memref<!tpu.dma_semaphore, #tpu.memory_space<semaphore_mem>>) src(%dma_wait3A_465 : memref<96xf32, #tpu.memory_space<vmem>>) dst(%dma_wait3A_463 : memref<96xf32, #tpu.memory_space<hbm>>)
      %dma_wait3A_466 = arith.constant 0 : i32
      %dma_wait3A_467 = tpu.memref_slice %arg21[%dma_wait3A_466] : memref<96xf32, #tpu.memory_space<vmem>> -> memref<96xf32, #tpu.memory_space<vmem>>
      %dma_wait3A_468 = arith.constant 32 : i32
      %dma_wait3A_469 = tpu.memref_slice %arg6[%add3A_365, %dma_wait3A_468] : memref<80x128xf32, #tpu.memory_space<hbm>> -> memref<1x96xf32, #tpu.memory_space<hbm>>
      %dma_wait3A_470 = tpu.memref_squeeze %dma_wait3A_469 : memref<1x96xf32, #tpu.memory_space<hbm>> -> memref<96xf32, #tpu.memory_space<hbm>>
      %dma_wait3A_471 = arith.constant 32 : i32
      %dma_wait3A_472 = tpu.memref_slice %arg6[%add3A_365, %dma_wait3A_471] : memref<80x128xf32, #tpu.memory_space<hbm>> -> memref<1x96xf32, #tpu.memory_space<hbm>>
      %dma_wait3A_473 = tpu.memref_squeeze %dma_wait3A_472 : memref<1x96xf32, #tpu.memory_space<hbm>> -> memref<96xf32, #tpu.memory_space<hbm>>
      %dma_wait3A_474 = arith.constant 0 : i32
      %dma_wait3A_475 = tpu.memref_slice %arg21[%dma_wait3A_474] : memref<96xf32, #tpu.memory_space<vmem>> -> memref<96xf32, #tpu.memory_space<vmem>>
      tpu.wait_dma2 semaphore(%arg24 : memref<!tpu.dma_semaphore, #tpu.memory_space<semaphore_mem>>) src(%dma_wait3A_475 : memref<96xf32, #tpu.memory_space<vmem>>) dst(%dma_wait3A_473 : memref<96xf32, #tpu.memory_space<hbm>>)
    } else {
    }
    return
  }
}

module attributes {stable_mosaic.version = 14 : i64} {
  func.func @_iou_argmax_body(%arg0: i32, %arg1: memref<8x12288xf32, #tpu.memory_space<vmem>>, %arg2: memref<8x12288xf32, #tpu.memory_space<vmem>>, %arg3: memref<8x12288xf32, #tpu.memory_space<vmem>>, %arg4: memref<8x12288xf32, #tpu.memory_space<vmem>>, %arg5: memref<10x8x1xf32, #tpu.memory_space<vmem>>, %arg6: memref<10x8x1xf32, #tpu.memory_space<vmem>>, %arg7: memref<10x8x1xf32, #tpu.memory_space<vmem>>, %arg8: memref<10x8x1xf32, #tpu.memory_space<vmem>>, %arg9: memref<8x12288xi32, #tpu.memory_space<vmem>>, %arg10: memref<8x12288xi32, #tpu.memory_space<vmem>>, %arg11: memref<8x12288xf32, #tpu.memory_space<vmem>>, %arg12: memref<8x12288xf32, #tpu.memory_space<vmem>>) attributes {dimension_semantics = [#tpu.dimension_semantics<arbitrary>], iteration_bounds = array<i64: 10>, scalar_prefetch = 0 : i64, scratch_operands = 3 : i64, tpu.core_type = #tpu.core_type<tc>, window_params = [{transform_indices = @transform_0, window_bounds = array<i64: 8, 12288>}, {transform_indices = @transform_1, window_bounds = array<i64: 8, 12288>}, {transform_indices = @transform_2, window_bounds = array<i64: 8, 12288>}, {transform_indices = @transform_3, window_bounds = array<i64: 8, 12288>}, {transform_indices = @transform_4, window_bounds = array<i64: 10, 8, 1>}, {transform_indices = @transform_5, window_bounds = array<i64: 10, 8, 1>}, {transform_indices = @transform_6, window_bounds = array<i64: 10, 8, 1>}, {transform_indices = @transform_7, window_bounds = array<i64: 10, 8, 1>}, {pipeline_mode = #tpu.pipeline_mode<synchronous>, transform_indices = @transform_8, window_bounds = array<i64: 8, 12288>}]} {
    %get3A = arith.constant 0 : index
    %get3A_0 = arith.constant 0 : index
    %get3A_1 = vector.load %arg1[%get3A, %get3A_0] : memref<8x12288xf32, #tpu.memory_space<vmem>>, vector<8x12288xf32>
    %get3A_2 = arith.constant 0 : index
    %get3A_3 = arith.constant 0 : index
    %get3A_4 = vector.load %arg2[%get3A_2, %get3A_3] : memref<8x12288xf32, #tpu.memory_space<vmem>>, vector<8x12288xf32>
    %get3A_5 = arith.constant 0 : index
    %get3A_6 = arith.constant 0 : index
    %get3A_7 = vector.load %arg3[%get3A_5, %get3A_6] : memref<8x12288xf32, #tpu.memory_space<vmem>>, vector<8x12288xf32>
    %get3A_8 = arith.constant 0 : index
    %get3A_9 = arith.constant 0 : index
    %get3A_10 = vector.load %arg4[%get3A_8, %get3A_9] : memref<8x12288xf32, #tpu.memory_space<vmem>>, vector<8x12288xf32>
    %eq3A = arith.constant 0 : i32
    %eq3A_11 = arith.cmpi eq, %arg0, %eq3A : i32
    %convert_element_type3A = arith.extui %eq3A_11 : i1 to i32
    %cond3A = arith.constant 0 : i32
    %cond3A_12 = arith.cmpi ne, %convert_element_type3A, %cond3A : i32
    scf.if %cond3A_12 {
      %sub3A_659 = arith.subf %get3A_7, %get3A_1 : vector<8x12288xf32>
      %add3A_660 = arith.constant 1.000000e+00 : f32
      %add3A_661 = vector.broadcast %add3A_660 : f32 to vector<8x12288xf32>
      %add3A_662 = arith.addf %sub3A_659, %add3A_661 : vector<8x12288xf32>
      %sub3A_663 = arith.subf %get3A_10, %get3A_4 : vector<8x12288xf32>
      %add3A_664 = arith.constant 1.000000e+00 : f32
      %add3A_665 = vector.broadcast %add3A_664 : f32 to vector<8x12288xf32>
      %add3A_666 = arith.addf %sub3A_663, %add3A_665 : vector<8x12288xf32>
      %mul3A_667 = arith.mulf %add3A_662, %add3A_666 : vector<8x12288xf32>
      %swap3A = arith.constant 0 : index
      %swap3A_668 = arith.constant 0 : index
      %swap3A_669 = vector.load %arg12[%swap3A, %swap3A_668] : memref<8x12288xf32, #tpu.memory_space<vmem>>, vector<8x12288xf32>
      tpu.vector_store %arg12[%swap3A, %swap3A_668], %mul3A_667 {strides = array<i32>} : memref<8x12288xf32, #tpu.memory_space<vmem>>, vector<8x12288xf32>,
    } else {
    }
    %get3A_13 = arith.constant 0 : index
    %get3A_14 = arith.constant 0 : index
    %get3A_15 = vector.load %arg12[%get3A_13, %get3A_14] : memref<8x12288xf32, #tpu.memory_space<vmem>>, vector<8x12288xf32>
    %get3A_16 = arith.constant 0 : index
    %get3A_17 = arith.constant 0 : index
    %get3A_18 = arith.constant 0 : index
    %get3A_19 = vector.load %arg5[%get3A_16, %get3A_17, %get3A_18] : memref<10x8x1xf32, #tpu.memory_space<vmem>>, vector<1x8x1xf32>
    %get3A_20 = vector.shape_cast %get3A_19 : vector<1x8x1xf32> to vector<8x1xf32>
    %get3A_21 = arith.constant 0 : index
    %get3A_22 = arith.constant 0 : index
    %get3A_23 = arith.constant 0 : index
    %get3A_24 = vector.load %arg6[%get3A_21, %get3A_22, %get3A_23] : memref<10x8x1xf32, #tpu.memory_space<vmem>>, vector<1x8x1xf32>
    %get3A_25 = vector.shape_cast %get3A_24 : vector<1x8x1xf32> to vector<8x1xf32>
    %get3A_26 = arith.constant 0 : index
    %get3A_27 = arith.constant 0 : index
    %get3A_28 = arith.constant 0 : index
    %get3A_29 = vector.load %arg7[%get3A_26, %get3A_27, %get3A_28] : memref<10x8x1xf32, #tpu.memory_space<vmem>>, vector<1x8x1xf32>
    %get3A_30 = vector.shape_cast %get3A_29 : vector<1x8x1xf32> to vector<8x1xf32>
    %get3A_31 = arith.constant 0 : index
    %get3A_32 = arith.constant 0 : index
    %get3A_33 = arith.constant 0 : index
    %get3A_34 = vector.load %arg8[%get3A_31, %get3A_32, %get3A_33] : memref<10x8x1xf32, #tpu.memory_space<vmem>>, vector<1x8x1xf32>
    %get3A_35 = vector.shape_cast %get3A_34 : vector<1x8x1xf32> to vector<8x1xf32>
    %min3A = vector.broadcast %get3A_30 : vector<8x1xf32> to vector<8x12288xf32>
    %min3A_36 = arith.minimumf %get3A_7, %min3A : vector<8x12288xf32>
    %max3A = vector.broadcast %get3A_20 : vector<8x1xf32> to vector<8x12288xf32>
    %max3A_37 = arith.maximumf %get3A_1, %max3A : vector<8x12288xf32>
    %sub3A = arith.subf %min3A_36, %max3A_37 : vector<8x12288xf32>
    %add3A = arith.constant 1.000000e+00 : f32
    %add3A_38 = vector.broadcast %add3A : f32 to vector<8x12288xf32>
    %add3A_39 = arith.addf %sub3A, %add3A_38 : vector<8x12288xf32>
    %max3A_40 = arith.constant 0.000000e+00 : f32
    %max3A_41 = vector.broadcast %max3A_40 : f32 to vector<8x12288xf32>
    %max3A_42 = arith.maximumf %add3A_39, %max3A_41 : vector<8x12288xf32>
    %min3A_43 = vector.broadcast %get3A_35 : vector<8x1xf32> to vector<8x12288xf32>
    %min3A_44 = arith.minimumf %get3A_10, %min3A_43 : vector<8x12288xf32>
    %max3A_45 = vector.broadcast %get3A_25 : vector<8x1xf32> to vector<8x12288xf32>
    %max3A_46 = arith.maximumf %get3A_4, %max3A_45 : vector<8x12288xf32>
    %sub3A_47 = arith.subf %min3A_44, %max3A_46 : vector<8x12288xf32>
    %add3A_48 = arith.constant 1.000000e+00 : f32
    %add3A_49 = vector.broadcast %add3A_48 : f32 to vector<8x12288xf32>
    %add3A_50 = arith.addf %sub3A_47, %add3A_49 : vector<8x12288xf32>
    %max3A_51 = arith.constant 0.000000e+00 : f32
    %max3A_52 = vector.broadcast %max3A_51 : f32 to vector<8x12288xf32>
    %max3A_53 = arith.maximumf %add3A_50, %max3A_52 : vector<8x12288xf32>
    %mul3A = arith.mulf %max3A_42, %max3A_53 : vector<8x12288xf32>
    %sub3A_54 = arith.subf %get3A_30, %get3A_20 : vector<8x1xf32>
    %add3A_55 = arith.constant 1.000000e+00 : f32
    %add3A_56 = vector.broadcast %add3A_55 : f32 to vector<8x1xf32>
    %add3A_57 = arith.addf %sub3A_54, %add3A_56 : vector<8x1xf32>
    %sub3A_58 = arith.subf %get3A_35, %get3A_25 : vector<8x1xf32>
    %add3A_59 = arith.constant 1.000000e+00 : f32
    %add3A_60 = vector.broadcast %add3A_59 : f32 to vector<8x1xf32>
    %add3A_61 = arith.addf %sub3A_58, %add3A_60 : vector<8x1xf32>
    %mul3A_62 = arith.mulf %add3A_57, %add3A_61 : vector<8x1xf32>
    %add3A_63 = vector.broadcast %mul3A_62 : vector<8x1xf32> to vector<8x12288xf32>
    %add3A_64 = arith.addf %get3A_15, %add3A_63 : vector<8x12288xf32>
    %sub3A_65 = arith.subf %add3A_64, %mul3A : vector<8x12288xf32>
    %div3A = arith.divf %mul3A, %sub3A_65 : vector<8x12288xf32>
    %mul3A_66 = arith.constant 10 : i32
    %mul3A_67 = arith.muli %arg0, %mul3A_66 : i32
    %add3A_68 = arith.constant 0 : i32
    %add3A_69 = arith.addi %mul3A_67, %add3A_68 : i32
    %get3A_70 = arith.constant 1 : index
    %get3A_71 = arith.constant 0 : index
    %get3A_72 = arith.constant 0 : index
    %get3A_73 = vector.load %arg5[%get3A_70, %get3A_71, %get3A_72] : memref<10x8x1xf32, #tpu.memory_space<vmem>>, vector<1x8x1xf32>
    %get3A_74 = vector.shape_cast %get3A_73 : vector<1x8x1xf32> to vector<8x1xf32>
    %get3A_75 = arith.constant 1 : index
    %get3A_76 = arith.constant 0 : index
    %get3A_77 = arith.constant 0 : index
    %get3A_78 = vector.load %arg6[%get3A_75, %get3A_76, %get3A_77] : memref<10x8x1xf32, #tpu.memory_space<vmem>>, vector<1x8x1xf32>
    %get3A_79 = vector.shape_cast %get3A_78 : vector<1x8x1xf32> to vector<8x1xf32>
    %get3A_80 = arith.constant 1 : index
    %get3A_81 = arith.constant 0 : index
    %get3A_82 = arith.constant 0 : index
    %get3A_83 = vector.load %arg7[%get3A_80, %get3A_81, %get3A_82] : memref<10x8x1xf32, #tpu.memory_space<vmem>>, vector<1x8x1xf32>
    %get3A_84 = vector.shape_cast %get3A_83 : vector<1x8x1xf32> to vector<8x1xf32>
    %get3A_85 = arith.constant 1 : index
    %get3A_86 = arith.constant 0 : index
    %get3A_87 = arith.constant 0 : index
    %get3A_88 = vector.load %arg8[%get3A_85, %get3A_86, %get3A_87] : memref<10x8x1xf32, #tpu.memory_space<vmem>>, vector<1x8x1xf32>
    %get3A_89 = vector.shape_cast %get3A_88 : vector<1x8x1xf32> to vector<8x1xf32>
    %min3A_90 = vector.broadcast %get3A_84 : vector<8x1xf32> to vector<8x12288xf32>
    %min3A_91 = arith.minimumf %get3A_7, %min3A_90 : vector<8x12288xf32>
    %max3A_92 = vector.broadcast %get3A_74 : vector<8x1xf32> to vector<8x12288xf32>
    %max3A_93 = arith.maximumf %get3A_1, %max3A_92 : vector<8x12288xf32>
    %sub3A_94 = arith.subf %min3A_91, %max3A_93 : vector<8x12288xf32>
    %add3A_95 = arith.constant 1.000000e+00 : f32
    %add3A_96 = vector.broadcast %add3A_95 : f32 to vector<8x12288xf32>
    %add3A_97 = arith.addf %sub3A_94, %add3A_96 : vector<8x12288xf32>
    %max3A_98 = arith.constant 0.000000e+00 : f32
    %max3A_99 = vector.broadcast %max3A_98 : f32 to vector<8x12288xf32>
    %max3A_100 = arith.maximumf %add3A_97, %max3A_99 : vector<8x12288xf32>
    %min3A_101 = vector.broadcast %get3A_89 : vector<8x1xf32> to vector<8x12288xf32>
    %min3A_102 = arith.minimumf %get3A_10, %min3A_101 : vector<8x12288xf32>
    %max3A_103 = vector.broadcast %get3A_79 : vector<8x1xf32> to vector<8x12288xf32>
    %max3A_104 = arith.maximumf %get3A_4, %max3A_103 : vector<8x12288xf32>
    %sub3A_105 = arith.subf %min3A_102, %max3A_104 : vector<8x12288xf32>
    %add3A_106 = arith.constant 1.000000e+00 : f32
    %add3A_107 = vector.broadcast %add3A_106 : f32 to vector<8x12288xf32>
    %add3A_108 = arith.addf %sub3A_105, %add3A_107 : vector<8x12288xf32>
    %max3A_109 = arith.constant 0.000000e+00 : f32
    %max3A_110 = vector.broadcast %max3A_109 : f32 to vector<8x12288xf32>
    %max3A_111 = arith.maximumf %add3A_108, %max3A_110 : vector<8x12288xf32>
    %mul3A_112 = arith.mulf %max3A_100, %max3A_111 : vector<8x12288xf32>
    %sub3A_113 = arith.subf %get3A_84, %get3A_74 : vector<8x1xf32>
    %add3A_114 = arith.constant 1.000000e+00 : f32
    %add3A_115 = vector.broadcast %add3A_114 : f32 to vector<8x1xf32>
    %add3A_116 = arith.addf %sub3A_113, %add3A_115 : vector<8x1xf32>
    %sub3A_117 = arith.subf %get3A_89, %get3A_79 : vector<8x1xf32>
    %add3A_118 = arith.constant 1.000000e+00 : f32
    %add3A_119 = vector.broadcast %add3A_118 : f32 to vector<8x1xf32>
    %add3A_120 = arith.addf %sub3A_117, %add3A_119 : vector<8x1xf32>
    %mul3A_121 = arith.mulf %add3A_116, %add3A_120 : vector<8x1xf32>
    %add3A_122 = vector.broadcast %mul3A_121 : vector<8x1xf32> to vector<8x12288xf32>
    %add3A_123 = arith.addf %get3A_15, %add3A_122 : vector<8x12288xf32>
    %sub3A_124 = arith.subf %add3A_123, %mul3A_112 : vector<8x12288xf32>
    %div3A_125 = arith.divf %mul3A_112, %sub3A_124 : vector<8x12288xf32>
    %mul3A_126 = arith.constant 10 : i32
    %mul3A_127 = arith.muli %arg0, %mul3A_126 : i32
    %add3A_128 = arith.constant 1 : i32
    %add3A_129 = arith.addi %mul3A_127, %add3A_128 : i32
    %get3A_130 = arith.constant 2 : index
    %get3A_131 = arith.constant 0 : index
    %get3A_132 = arith.constant 0 : index
    %get3A_133 = vector.load %arg5[%get3A_130, %get3A_131, %get3A_132] : memref<10x8x1xf32, #tpu.memory_space<vmem>>, vector<1x8x1xf32>
    %get3A_134 = vector.shape_cast %get3A_133 : vector<1x8x1xf32> to vector<8x1xf32>
    %get3A_135 = arith.constant 2 : index
    %get3A_136 = arith.constant 0 : index
    %get3A_137 = arith.constant 0 : index
    %get3A_138 = vector.load %arg6[%get3A_135, %get3A_136, %get3A_137] : memref<10x8x1xf32, #tpu.memory_space<vmem>>, vector<1x8x1xf32>
    %get3A_139 = vector.shape_cast %get3A_138 : vector<1x8x1xf32> to vector<8x1xf32>
    %get3A_140 = arith.constant 2 : index
    %get3A_141 = arith.constant 0 : index
    %get3A_142 = arith.constant 0 : index
    %get3A_143 = vector.load %arg7[%get3A_140, %get3A_141, %get3A_142] : memref<10x8x1xf32, #tpu.memory_space<vmem>>, vector<1x8x1xf32>
    %get3A_144 = vector.shape_cast %get3A_143 : vector<1x8x1xf32> to vector<8x1xf32>
    %get3A_145 = arith.constant 2 : index
    %get3A_146 = arith.constant 0 : index
    %get3A_147 = arith.constant 0 : index
    %get3A_148 = vector.load %arg8[%get3A_145, %get3A_146, %get3A_147] : memref<10x8x1xf32, #tpu.memory_space<vmem>>, vector<1x8x1xf32>
    %get3A_149 = vector.shape_cast %get3A_148 : vector<1x8x1xf32> to vector<8x1xf32>
    %min3A_150 = vector.broadcast %get3A_144 : vector<8x1xf32> to vector<8x12288xf32>
    %min3A_151 = arith.minimumf %get3A_7, %min3A_150 : vector<8x12288xf32>
    %max3A_152 = vector.broadcast %get3A_134 : vector<8x1xf32> to vector<8x12288xf32>
    %max3A_153 = arith.maximumf %get3A_1, %max3A_152 : vector<8x12288xf32>
    %sub3A_154 = arith.subf %min3A_151, %max3A_153 : vector<8x12288xf32>
    %add3A_155 = arith.constant 1.000000e+00 : f32
    %add3A_156 = vector.broadcast %add3A_155 : f32 to vector<8x12288xf32>
    %add3A_157 = arith.addf %sub3A_154, %add3A_156 : vector<8x12288xf32>
    %max3A_158 = arith.constant 0.000000e+00 : f32
    %max3A_159 = vector.broadcast %max3A_158 : f32 to vector<8x12288xf32>
    %max3A_160 = arith.maximumf %add3A_157, %max3A_159 : vector<8x12288xf32>
    %min3A_161 = vector.broadcast %get3A_149 : vector<8x1xf32> to vector<8x12288xf32>
    %min3A_162 = arith.minimumf %get3A_10, %min3A_161 : vector<8x12288xf32>
    %max3A_163 = vector.broadcast %get3A_139 : vector<8x1xf32> to vector<8x12288xf32>
    %max3A_164 = arith.maximumf %get3A_4, %max3A_163 : vector<8x12288xf32>
    %sub3A_165 = arith.subf %min3A_162, %max3A_164 : vector<8x12288xf32>
    %add3A_166 = arith.constant 1.000000e+00 : f32
    %add3A_167 = vector.broadcast %add3A_166 : f32 to vector<8x12288xf32>
    %add3A_168 = arith.addf %sub3A_165, %add3A_167 : vector<8x12288xf32>
    %max3A_169 = arith.constant 0.000000e+00 : f32
    %max3A_170 = vector.broadcast %max3A_169 : f32 to vector<8x12288xf32>
    %max3A_171 = arith.maximumf %add3A_168, %max3A_170 : vector<8x12288xf32>
    %mul3A_172 = arith.mulf %max3A_160, %max3A_171 : vector<8x12288xf32>
    %sub3A_173 = arith.subf %get3A_144, %get3A_134 : vector<8x1xf32>
    %add3A_174 = arith.constant 1.000000e+00 : f32
    %add3A_175 = vector.broadcast %add3A_174 : f32 to vector<8x1xf32>
    %add3A_176 = arith.addf %sub3A_173, %add3A_175 : vector<8x1xf32>
    %sub3A_177 = arith.subf %get3A_149, %get3A_139 : vector<8x1xf32>
    %add3A_178 = arith.constant 1.000000e+00 : f32
    %add3A_179 = vector.broadcast %add3A_178 : f32 to vector<8x1xf32>
    %add3A_180 = arith.addf %sub3A_177, %add3A_179 : vector<8x1xf32>
    %mul3A_181 = arith.mulf %add3A_176, %add3A_180 : vector<8x1xf32>
    %add3A_182 = vector.broadcast %mul3A_181 : vector<8x1xf32> to vector<8x12288xf32>
    %add3A_183 = arith.addf %get3A_15, %add3A_182 : vector<8x12288xf32>
    %sub3A_184 = arith.subf %add3A_183, %mul3A_172 : vector<8x12288xf32>
    %div3A_185 = arith.divf %mul3A_172, %sub3A_184 : vector<8x12288xf32>
    %mul3A_186 = arith.constant 10 : i32
    %mul3A_187 = arith.muli %arg0, %mul3A_186 : i32
    %add3A_188 = arith.constant 2 : i32
    %add3A_189 = arith.addi %mul3A_187, %add3A_188 : i32
    %get3A_190 = arith.constant 3 : index
    %get3A_191 = arith.constant 0 : index
    %get3A_192 = arith.constant 0 : index
    %get3A_193 = vector.load %arg5[%get3A_190, %get3A_191, %get3A_192] : memref<10x8x1xf32, #tpu.memory_space<vmem>>, vector<1x8x1xf32>
    %get3A_194 = vector.shape_cast %get3A_193 : vector<1x8x1xf32> to vector<8x1xf32>
    %get3A_195 = arith.constant 3 : index
    %get3A_196 = arith.constant 0 : index
    %get3A_197 = arith.constant 0 : index
    %get3A_198 = vector.load %arg6[%get3A_195, %get3A_196, %get3A_197] : memref<10x8x1xf32, #tpu.memory_space<vmem>>, vector<1x8x1xf32>
    %get3A_199 = vector.shape_cast %get3A_198 : vector<1x8x1xf32> to vector<8x1xf32>
    %get3A_200 = arith.constant 3 : index
    %get3A_201 = arith.constant 0 : index
    %get3A_202 = arith.constant 0 : index
    %get3A_203 = vector.load %arg7[%get3A_200, %get3A_201, %get3A_202] : memref<10x8x1xf32, #tpu.memory_space<vmem>>, vector<1x8x1xf32>
    %get3A_204 = vector.shape_cast %get3A_203 : vector<1x8x1xf32> to vector<8x1xf32>
    %get3A_205 = arith.constant 3 : index
    %get3A_206 = arith.constant 0 : index
    %get3A_207 = arith.constant 0 : index
    %get3A_208 = vector.load %arg8[%get3A_205, %get3A_206, %get3A_207] : memref<10x8x1xf32, #tpu.memory_space<vmem>>, vector<1x8x1xf32>
    %get3A_209 = vector.shape_cast %get3A_208 : vector<1x8x1xf32> to vector<8x1xf32>
    %min3A_210 = vector.broadcast %get3A_204 : vector<8x1xf32> to vector<8x12288xf32>
    %min3A_211 = arith.minimumf %get3A_7, %min3A_210 : vector<8x12288xf32>
    %max3A_212 = vector.broadcast %get3A_194 : vector<8x1xf32> to vector<8x12288xf32>
    %max3A_213 = arith.maximumf %get3A_1, %max3A_212 : vector<8x12288xf32>
    %sub3A_214 = arith.subf %min3A_211, %max3A_213 : vector<8x12288xf32>
    %add3A_215 = arith.constant 1.000000e+00 : f32
    %add3A_216 = vector.broadcast %add3A_215 : f32 to vector<8x12288xf32>
    %add3A_217 = arith.addf %sub3A_214, %add3A_216 : vector<8x12288xf32>
    %max3A_218 = arith.constant 0.000000e+00 : f32
    %max3A_219 = vector.broadcast %max3A_218 : f32 to vector<8x12288xf32>
    %max3A_220 = arith.maximumf %add3A_217, %max3A_219 : vector<8x12288xf32>
    %min3A_221 = vector.broadcast %get3A_209 : vector<8x1xf32> to vector<8x12288xf32>
    %min3A_222 = arith.minimumf %get3A_10, %min3A_221 : vector<8x12288xf32>
    %max3A_223 = vector.broadcast %get3A_199 : vector<8x1xf32> to vector<8x12288xf32>
    %max3A_224 = arith.maximumf %get3A_4, %max3A_223 : vector<8x12288xf32>
    %sub3A_225 = arith.subf %min3A_222, %max3A_224 : vector<8x12288xf32>
    %add3A_226 = arith.constant 1.000000e+00 : f32
    %add3A_227 = vector.broadcast %add3A_226 : f32 to vector<8x12288xf32>
    %add3A_228 = arith.addf %sub3A_225, %add3A_227 : vector<8x12288xf32>
    %max3A_229 = arith.constant 0.000000e+00 : f32
    %max3A_230 = vector.broadcast %max3A_229 : f32 to vector<8x12288xf32>
    %max3A_231 = arith.maximumf %add3A_228, %max3A_230 : vector<8x12288xf32>
    %mul3A_232 = arith.mulf %max3A_220, %max3A_231 : vector<8x12288xf32>
    %sub3A_233 = arith.subf %get3A_204, %get3A_194 : vector<8x1xf32>
    %add3A_234 = arith.constant 1.000000e+00 : f32
    %add3A_235 = vector.broadcast %add3A_234 : f32 to vector<8x1xf32>
    %add3A_236 = arith.addf %sub3A_233, %add3A_235 : vector<8x1xf32>
    %sub3A_237 = arith.subf %get3A_209, %get3A_199 : vector<8x1xf32>
    %add3A_238 = arith.constant 1.000000e+00 : f32
    %add3A_239 = vector.broadcast %add3A_238 : f32 to vector<8x1xf32>
    %add3A_240 = arith.addf %sub3A_237, %add3A_239 : vector<8x1xf32>
    %mul3A_241 = arith.mulf %add3A_236, %add3A_240 : vector<8x1xf32>
    %add3A_242 = vector.broadcast %mul3A_241 : vector<8x1xf32> to vector<8x12288xf32>
    %add3A_243 = arith.addf %get3A_15, %add3A_242 : vector<8x12288xf32>
    %sub3A_244 = arith.subf %add3A_243, %mul3A_232 : vector<8x12288xf32>
    %div3A_245 = arith.divf %mul3A_232, %sub3A_244 : vector<8x12288xf32>
    %mul3A_246 = arith.constant 10 : i32
    %mul3A_247 = arith.muli %arg0, %mul3A_246 : i32
    %add3A_248 = arith.constant 3 : i32
    %add3A_249 = arith.addi %mul3A_247, %add3A_248 : i32
    %get3A_250 = arith.constant 4 : index
    %get3A_251 = arith.constant 0 : index
    %get3A_252 = arith.constant 0 : index
    %get3A_253 = vector.load %arg5[%get3A_250, %get3A_251, %get3A_252] : memref<10x8x1xf32, #tpu.memory_space<vmem>>, vector<1x8x1xf32>
    %get3A_254 = vector.shape_cast %get3A_253 : vector<1x8x1xf32> to vector<8x1xf32>
    %get3A_255 = arith.constant 4 : index
    %get3A_256 = arith.constant 0 : index
    %get3A_257 = arith.constant 0 : index
    %get3A_258 = vector.load %arg6[%get3A_255, %get3A_256, %get3A_257] : memref<10x8x1xf32, #tpu.memory_space<vmem>>, vector<1x8x1xf32>
    %get3A_259 = vector.shape_cast %get3A_258 : vector<1x8x1xf32> to vector<8x1xf32>
    %get3A_260 = arith.constant 4 : index
    %get3A_261 = arith.constant 0 : index
    %get3A_262 = arith.constant 0 : index
    %get3A_263 = vector.load %arg7[%get3A_260, %get3A_261, %get3A_262] : memref<10x8x1xf32, #tpu.memory_space<vmem>>, vector<1x8x1xf32>
    %get3A_264 = vector.shape_cast %get3A_263 : vector<1x8x1xf32> to vector<8x1xf32>
    %get3A_265 = arith.constant 4 : index
    %get3A_266 = arith.constant 0 : index
    %get3A_267 = arith.constant 0 : index
    %get3A_268 = vector.load %arg8[%get3A_265, %get3A_266, %get3A_267] : memref<10x8x1xf32, #tpu.memory_space<vmem>>, vector<1x8x1xf32>
    %get3A_269 = vector.shape_cast %get3A_268 : vector<1x8x1xf32> to vector<8x1xf32>
    %min3A_270 = vector.broadcast %get3A_264 : vector<8x1xf32> to vector<8x12288xf32>
    %min3A_271 = arith.minimumf %get3A_7, %min3A_270 : vector<8x12288xf32>
    %max3A_272 = vector.broadcast %get3A_254 : vector<8x1xf32> to vector<8x12288xf32>
    %max3A_273 = arith.maximumf %get3A_1, %max3A_272 : vector<8x12288xf32>
    %sub3A_274 = arith.subf %min3A_271, %max3A_273 : vector<8x12288xf32>
    %add3A_275 = arith.constant 1.000000e+00 : f32
    %add3A_276 = vector.broadcast %add3A_275 : f32 to vector<8x12288xf32>
    %add3A_277 = arith.addf %sub3A_274, %add3A_276 : vector<8x12288xf32>
    %max3A_278 = arith.constant 0.000000e+00 : f32
    %max3A_279 = vector.broadcast %max3A_278 : f32 to vector<8x12288xf32>
    %max3A_280 = arith.maximumf %add3A_277, %max3A_279 : vector<8x12288xf32>
    %min3A_281 = vector.broadcast %get3A_269 : vector<8x1xf32> to vector<8x12288xf32>
    %min3A_282 = arith.minimumf %get3A_10, %min3A_281 : vector<8x12288xf32>
    %max3A_283 = vector.broadcast %get3A_259 : vector<8x1xf32> to vector<8x12288xf32>
    %max3A_284 = arith.maximumf %get3A_4, %max3A_283 : vector<8x12288xf32>
    %sub3A_285 = arith.subf %min3A_282, %max3A_284 : vector<8x12288xf32>
    %add3A_286 = arith.constant 1.000000e+00 : f32
    %add3A_287 = vector.broadcast %add3A_286 : f32 to vector<8x12288xf32>
    %add3A_288 = arith.addf %sub3A_285, %add3A_287 : vector<8x12288xf32>
    %max3A_289 = arith.constant 0.000000e+00 : f32
    %max3A_290 = vector.broadcast %max3A_289 : f32 to vector<8x12288xf32>
    %max3A_291 = arith.maximumf %add3A_288, %max3A_290 : vector<8x12288xf32>
    %mul3A_292 = arith.mulf %max3A_280, %max3A_291 : vector<8x12288xf32>
    %sub3A_293 = arith.subf %get3A_264, %get3A_254 : vector<8x1xf32>
    %add3A_294 = arith.constant 1.000000e+00 : f32
    %add3A_295 = vector.broadcast %add3A_294 : f32 to vector<8x1xf32>
    %add3A_296 = arith.addf %sub3A_293, %add3A_295 : vector<8x1xf32>
    %sub3A_297 = arith.subf %get3A_269, %get3A_259 : vector<8x1xf32>
    %add3A_298 = arith.constant 1.000000e+00 : f32
    %add3A_299 = vector.broadcast %add3A_298 : f32 to vector<8x1xf32>
    %add3A_300 = arith.addf %sub3A_297, %add3A_299 : vector<8x1xf32>
    %mul3A_301 = arith.mulf %add3A_296, %add3A_300 : vector<8x1xf32>
    %add3A_302 = vector.broadcast %mul3A_301 : vector<8x1xf32> to vector<8x12288xf32>
    %add3A_303 = arith.addf %get3A_15, %add3A_302 : vector<8x12288xf32>
    %sub3A_304 = arith.subf %add3A_303, %mul3A_292 : vector<8x12288xf32>
    %div3A_305 = arith.divf %mul3A_292, %sub3A_304 : vector<8x12288xf32>
    %mul3A_306 = arith.constant 10 : i32
    %mul3A_307 = arith.muli %arg0, %mul3A_306 : i32
    %add3A_308 = arith.constant 4 : i32
    %add3A_309 = arith.addi %mul3A_307, %add3A_308 : i32
    %get3A_310 = arith.constant 5 : index
    %get3A_311 = arith.constant 0 : index
    %get3A_312 = arith.constant 0 : index
    %get3A_313 = vector.load %arg5[%get3A_310, %get3A_311, %get3A_312] : memref<10x8x1xf32, #tpu.memory_space<vmem>>, vector<1x8x1xf32>
    %get3A_314 = vector.shape_cast %get3A_313 : vector<1x8x1xf32> to vector<8x1xf32>
    %get3A_315 = arith.constant 5 : index
    %get3A_316 = arith.constant 0 : index
    %get3A_317 = arith.constant 0 : index
    %get3A_318 = vector.load %arg6[%get3A_315, %get3A_316, %get3A_317] : memref<10x8x1xf32, #tpu.memory_space<vmem>>, vector<1x8x1xf32>
    %get3A_319 = vector.shape_cast %get3A_318 : vector<1x8x1xf32> to vector<8x1xf32>
    %get3A_320 = arith.constant 5 : index
    %get3A_321 = arith.constant 0 : index
    %get3A_322 = arith.constant 0 : index
    %get3A_323 = vector.load %arg7[%get3A_320, %get3A_321, %get3A_322] : memref<10x8x1xf32, #tpu.memory_space<vmem>>, vector<1x8x1xf32>
    %get3A_324 = vector.shape_cast %get3A_323 : vector<1x8x1xf32> to vector<8x1xf32>
    %get3A_325 = arith.constant 5 : index
    %get3A_326 = arith.constant 0 : index
    %get3A_327 = arith.constant 0 : index
    %get3A_328 = vector.load %arg8[%get3A_325, %get3A_326, %get3A_327] : memref<10x8x1xf32, #tpu.memory_space<vmem>>, vector<1x8x1xf32>
    %get3A_329 = vector.shape_cast %get3A_328 : vector<1x8x1xf32> to vector<8x1xf32>
    %min3A_330 = vector.broadcast %get3A_324 : vector<8x1xf32> to vector<8x12288xf32>
    %min3A_331 = arith.minimumf %get3A_7, %min3A_330 : vector<8x12288xf32>
    %max3A_332 = vector.broadcast %get3A_314 : vector<8x1xf32> to vector<8x12288xf32>
    %max3A_333 = arith.maximumf %get3A_1, %max3A_332 : vector<8x12288xf32>
    %sub3A_334 = arith.subf %min3A_331, %max3A_333 : vector<8x12288xf32>
    %add3A_335 = arith.constant 1.000000e+00 : f32
    %add3A_336 = vector.broadcast %add3A_335 : f32 to vector<8x12288xf32>
    %add3A_337 = arith.addf %sub3A_334, %add3A_336 : vector<8x12288xf32>
    %max3A_338 = arith.constant 0.000000e+00 : f32
    %max3A_339 = vector.broadcast %max3A_338 : f32 to vector<8x12288xf32>
    %max3A_340 = arith.maximumf %add3A_337, %max3A_339 : vector<8x12288xf32>
    %min3A_341 = vector.broadcast %get3A_329 : vector<8x1xf32> to vector<8x12288xf32>
    %min3A_342 = arith.minimumf %get3A_10, %min3A_341 : vector<8x12288xf32>
    %max3A_343 = vector.broadcast %get3A_319 : vector<8x1xf32> to vector<8x12288xf32>
    %max3A_344 = arith.maximumf %get3A_4, %max3A_343 : vector<8x12288xf32>
    %sub3A_345 = arith.subf %min3A_342, %max3A_344 : vector<8x12288xf32>
    %add3A_346 = arith.constant 1.000000e+00 : f32
    %add3A_347 = vector.broadcast %add3A_346 : f32 to vector<8x12288xf32>
    %add3A_348 = arith.addf %sub3A_345, %add3A_347 : vector<8x12288xf32>
    %max3A_349 = arith.constant 0.000000e+00 : f32
    %max3A_350 = vector.broadcast %max3A_349 : f32 to vector<8x12288xf32>
    %max3A_351 = arith.maximumf %add3A_348, %max3A_350 : vector<8x12288xf32>
    %mul3A_352 = arith.mulf %max3A_340, %max3A_351 : vector<8x12288xf32>
    %sub3A_353 = arith.subf %get3A_324, %get3A_314 : vector<8x1xf32>
    %add3A_354 = arith.constant 1.000000e+00 : f32
    %add3A_355 = vector.broadcast %add3A_354 : f32 to vector<8x1xf32>
    %add3A_356 = arith.addf %sub3A_353, %add3A_355 : vector<8x1xf32>
    %sub3A_357 = arith.subf %get3A_329, %get3A_319 : vector<8x1xf32>
    %add3A_358 = arith.constant 1.000000e+00 : f32
    %add3A_359 = vector.broadcast %add3A_358 : f32 to vector<8x1xf32>
    %add3A_360 = arith.addf %sub3A_357, %add3A_359 : vector<8x1xf32>
    %mul3A_361 = arith.mulf %add3A_356, %add3A_360 : vector<8x1xf32>
    %add3A_362 = vector.broadcast %mul3A_361 : vector<8x1xf32> to vector<8x12288xf32>
    %add3A_363 = arith.addf %get3A_15, %add3A_362 : vector<8x12288xf32>
    %sub3A_364 = arith.subf %add3A_363, %mul3A_352 : vector<8x12288xf32>
    %div3A_365 = arith.divf %mul3A_352, %sub3A_364 : vector<8x12288xf32>
    %mul3A_366 = arith.constant 10 : i32
    %mul3A_367 = arith.muli %arg0, %mul3A_366 : i32
    %add3A_368 = arith.constant 5 : i32
    %add3A_369 = arith.addi %mul3A_367, %add3A_368 : i32
    %get3A_370 = arith.constant 6 : index
    %get3A_371 = arith.constant 0 : index
    %get3A_372 = arith.constant 0 : index
    %get3A_373 = vector.load %arg5[%get3A_370, %get3A_371, %get3A_372] : memref<10x8x1xf32, #tpu.memory_space<vmem>>, vector<1x8x1xf32>
    %get3A_374 = vector.shape_cast %get3A_373 : vector<1x8x1xf32> to vector<8x1xf32>
    %get3A_375 = arith.constant 6 : index
    %get3A_376 = arith.constant 0 : index
    %get3A_377 = arith.constant 0 : index
    %get3A_378 = vector.load %arg6[%get3A_375, %get3A_376, %get3A_377] : memref<10x8x1xf32, #tpu.memory_space<vmem>>, vector<1x8x1xf32>
    %get3A_379 = vector.shape_cast %get3A_378 : vector<1x8x1xf32> to vector<8x1xf32>
    %get3A_380 = arith.constant 6 : index
    %get3A_381 = arith.constant 0 : index
    %get3A_382 = arith.constant 0 : index
    %get3A_383 = vector.load %arg7[%get3A_380, %get3A_381, %get3A_382] : memref<10x8x1xf32, #tpu.memory_space<vmem>>, vector<1x8x1xf32>
    %get3A_384 = vector.shape_cast %get3A_383 : vector<1x8x1xf32> to vector<8x1xf32>
    %get3A_385 = arith.constant 6 : index
    %get3A_386 = arith.constant 0 : index
    %get3A_387 = arith.constant 0 : index
    %get3A_388 = vector.load %arg8[%get3A_385, %get3A_386, %get3A_387] : memref<10x8x1xf32, #tpu.memory_space<vmem>>, vector<1x8x1xf32>
    %get3A_389 = vector.shape_cast %get3A_388 : vector<1x8x1xf32> to vector<8x1xf32>
    %min3A_390 = vector.broadcast %get3A_384 : vector<8x1xf32> to vector<8x12288xf32>
    %min3A_391 = arith.minimumf %get3A_7, %min3A_390 : vector<8x12288xf32>
    %max3A_392 = vector.broadcast %get3A_374 : vector<8x1xf32> to vector<8x12288xf32>
    %max3A_393 = arith.maximumf %get3A_1, %max3A_392 : vector<8x12288xf32>
    %sub3A_394 = arith.subf %min3A_391, %max3A_393 : vector<8x12288xf32>
    %add3A_395 = arith.constant 1.000000e+00 : f32
    %add3A_396 = vector.broadcast %add3A_395 : f32 to vector<8x12288xf32>
    %add3A_397 = arith.addf %sub3A_394, %add3A_396 : vector<8x12288xf32>
    %max3A_398 = arith.constant 0.000000e+00 : f32
    %max3A_399 = vector.broadcast %max3A_398 : f32 to vector<8x12288xf32>
    %max3A_400 = arith.maximumf %add3A_397, %max3A_399 : vector<8x12288xf32>
    %min3A_401 = vector.broadcast %get3A_389 : vector<8x1xf32> to vector<8x12288xf32>
    %min3A_402 = arith.minimumf %get3A_10, %min3A_401 : vector<8x12288xf32>
    %max3A_403 = vector.broadcast %get3A_379 : vector<8x1xf32> to vector<8x12288xf32>
    %max3A_404 = arith.maximumf %get3A_4, %max3A_403 : vector<8x12288xf32>
    %sub3A_405 = arith.subf %min3A_402, %max3A_404 : vector<8x12288xf32>
    %add3A_406 = arith.constant 1.000000e+00 : f32
    %add3A_407 = vector.broadcast %add3A_406 : f32 to vector<8x12288xf32>
    %add3A_408 = arith.addf %sub3A_405, %add3A_407 : vector<8x12288xf32>
    %max3A_409 = arith.constant 0.000000e+00 : f32
    %max3A_410 = vector.broadcast %max3A_409 : f32 to vector<8x12288xf32>
    %max3A_411 = arith.maximumf %add3A_408, %max3A_410 : vector<8x12288xf32>
    %mul3A_412 = arith.mulf %max3A_400, %max3A_411 : vector<8x12288xf32>
    %sub3A_413 = arith.subf %get3A_384, %get3A_374 : vector<8x1xf32>
    %add3A_414 = arith.constant 1.000000e+00 : f32
    %add3A_415 = vector.broadcast %add3A_414 : f32 to vector<8x1xf32>
    %add3A_416 = arith.addf %sub3A_413, %add3A_415 : vector<8x1xf32>
    %sub3A_417 = arith.subf %get3A_389, %get3A_379 : vector<8x1xf32>
    %add3A_418 = arith.constant 1.000000e+00 : f32
    %add3A_419 = vector.broadcast %add3A_418 : f32 to vector<8x1xf32>
    %add3A_420 = arith.addf %sub3A_417, %add3A_419 : vector<8x1xf32>
    %mul3A_421 = arith.mulf %add3A_416, %add3A_420 : vector<8x1xf32>
    %add3A_422 = vector.broadcast %mul3A_421 : vector<8x1xf32> to vector<8x12288xf32>
    %add3A_423 = arith.addf %get3A_15, %add3A_422 : vector<8x12288xf32>
    %sub3A_424 = arith.subf %add3A_423, %mul3A_412 : vector<8x12288xf32>
    %div3A_425 = arith.divf %mul3A_412, %sub3A_424 : vector<8x12288xf32>
    %mul3A_426 = arith.constant 10 : i32
    %mul3A_427 = arith.muli %arg0, %mul3A_426 : i32
    %add3A_428 = arith.constant 6 : i32
    %add3A_429 = arith.addi %mul3A_427, %add3A_428 : i32
    %get3A_430 = arith.constant 7 : index
    %get3A_431 = arith.constant 0 : index
    %get3A_432 = arith.constant 0 : index
    %get3A_433 = vector.load %arg5[%get3A_430, %get3A_431, %get3A_432] : memref<10x8x1xf32, #tpu.memory_space<vmem>>, vector<1x8x1xf32>
    %get3A_434 = vector.shape_cast %get3A_433 : vector<1x8x1xf32> to vector<8x1xf32>
    %get3A_435 = arith.constant 7 : index
    %get3A_436 = arith.constant 0 : index
    %get3A_437 = arith.constant 0 : index
    %get3A_438 = vector.load %arg6[%get3A_435, %get3A_436, %get3A_437] : memref<10x8x1xf32, #tpu.memory_space<vmem>>, vector<1x8x1xf32>
    %get3A_439 = vector.shape_cast %get3A_438 : vector<1x8x1xf32> to vector<8x1xf32>
    %get3A_440 = arith.constant 7 : index
    %get3A_441 = arith.constant 0 : index
    %get3A_442 = arith.constant 0 : index
    %get3A_443 = vector.load %arg7[%get3A_440, %get3A_441, %get3A_442] : memref<10x8x1xf32, #tpu.memory_space<vmem>>, vector<1x8x1xf32>
    %get3A_444 = vector.shape_cast %get3A_443 : vector<1x8x1xf32> to vector<8x1xf32>
    %get3A_445 = arith.constant 7 : index
    %get3A_446 = arith.constant 0 : index
    %get3A_447 = arith.constant 0 : index
    %get3A_448 = vector.load %arg8[%get3A_445, %get3A_446, %get3A_447] : memref<10x8x1xf32, #tpu.memory_space<vmem>>, vector<1x8x1xf32>
    %get3A_449 = vector.shape_cast %get3A_448 : vector<1x8x1xf32> to vector<8x1xf32>
    %min3A_450 = vector.broadcast %get3A_444 : vector<8x1xf32> to vector<8x12288xf32>
    %min3A_451 = arith.minimumf %get3A_7, %min3A_450 : vector<8x12288xf32>
    %max3A_452 = vector.broadcast %get3A_434 : vector<8x1xf32> to vector<8x12288xf32>
    %max3A_453 = arith.maximumf %get3A_1, %max3A_452 : vector<8x12288xf32>
    %sub3A_454 = arith.subf %min3A_451, %max3A_453 : vector<8x12288xf32>
    %add3A_455 = arith.constant 1.000000e+00 : f32
    %add3A_456 = vector.broadcast %add3A_455 : f32 to vector<8x12288xf32>
    %add3A_457 = arith.addf %sub3A_454, %add3A_456 : vector<8x12288xf32>
    %max3A_458 = arith.constant 0.000000e+00 : f32
    %max3A_459 = vector.broadcast %max3A_458 : f32 to vector<8x12288xf32>
    %max3A_460 = arith.maximumf %add3A_457, %max3A_459 : vector<8x12288xf32>
    %min3A_461 = vector.broadcast %get3A_449 : vector<8x1xf32> to vector<8x12288xf32>
    %min3A_462 = arith.minimumf %get3A_10, %min3A_461 : vector<8x12288xf32>
    %max3A_463 = vector.broadcast %get3A_439 : vector<8x1xf32> to vector<8x12288xf32>
    %max3A_464 = arith.maximumf %get3A_4, %max3A_463 : vector<8x12288xf32>
    %sub3A_465 = arith.subf %min3A_462, %max3A_464 : vector<8x12288xf32>
    %add3A_466 = arith.constant 1.000000e+00 : f32
    %add3A_467 = vector.broadcast %add3A_466 : f32 to vector<8x12288xf32>
    %add3A_468 = arith.addf %sub3A_465, %add3A_467 : vector<8x12288xf32>
    %max3A_469 = arith.constant 0.000000e+00 : f32
    %max3A_470 = vector.broadcast %max3A_469 : f32 to vector<8x12288xf32>
    %max3A_471 = arith.maximumf %add3A_468, %max3A_470 : vector<8x12288xf32>
    %mul3A_472 = arith.mulf %max3A_460, %max3A_471 : vector<8x12288xf32>
    %sub3A_473 = arith.subf %get3A_444, %get3A_434 : vector<8x1xf32>
    %add3A_474 = arith.constant 1.000000e+00 : f32
    %add3A_475 = vector.broadcast %add3A_474 : f32 to vector<8x1xf32>
    %add3A_476 = arith.addf %sub3A_473, %add3A_475 : vector<8x1xf32>
    %sub3A_477 = arith.subf %get3A_449, %get3A_439 : vector<8x1xf32>
    %add3A_478 = arith.constant 1.000000e+00 : f32
    %add3A_479 = vector.broadcast %add3A_478 : f32 to vector<8x1xf32>
    %add3A_480 = arith.addf %sub3A_477, %add3A_479 : vector<8x1xf32>
    %mul3A_481 = arith.mulf %add3A_476, %add3A_480 : vector<8x1xf32>
    %add3A_482 = vector.broadcast %mul3A_481 : vector<8x1xf32> to vector<8x12288xf32>
    %add3A_483 = arith.addf %get3A_15, %add3A_482 : vector<8x12288xf32>
    %sub3A_484 = arith.subf %add3A_483, %mul3A_472 : vector<8x12288xf32>
    %div3A_485 = arith.divf %mul3A_472, %sub3A_484 : vector<8x12288xf32>
    %mul3A_486 = arith.constant 10 : i32
    %mul3A_487 = arith.muli %arg0, %mul3A_486 : i32
    %add3A_488 = arith.constant 7 : i32
    %add3A_489 = arith.addi %mul3A_487, %add3A_488 : i32
    %get3A_490 = arith.constant 8 : index
    %get3A_491 = arith.constant 0 : index
    %get3A_492 = arith.constant 0 : index
    %get3A_493 = vector.load %arg5[%get3A_490, %get3A_491, %get3A_492] : memref<10x8x1xf32, #tpu.memory_space<vmem>>, vector<1x8x1xf32>
    %get3A_494 = vector.shape_cast %get3A_493 : vector<1x8x1xf32> to vector<8x1xf32>
    %get3A_495 = arith.constant 8 : index
    %get3A_496 = arith.constant 0 : index
    %get3A_497 = arith.constant 0 : index
    %get3A_498 = vector.load %arg6[%get3A_495, %get3A_496, %get3A_497] : memref<10x8x1xf32, #tpu.memory_space<vmem>>, vector<1x8x1xf32>
    %get3A_499 = vector.shape_cast %get3A_498 : vector<1x8x1xf32> to vector<8x1xf32>
    %get3A_500 = arith.constant 8 : index
    %get3A_501 = arith.constant 0 : index
    %get3A_502 = arith.constant 0 : index
    %get3A_503 = vector.load %arg7[%get3A_500, %get3A_501, %get3A_502] : memref<10x8x1xf32, #tpu.memory_space<vmem>>, vector<1x8x1xf32>
    %get3A_504 = vector.shape_cast %get3A_503 : vector<1x8x1xf32> to vector<8x1xf32>
    %get3A_505 = arith.constant 8 : index
    %get3A_506 = arith.constant 0 : index
    %get3A_507 = arith.constant 0 : index
    %get3A_508 = vector.load %arg8[%get3A_505, %get3A_506, %get3A_507] : memref<10x8x1xf32, #tpu.memory_space<vmem>>, vector<1x8x1xf32>
    %get3A_509 = vector.shape_cast %get3A_508 : vector<1x8x1xf32> to vector<8x1xf32>
    %min3A_510 = vector.broadcast %get3A_504 : vector<8x1xf32> to vector<8x12288xf32>
    %min3A_511 = arith.minimumf %get3A_7, %min3A_510 : vector<8x12288xf32>
    %max3A_512 = vector.broadcast %get3A_494 : vector<8x1xf32> to vector<8x12288xf32>
    %max3A_513 = arith.maximumf %get3A_1, %max3A_512 : vector<8x12288xf32>
    %sub3A_514 = arith.subf %min3A_511, %max3A_513 : vector<8x12288xf32>
    %add3A_515 = arith.constant 1.000000e+00 : f32
    %add3A_516 = vector.broadcast %add3A_515 : f32 to vector<8x12288xf32>
    %add3A_517 = arith.addf %sub3A_514, %add3A_516 : vector<8x12288xf32>
    %max3A_518 = arith.constant 0.000000e+00 : f32
    %max3A_519 = vector.broadcast %max3A_518 : f32 to vector<8x12288xf32>
    %max3A_520 = arith.maximumf %add3A_517, %max3A_519 : vector<8x12288xf32>
    %min3A_521 = vector.broadcast %get3A_509 : vector<8x1xf32> to vector<8x12288xf32>
    %min3A_522 = arith.minimumf %get3A_10, %min3A_521 : vector<8x12288xf32>
    %max3A_523 = vector.broadcast %get3A_499 : vector<8x1xf32> to vector<8x12288xf32>
    %max3A_524 = arith.maximumf %get3A_4, %max3A_523 : vector<8x12288xf32>
    %sub3A_525 = arith.subf %min3A_522, %max3A_524 : vector<8x12288xf32>
    %add3A_526 = arith.constant 1.000000e+00 : f32
    %add3A_527 = vector.broadcast %add3A_526 : f32 to vector<8x12288xf32>
    %add3A_528 = arith.addf %sub3A_525, %add3A_527 : vector<8x12288xf32>
    %max3A_529 = arith.constant 0.000000e+00 : f32
    %max3A_530 = vector.broadcast %max3A_529 : f32 to vector<8x12288xf32>
    %max3A_531 = arith.maximumf %add3A_528, %max3A_530 : vector<8x12288xf32>
    %mul3A_532 = arith.mulf %max3A_520, %max3A_531 : vector<8x12288xf32>
    %sub3A_533 = arith.subf %get3A_504, %get3A_494 : vector<8x1xf32>
    %add3A_534 = arith.constant 1.000000e+00 : f32
    %add3A_535 = vector.broadcast %add3A_534 : f32 to vector<8x1xf32>
    %add3A_536 = arith.addf %sub3A_533, %add3A_535 : vector<8x1xf32>
    %sub3A_537 = arith.subf %get3A_509, %get3A_499 : vector<8x1xf32>
    %add3A_538 = arith.constant 1.000000e+00 : f32
    %add3A_539 = vector.broadcast %add3A_538 : f32 to vector<8x1xf32>
    %add3A_540 = arith.addf %sub3A_537, %add3A_539 : vector<8x1xf32>
    %mul3A_541 = arith.mulf %add3A_536, %add3A_540 : vector<8x1xf32>
    %add3A_542 = vector.broadcast %mul3A_541 : vector<8x1xf32> to vector<8x12288xf32>
    %add3A_543 = arith.addf %get3A_15, %add3A_542 : vector<8x12288xf32>
    %sub3A_544 = arith.subf %add3A_543, %mul3A_532 : vector<8x12288xf32>
    %div3A_545 = arith.divf %mul3A_532, %sub3A_544 : vector<8x12288xf32>
    %mul3A_546 = arith.constant 10 : i32
    %mul3A_547 = arith.muli %arg0, %mul3A_546 : i32
    %add3A_548 = arith.constant 8 : i32
    %add3A_549 = arith.addi %mul3A_547, %add3A_548 : i32
    %get3A_550 = arith.constant 9 : index
    %get3A_551 = arith.constant 0 : index
    %get3A_552 = arith.constant 0 : index
    %get3A_553 = vector.load %arg5[%get3A_550, %get3A_551, %get3A_552] : memref<10x8x1xf32, #tpu.memory_space<vmem>>, vector<1x8x1xf32>
    %get3A_554 = vector.shape_cast %get3A_553 : vector<1x8x1xf32> to vector<8x1xf32>
    %get3A_555 = arith.constant 9 : index
    %get3A_556 = arith.constant 0 : index
    %get3A_557 = arith.constant 0 : index
    %get3A_558 = vector.load %arg6[%get3A_555, %get3A_556, %get3A_557] : memref<10x8x1xf32, #tpu.memory_space<vmem>>, vector<1x8x1xf32>
    %get3A_559 = vector.shape_cast %get3A_558 : vector<1x8x1xf32> to vector<8x1xf32>
    %get3A_560 = arith.constant 9 : index
    %get3A_561 = arith.constant 0 : index
    %get3A_562 = arith.constant 0 : index
    %get3A_563 = vector.load %arg7[%get3A_560, %get3A_561, %get3A_562] : memref<10x8x1xf32, #tpu.memory_space<vmem>>, vector<1x8x1xf32>
    %get3A_564 = vector.shape_cast %get3A_563 : vector<1x8x1xf32> to vector<8x1xf32>
    %get3A_565 = arith.constant 9 : index
    %get3A_566 = arith.constant 0 : index
    %get3A_567 = arith.constant 0 : index
    %get3A_568 = vector.load %arg8[%get3A_565, %get3A_566, %get3A_567] : memref<10x8x1xf32, #tpu.memory_space<vmem>>, vector<1x8x1xf32>
    %get3A_569 = vector.shape_cast %get3A_568 : vector<1x8x1xf32> to vector<8x1xf32>
    %min3A_570 = vector.broadcast %get3A_564 : vector<8x1xf32> to vector<8x12288xf32>
    %min3A_571 = arith.minimumf %get3A_7, %min3A_570 : vector<8x12288xf32>
    %max3A_572 = vector.broadcast %get3A_554 : vector<8x1xf32> to vector<8x12288xf32>
    %max3A_573 = arith.maximumf %get3A_1, %max3A_572 : vector<8x12288xf32>
    %sub3A_574 = arith.subf %min3A_571, %max3A_573 : vector<8x12288xf32>
    %add3A_575 = arith.constant 1.000000e+00 : f32
    %add3A_576 = vector.broadcast %add3A_575 : f32 to vector<8x12288xf32>
    %add3A_577 = arith.addf %sub3A_574, %add3A_576 : vector<8x12288xf32>
    %max3A_578 = arith.constant 0.000000e+00 : f32
    %max3A_579 = vector.broadcast %max3A_578 : f32 to vector<8x12288xf32>
    %max3A_580 = arith.maximumf %add3A_577, %max3A_579 : vector<8x12288xf32>
    %min3A_581 = vector.broadcast %get3A_569 : vector<8x1xf32> to vector<8x12288xf32>
    %min3A_582 = arith.minimumf %get3A_10, %min3A_581 : vector<8x12288xf32>
    %max3A_583 = vector.broadcast %get3A_559 : vector<8x1xf32> to vector<8x12288xf32>
    %max3A_584 = arith.maximumf %get3A_4, %max3A_583 : vector<8x12288xf32>
    %sub3A_585 = arith.subf %min3A_582, %max3A_584 : vector<8x12288xf32>
    %add3A_586 = arith.constant 1.000000e+00 : f32
    %add3A_587 = vector.broadcast %add3A_586 : f32 to vector<8x12288xf32>
    %add3A_588 = arith.addf %sub3A_585, %add3A_587 : vector<8x12288xf32>
    %max3A_589 = arith.constant 0.000000e+00 : f32
    %max3A_590 = vector.broadcast %max3A_589 : f32 to vector<8x12288xf32>
    %max3A_591 = arith.maximumf %add3A_588, %max3A_590 : vector<8x12288xf32>
    %mul3A_592 = arith.mulf %max3A_580, %max3A_591 : vector<8x12288xf32>
    %sub3A_593 = arith.subf %get3A_564, %get3A_554 : vector<8x1xf32>
    %add3A_594 = arith.constant 1.000000e+00 : f32
    %add3A_595 = vector.broadcast %add3A_594 : f32 to vector<8x1xf32>
    %add3A_596 = arith.addf %sub3A_593, %add3A_595 : vector<8x1xf32>
    %sub3A_597 = arith.subf %get3A_569, %get3A_559 : vector<8x1xf32>
    %add3A_598 = arith.constant 1.000000e+00 : f32
    %add3A_599 = vector.broadcast %add3A_598 : f32 to vector<8x1xf32>
    %add3A_600 = arith.addf %sub3A_597, %add3A_599 : vector<8x1xf32>
    %mul3A_601 = arith.mulf %add3A_596, %add3A_600 : vector<8x1xf32>
    %add3A_602 = vector.broadcast %mul3A_601 : vector<8x1xf32> to vector<8x12288xf32>
    %add3A_603 = arith.addf %get3A_15, %add3A_602 : vector<8x12288xf32>
    %sub3A_604 = arith.subf %add3A_603, %mul3A_592 : vector<8x12288xf32>
    %div3A_605 = arith.divf %mul3A_592, %sub3A_604 : vector<8x12288xf32>
    %mul3A_606 = arith.constant 10 : i32
    %mul3A_607 = arith.muli %arg0, %mul3A_606 : i32
    %add3A_608 = arith.constant 9 : i32
    %add3A_609 = arith.addi %mul3A_607, %add3A_608 : i32
    %gt3A = arith.cmpf ogt, %div3A_125, %div3A : vector<8x12288xf32>
    %select_n3A = arith.select %gt3A, %div3A_125, %div3A : vector<8x12288xi1>, vector<8x12288xf32>
    %broadcast_in_dim3A = vector.broadcast %add3A_129 : i32 to vector<8x12288xi32>
    %broadcast_in_dim3A_610 = vector.broadcast %add3A_69 : i32 to vector<8x12288xi32>
    %select_n3A_611 = arith.select %gt3A, %broadcast_in_dim3A, %broadcast_in_dim3A_610 : vector<8x12288xi1>, vector<8x12288xi32>
    %gt3A_612 = arith.cmpf ogt, %div3A_245, %div3A_185 : vector<8x12288xf32>
    %select_n3A_613 = arith.select %gt3A_612, %div3A_245, %div3A_185 : vector<8x12288xi1>, vector<8x12288xf32>
    %broadcast_in_dim3A_614 = vector.broadcast %add3A_249 : i32 to vector<8x12288xi32>
    %broadcast_in_dim3A_615 = vector.broadcast %add3A_189 : i32 to vector<8x12288xi32>
    %select_n3A_616 = arith.select %gt3A_612, %broadcast_in_dim3A_614, %broadcast_in_dim3A_615 : vector<8x12288xi1>, vector<8x12288xi32>
    %gt3A_617 = arith.cmpf ogt, %div3A_365, %div3A_305 : vector<8x12288xf32>
    %select_n3A_618 = arith.select %gt3A_617, %div3A_365, %div3A_305 : vector<8x12288xi1>, vector<8x12288xf32>
    %broadcast_in_dim3A_619 = vector.broadcast %add3A_369 : i32 to vector<8x12288xi32>
    %broadcast_in_dim3A_620 = vector.broadcast %add3A_309 : i32 to vector<8x12288xi32>
    %select_n3A_621 = arith.select %gt3A_617, %broadcast_in_dim3A_619, %broadcast_in_dim3A_620 : vector<8x12288xi1>, vector<8x12288xi32>
    %gt3A_622 = arith.cmpf ogt, %div3A_485, %div3A_425 : vector<8x12288xf32>
    %select_n3A_623 = arith.select %gt3A_622, %div3A_485, %div3A_425 : vector<8x12288xi1>, vector<8x12288xf32>
    %broadcast_in_dim3A_624 = vector.broadcast %add3A_489 : i32 to vector<8x12288xi32>
    %broadcast_in_dim3A_625 = vector.broadcast %add3A_429 : i32 to vector<8x12288xi32>
    %select_n3A_626 = arith.select %gt3A_622, %broadcast_in_dim3A_624, %broadcast_in_dim3A_625 : vector<8x12288xi1>, vector<8x12288xi32>
    %gt3A_627 = arith.cmpf ogt, %div3A_605, %div3A_545 : vector<8x12288xf32>
    %select_n3A_628 = arith.select %gt3A_627, %div3A_605, %div3A_545 : vector<8x12288xi1>, vector<8x12288xf32>
    %broadcast_in_dim3A_629 = vector.broadcast %add3A_609 : i32 to vector<8x12288xi32>
    %broadcast_in_dim3A_630 = vector.broadcast %add3A_549 : i32 to vector<8x12288xi32>
    %select_n3A_631 = arith.select %gt3A_627, %broadcast_in_dim3A_629, %broadcast_in_dim3A_630 : vector<8x12288xi1>, vector<8x12288xi32>
    %gt3A_632 = arith.cmpf ogt, %select_n3A_613, %select_n3A : vector<8x12288xf32>
    %select_n3A_633 = arith.select %gt3A_632, %select_n3A_613, %select_n3A : vector<8x12288xi1>, vector<8x12288xf32>
    %select_n3A_634 = arith.select %gt3A_632, %select_n3A_616, %select_n3A_611 : vector<8x12288xi1>, vector<8x12288xi32>
    %gt3A_635 = arith.cmpf ogt, %select_n3A_623, %select_n3A_618 : vector<8x12288xf32>
    %select_n3A_636 = arith.select %gt3A_635, %select_n3A_623, %select_n3A_618 : vector<8x12288xi1>, vector<8x12288xf32>
    %select_n3A_637 = arith.select %gt3A_635, %select_n3A_626, %select_n3A_621 : vector<8x12288xi1>, vector<8x12288xi32>
    %gt3A_638 = arith.cmpf ogt, %select_n3A_636, %select_n3A_633 : vector<8x12288xf32>
    %select_n3A_639 = arith.select %gt3A_638, %select_n3A_636, %select_n3A_633 : vector<8x12288xi1>, vector<8x12288xf32>
    %select_n3A_640 = arith.select %gt3A_638, %select_n3A_637, %select_n3A_634 : vector<8x12288xi1>, vector<8x12288xi32>
    %gt3A_641 = arith.cmpf ogt, %select_n3A_628, %select_n3A_639 : vector<8x12288xf32>
    %select_n3A_642 = arith.select %gt3A_641, %select_n3A_628, %select_n3A_639 : vector<8x12288xi1>, vector<8x12288xf32>
    %select_n3A_643 = arith.select %gt3A_641, %select_n3A_631, %select_n3A_640 : vector<8x12288xi1>, vector<8x12288xi32>
    %eq3A_644 = arith.constant 0 : i32
    %eq3A_645 = arith.cmpi eq, %arg0, %eq3A_644 : i32
    %convert_element_type3A_646 = arith.extui %eq3A_645 : i1 to i32
    %cond3A_647 = arith.constant 0 : i32
    %cond3A_648 = arith.cmpi ne, %convert_element_type3A_646, %cond3A_647 : i32
    scf.if %cond3A_648 {
      %swap3A = arith.constant 0 : index
      %swap3A_659 = arith.constant 0 : index
      %swap3A_660 = vector.load %arg11[%swap3A, %swap3A_659] : memref<8x12288xf32, #tpu.memory_space<vmem>>, vector<8x12288xf32>
      tpu.vector_store %arg11[%swap3A, %swap3A_659], %select_n3A_642 {strides = array<i32>} : memref<8x12288xf32, #tpu.memory_space<vmem>>, vector<8x12288xf32>,
      %swap3A_661 = arith.constant 0 : index
      %swap3A_662 = arith.constant 0 : index
      %swap3A_663 = vector.load %arg10[%swap3A_661, %swap3A_662] : memref<8x12288xi32, #tpu.memory_space<vmem>>, vector<8x12288xi32>
      tpu.vector_store %arg10[%swap3A_661, %swap3A_662], %select_n3A_643 {strides = array<i32>} : memref<8x12288xi32, #tpu.memory_space<vmem>>, vector<8x12288xi32>,
    } else {
    }
    %gt3A_649 = arith.constant 0 : i32
    %gt3A_650 = arith.cmpi sgt, %arg0, %gt3A_649 : i32
    %convert_element_type3A_651 = arith.extui %gt3A_650 : i1 to i32
    %cond3A_652 = arith.constant 0 : i32
    %cond3A_653 = arith.cmpi ne, %convert_element_type3A_651, %cond3A_652 : i32
    scf.if %cond3A_653 {
      %get3A_659 = arith.constant 0 : index
      %get3A_660 = arith.constant 0 : index
      %get3A_661 = vector.load %arg11[%get3A_659, %get3A_660] : memref<8x12288xf32, #tpu.memory_space<vmem>>, vector<8x12288xf32>
      %gt3A_662 = arith.cmpf ogt, %select_n3A_642, %get3A_661 : vector<8x12288xf32>
      %select_n3A_663 = arith.select %gt3A_662, %select_n3A_642, %get3A_661 : vector<8x12288xi1>, vector<8x12288xf32>
      %swap3A = arith.constant 0 : index
      %swap3A_664 = arith.constant 0 : index
      %swap3A_665 = vector.load %arg11[%swap3A, %swap3A_664] : memref<8x12288xf32, #tpu.memory_space<vmem>>, vector<8x12288xf32>
      tpu.vector_store %arg11[%swap3A, %swap3A_664], %select_n3A_663 {strides = array<i32>} : memref<8x12288xf32, #tpu.memory_space<vmem>>, vector<8x12288xf32>,
      %get3A_666 = arith.constant 0 : index
      %get3A_667 = arith.constant 0 : index
      %get3A_668 = vector.load %arg10[%get3A_666, %get3A_667] : memref<8x12288xi32, #tpu.memory_space<vmem>>, vector<8x12288xi32>
      %select_n3A_669 = arith.select %gt3A_662, %select_n3A_643, %get3A_668 : vector<8x12288xi1>, vector<8x12288xi32>
      %swap3A_670 = arith.constant 0 : index
      %swap3A_671 = arith.constant 0 : index
      %swap3A_672 = vector.load %arg10[%swap3A_670, %swap3A_671] : memref<8x12288xi32, #tpu.memory_space<vmem>>, vector<8x12288xi32>
      tpu.vector_store %arg10[%swap3A_670, %swap3A_671], %select_n3A_669 {strides = array<i32>} : memref<8x12288xi32, #tpu.memory_space<vmem>>, vector<8x12288xi32>,
    } else {
    }
    %eq3A_654 = arith.constant 9 : i32
    %eq3A_655 = arith.cmpi eq, %arg0, %eq3A_654 : i32
    %convert_element_type3A_656 = arith.extui %eq3A_655 : i1 to i32
    %cond3A_657 = arith.constant 0 : i32
    %cond3A_658 = arith.cmpi ne, %convert_element_type3A_656, %cond3A_657 : i32
    scf.if %cond3A_658 {
      %get3A_659 = arith.constant 0 : index
      %get3A_660 = arith.constant 0 : index
      %get3A_661 = vector.load %arg11[%get3A_659, %get3A_660] : memref<8x12288xf32, #tpu.memory_space<vmem>>, vector<8x12288xf32>
      %iota3A = tpu.iota {dimensions = array<i32: 1>} : vector<8x12288xi32>
      %lt3A = arith.constant 12100 : i32
      %lt3A_662 = vector.broadcast %lt3A : i32 to vector<8x12288xi32>
      %lt3A_663 = arith.cmpi slt, %iota3A, %lt3A_662 : vector<8x12288xi32>
      %gt3A_664 = arith.constant 5.000000e-01 : f32
      %gt3A_665 = vector.broadcast %gt3A_664 : f32 to vector<8x12288xf32>
      %gt3A_666 = arith.cmpf ogt, %get3A_661, %gt3A_665 : vector<8x12288xf32>
      %and3A = arith.andi %gt3A_666, %lt3A_663 : vector<8x12288xi1>
      %convert_element_type3A_667 = arith.extui %and3A : vector<8x12288xi1> to vector<8x12288xi32>
      %lt3A_668 = arith.constant 5.000000e-01 : f32
      %lt3A_669 = vector.broadcast %lt3A_668 : f32 to vector<8x12288xf32>
      %lt3A_670 = arith.cmpf olt, %get3A_661, %lt3A_669 : vector<8x12288xf32>
      %ge3A = arith.constant 0.000000e+00 : f32
      %ge3A_671 = vector.broadcast %ge3A : f32 to vector<8x12288xf32>
      %ge3A_672 = arith.cmpf oge, %get3A_661, %ge3A_671 : vector<8x12288xf32>
      %and3A_673 = arith.andi %lt3A_670, %ge3A_672 : vector<8x12288xi1>
      %and3A_674 = arith.andi %and3A_673, %lt3A_663 : vector<8x12288xi1>
      %convert_element_type3A_675 = arith.extui %and3A_674 : vector<8x12288xi1> to vector<8x12288xi32>
      %get3A_676 = arith.constant 0 : index
      %get3A_677 = arith.constant 0 : index
      %get3A_678 = vector.load %arg10[%get3A_676, %get3A_677] : memref<8x12288xi32, #tpu.memory_space<vmem>>, vector<8x12288xi32>
      %shift_left3A = arith.constant 8 : i32
      %shift_left3A_679 = vector.broadcast %shift_left3A : i32 to vector<8x12288xi32>
      %shift_left3A_680 = arith.shli %convert_element_type3A_667, %shift_left3A_679 : vector<8x12288xi32>
      %or3A = arith.ori %get3A_678, %shift_left3A_680 : vector<8x12288xi32>
      %shift_left3A_681 = arith.constant 9 : i32
      %shift_left3A_682 = vector.broadcast %shift_left3A_681 : i32 to vector<8x12288xi32>
      %shift_left3A_683 = arith.shli %convert_element_type3A_675, %shift_left3A_682 : vector<8x12288xi32>
      %or3A_684 = arith.ori %or3A, %shift_left3A_683 : vector<8x12288xi32>
      %swap3A = arith.constant 0 : index
      %swap3A_685 = arith.constant 0 : index
      %swap3A_686 = vector.load %arg9[%swap3A, %swap3A_685] : memref<8x12288xi32, #tpu.memory_space<vmem>>, vector<8x12288xi32>
      tpu.vector_store %arg9[%swap3A, %swap3A_685], %or3A_684 {strides = array<i32>} : memref<8x12288xi32, #tpu.memory_space<vmem>>, vector<8x12288xi32>,
    } else {
    }
    return
  }
  func.func @transform_0(%arg0: i32) -> (i32, i32) {
    %c0_i32 = arith.constant 0 : i32
    %c0_i32_0 = arith.constant 0 : i32
    %c0_i32_1 = arith.constant 0 : i32
    return %c0_i32, %c0_i32_0 : i32, i32
  }
  func.func @transform_1(%arg0: i32) -> (i32, i32) {
    %c0_i32 = arith.constant 0 : i32
    %c1_i32 = arith.constant 1 : i32
    %c0_i32_0 = arith.constant 0 : i32
    return %c0_i32, %c1_i32 : i32, i32
  }
  func.func @transform_2(%arg0: i32) -> (i32, i32) {
    %c0_i32 = arith.constant 0 : i32
    %c2_i32 = arith.constant 2 : i32
    %c0_i32_0 = arith.constant 0 : i32
    return %c0_i32, %c2_i32 : i32, i32
  }
  func.func @transform_3(%arg0: i32) -> (i32, i32) {
    %c0_i32 = arith.constant 0 : i32
    %c3_i32 = arith.constant 3 : i32
    %c0_i32_0 = arith.constant 0 : i32
    return %c0_i32, %c3_i32 : i32, i32
  }
  func.func @transform_4(%arg0: i32) -> (i32, i32, i32) {
    %c0_i32 = arith.constant 0 : i32
    %c0_i32_0 = arith.constant 0 : i32
    %c0_i32_1 = arith.constant 0 : i32
    return %arg0, %c0_i32, %c0_i32_0 : i32, i32, i32
  }
  func.func @transform_5(%arg0: i32) -> (i32, i32, i32) {
    %c0_i32 = arith.constant 0 : i32
    %c0_i32_0 = arith.constant 0 : i32
    %c0_i32_1 = arith.constant 0 : i32
    return %arg0, %c0_i32, %c0_i32_0 : i32, i32, i32
  }
  func.func @transform_6(%arg0: i32) -> (i32, i32, i32) {
    %c0_i32 = arith.constant 0 : i32
    %c0_i32_0 = arith.constant 0 : i32
    %c0_i32_1 = arith.constant 0 : i32
    return %arg0, %c0_i32, %c0_i32_0 : i32, i32, i32
  }
  func.func @transform_7(%arg0: i32) -> (i32, i32, i32) {
    %c0_i32 = arith.constant 0 : i32
    %c0_i32_0 = arith.constant 0 : i32
    %c0_i32_1 = arith.constant 0 : i32
    return %arg0, %c0_i32, %c0_i32_0 : i32, i32, i32
  }
  func.func @transform_8(%arg0: i32) -> (i32, i32) {
    %c0_i32 = arith.constant 0 : i32
    %c0_i32_0 = arith.constant 0 : i32
    %c0_i32_1 = arith.constant 0 : i32
    return %c0_i32, %c0_i32_0 : i32, i32
  }
}

</mosaic_0001>

<sc_bundles>
// kernel: kernel.4.cloned.1.call-start
scs
__scs_entry_jumppad:
0x0: {  	(pc) =	sbr.rel $0x88, $3  }
0x1: {  	(tag) =	ssettag $0x0;
	lr =	simm.s32 $0x1  }
0x2: {  	[smem:$0x3F9F] =	sst lr;
	_ =	strace $0xD0000000  }
0x3: {  	_ = 	snop  }
0x4: {  	_ = 	snop  }
0x5: {  	_ = 	snop  }
0x6: {  	_ = 	snop  }
0x7: {  	_ = 	snop  }
__scs_overlays_trampoline_lowered:
0x8: {  	[smem:$0x3FAE] =	sst s0  }
0x9: {  	[smem:$0x3FAF] =	sst s1  }
0xa: {  	[smem:$0x3FB0] =	sst s2  }
0xb: {  	[smem:$0x3FB1] =	sst s3  }
0xc: {  	[smem:$0x3FB2] =	sst s4  }
0xd: {  	[smem:$0x3FB3] =	sst s5  }
0xe: {  	[smem:$0x3FB4] =	sst s6  }
0xf: {  	[smem:$0x3FB5] =	sst s7  }
0x10: {  	[smem:$0x3FB6] =	sst s8  }
0x11: {  	[smem:$0x3FB7] =	sst s9;
	s0 =	simm.s32 @!p0 $0x0  }
0x12: {  	s1 =	sld [smem:$0x3F9D];
	s0 =	simm.s32 @p0 $0x1  }
0x13: {  	[smem:$0x3FB8] =	sst s0;
	s0 =	simm.s32 @!p1 $0x0  }
0x14: {  	s2 =	sld [smem:$0x3F9C];
	s0 =	simm.s32 @p1 $0x1  }
0x15: {  	[smem:$0x3FB9] =	sst s0;
	s0 =	simm.s32 @!p2 $0x0  }
0x16: {  	s3 =	sld [smem:$0x3FDB];
	s0 =	simm.s32 @p2 $0x1  }
0x17: {  	s4 =	simm.s32 $0x1BF5;
	[smem:$0x3FBB] =	sst s0  }
0x18: {  	s0 =	sld [smem:$0x3F9E];
	_ =	swait.ge [sflag:s4], $0x0  }
0x19: {  	s7 =	sld [smem:$0x3F9F]  }
0x1a: {  	s8 =	sadd.s32 $0xFFFFE003, lr  }
0x1b: {  	s9 =	sadd.s32 $0xFFFFFEF7, lr;
	s5 =	simm.s32 $0xFFFFFFFF;
	p2 =	slt.u32 s8, $0xFFFFF086  }
0x1c: {  	p1 =	slt.u32 s9, $0xF7A;
	s5 =	simm.s32 @!p2 $0x0  }
0x1d: {  	s5 =	simm.s32 @p1 $0x1;
	p0 =	seq.s32 s7, s2  }
0x1e: {  	s7 =	smul.u32 @!p0 $0xF7A, s2;
	p2 =	seq.s32 @!p0 s5, $0x0  }
0x1f: {  	s9 =	smul.u32 $0xF7A, s1;
	s8 =	simm.s32 @!p0 $0x1BF5;
	p2 =	por !p2, p0  }
0x20: {  	[sflag:s8] =	ssyncset.s32 @!p0 $0xFFFFF086;
	s6 =	sadd.s32 @!p0 s3, s7;
	s7 =	simm.s32 @!p0 $0x108  }
0x21: {  	s3 =	sadd.s32 s3, s9;
	s6 =	sadd.s32 @!p0 $0x88, s6;
	s7 =	simm.s32 @p2 $0x1082  }
0x22: {  	[simem:s7], [sflag:s8] =	dma.local @!p0 [hbm:s6], $0xF7A  }
0x23: {  	s9 =	sor.u32 $0xD0000000, s2;
	s6 =	simm.s32 $0x108;
	_ =	swait.ge @!p0 [sflag:s8], $0x0  }
0x24: {  	s3 =	sadd.s32 $0x88, s3;
	s6 =	simm.s32 @!p1 $0x1082;
	[sflag:s4] =	ssyncset.s32 $0xFFFFF086  }
0x25: {  	[simem:s6], [sflag:s4] =	dma.local [hbm:s3], $0xF7A  }
0x26: {  	[smem:$0x3F9F] =	sst s1;
	(tag) =	ssettag s2;
	_ =	strace s9  }
0x27: {  	s1 =	sld [smem:$0x3FAF]  }
0x28: {  	s2 =	sld [smem:$0x3FB0]  }
0x29: {  	s4 =	sld [smem:$0x3FB2]  }
0x2a: {  	p0 =	seq.s32 s5, $0x0;
	s5 =	sld [smem:$0x3FB3]  }
0x2b: {  	s6 =	sld [smem:$0x3FB4]  }
0x2c: {  	s7 =	sld [smem:$0x3FB5]  }
0x2d: {  	s3 =	simm.s32 $0x108;
	s8 =	sld [smem:$0x3FB6]  }
0x2e: {  	s3 =	simm.s32 @!p0 $0x1082;
	s9 =	sld [smem:$0x3FB7]  }
0x2f: {  	lr =	sadd.s32 s0, s3;
	s0 =	sld [smem:$0x3FAE]  }
0x30: {  	s3 =	sld [smem:$0x3FB1]  }
0x31: {  	[smem:$0x3FBA] =	sst s10  }
0x32: {  	s10 =	sld [smem:$0x3FB8];
	_ =	sdelay $0x3  }
0x33: {  	p0 =	seq.s32 s10, $0x1;
	s10 =	sld [smem:$0x3FBA];
	_ =	sdelay $0x3  }
0x34: {  	[smem:$0x3FBA] =	sst s10  }
0x35: {  	s10 =	sld [smem:$0x3FB9];
	_ =	sdelay $0x3  }
0x36: {  	p1 =	seq.s32 s10, $0x1;
	s10 =	sld [smem:$0x3FBA];
	_ =	sdelay $0x3  }
0x37: {  	[smem:$0x3FBA] =	sst s10  }
0x38: {  	s10 =	sld [smem:$0x3FBB]  }
0x39: {  	_ = 	snop;
	(pc) =	sbr.ind lr, $3  }
0x3a: {  	_ = 	snop  }
0x3b: {  	_ = 	snop  }
0x3c: {  	p2 =	seq.s32 s10, $0x1;
	s10 =	sld [smem:$0x3FBA]  }
0x3d: {  	_ =	shalt  }
0x3e: {  	_ =	shalt  }
0x3f: {  	_ =	shalt  }
0x40: {  	_ =	shalt  }
0x41: {  	_ =	shalt  }
0x42: {  	_ =	shalt  }
0x43: {  	_ =	shalt  }
0x44: {  	_ =	shalt  }
0x45: {  	_ =	shalt  }
0x46: {  	_ =	shalt  }
0x47: {  	_ =	shalt  }
0x48: {  	_ =	shalt  }
0x49: {  	_ =	shalt  }
0x4a: {  	_ =	shalt  }
0x4b: {  	_ =	shalt  }
0x4c: {  	_ =	shalt  }
0x4d: {  	_ =	shalt  }
0x4e: {  	_ =	shalt  }
0x4f: {  	_ =	shalt  }
0x50: {  	_ =	shalt  }
0x51: {  	_ =	shalt  }
0x52: {  	_ =	shalt  }
0x53: {  	_ =	shalt  }
0x54: {  	_ =	shalt  }
0x55: {  	_ =	shalt  }
0x56: {  	_ =	shalt  }
0x57: {  	_ =	shalt  }
0x58: {  	_ =	shalt  }
0x59: {  	_ =	shalt  }
0x5a: {  	_ =	shalt  }
0x5b: {  	_ =	shalt  }
0x5c: {  	_ =	shalt  }
0x5d: {  	_ =	shalt  }
0x5e: {  	_ =	shalt  }
0x5f: {  	_ =	shalt  }
0x60: {  	_ =	shalt  }
0x61: {  	_ =	shalt  }
0x62: {  	_ =	shalt  }
0x63: {  	_ =	shalt  }
0x64: {  	_ =	shalt  }
0x65: {  	_ =	shalt  }
0x66: {  	_ =	shalt  }
0x67: {  	_ =	shalt  }
0x68: {  	_ =	shalt  }
0x69: {  	_ =	shalt  }
0x6a: {  	_ =	shalt  }
0x6b: {  	_ =	shalt  }
0x6c: {  	_ =	shalt  }
0x6d: {  	_ =	shalt  }
0x6e: {  	_ =	shalt  }
0x6f: {  	_ =	shalt  }
0x70: {  	_ =	shalt  }
0x71: {  	_ =	shalt  }
0x72: {  	_ =	shalt  }
0x73: {  	_ =	shalt  }
0x74: {  	_ =	shalt  }
0x75: {  	_ =	shalt  }
0x76: {  	_ =	shalt  }
0x77: {  	_ =	shalt  }
0x78: {  	_ =	shalt  }
0x79: {  	_ =	shalt  }
0x7a: {  	_ =	shalt  }
0x7b: {  	_ =	shalt  }
0x7c: {  	_ =	shalt  }
0x7d: {  	_ =	shalt  }
0x7e: {  	_ =	shalt  }
0x7f: {  	_ =	shalt  }
0x80: {  	_ =	shalt  }
0x81: {  	_ =	shalt  }
0x82: {  	_ =	shalt  }
0x83: {  	_ =	shalt  }
0x84: {  	_ =	shalt  }
0x85: {  	_ =	shalt  }
0x86: {  	_ =	shalt  }
0x87: {  	_ =	shalt  }
.Lfunc_end0:
.L_simem_size_0:
called_computation_lowered:
.L_overlay_start_0:
0x88: {  	s2 =	sld [smem:$0x3FD9]  }
0x89: {  	s3 =	sld [smem:$0x3FFE];
	_ =	sdelay $0x1  }
0x8a: {  	s1 =	srdreg.scid  }
0x8b: {  	s0 =	sand.u32 $0x1, s1  }
0x8c: {  	s14 =	sshll.u32 s0, $0xA;
	s2 =	sadd.s32 s3, s2  }
0x8d: {  	s2 =	sadd.s32 s2, s14  }
0x8e: {  	[smem:$0x3FC6] =	sst s2  }
0x8f: {  	_ = 	snop  }
0x90: {  	s2 =	sld [smem:$0x3FD0];
	_ =	sdelay $0x2  }
0x91: {  	s15 =	simm.s32 $0xA;
	s4 =	simm.s32 $0x10  }
0x92: {  	[smem:s4], [sflag:s15] =	dma.local [hbm:s2], $0x1  }
0x93: {  	_ =	swait.eq [sflag:s15], $0x1  }
0x94: {  	[sflag:s15] =	ssyncset.done $0x0  }
0x95: {  	[sflag:s15] =	ssyncadd.s32 $0xFFFFFFFF  }
0x96: {  	s16 =	sld [smem:$0x10];
	(tm) =	ssettm $0x1  }
0x97: {  	s17 =	sld [smem:$0x3FFB];
	_ =	sdelay $0x3  }
0x98: {  	_ =	strace s17  }
0x99: {  	s3 =	sld [smem:$0x3FFC];
	_ =	sdelay $0x3  }
0x9a: {  	_ =	strace s3  }
0x9b: {  	s3 =	sld [smem:$0x3FFD];
	_ =	sdelay $0x3  }
0x9c: {  	_ =	strace s3  }
0x9d: {  	_ =	strace $0x8FFFFFFF  }
0x9e: {  	s18 =	sld [smem:$0x3FDB];
	_ =	sdelay $0x1  }
0x9f: {  	s19 =	simm.s32 $_scs_section_size  }
0xa0: {  	s5 =	simm.s32 $_size__tile_overlayer_lowered;
	s6 =	simm.s32 $_tile_overlayer_lowered  }
0xa1: {  	s22 =	simm.s32 $0x1BFF;
	s21 =	sshll.u32 s6, $0x1;
	s3 =	sadd.s32 s19, s18  }
0xa2: {  	s7 =	simm.s32 $0x0;
	s20 =	sshll.u32 s5, $0x1;
	s5 =	sadd.s32 s21, s3  }
0xa3: {  	[timem:s7], [sflag:s22] =	dma.local [hbm:s5], s20  }
0xa4: {  	_ =	swait.ge [sflag:s22], s20  }
0xa5: {  	s4 =	ssub.s32 $0x0, s20;
	[sflag:s22] =	ssyncset.done $0x0  }
0xa6: {  	[sflag:s22] =	ssyncadd.s32 s4;
	_ =	sdelay $0x1  }
0xa7: {  	s23 =	simm.s32 $0x1B8B  }
0xa8: {  	_ =	swait.ge [sflag:s23], $0x1  }
0xa9: {  	[sflag:s23] =	ssyncset.done $0x0  }
0xaa: {  	s25 =	simm.s32 $0x1B8E;
	s24 =	sld [smem:$0x3FFE];
	[sflag:s23] =	ssyncadd.s32 $0xFFFFFFFF  }
0xab: {  	s26 =	simm.s32 $execute0_lowered;
	[smem:$0x3FD2] =	sst s25  }
0xac: {  	s5 =	sshll.u32 s26, $0x1;
	_ =	strace $0x80000046;
	[dreg:$0x1] =	wrdreg $0xFFFFFFFF  }
0xad: {  	s28 =	simm.s32 $_size_execute0_lowered;
	s3 =	sadd.s32 s3, s5;
	[dreg:$0x0] =	wrdreg $0x0  }
0xae: {  	s5 =	sshll.u32 s28, $0x1;
	[dreg:$0x2] =	wrdreg s3  }
0xaf: {  	[dreg:$0x3] =	wrdreg s5  }
0xb0: {  	[dreg:$0x4] =	wrdreg $0xC0  }
0xb1: {  	_ =	task [dreg:s7], $0x5FFFF  }
0xb2: {  	[dreg:$0x1] =	wrdreg $0xFFFFFFFF  }
0xb3: {  	[dreg:$0x0] =	wrdreg $0x60  }
0xb4: {  	[dreg:$0x2] =	wrdreg s24  }
0xb5: {  	[dreg:$0x3] =	wrdreg s16  }
0xb6: {  	[dreg:$0x4] =	wrdreg $0x9  }
0xb7: {  	_ =	task.clear_ibuf [dreg:s7], $0x5FFFF;
	_ =	strace $0x90000046  }
0xb8: {  	s29 =	simm.s32 $0x9;
	_ =	strace $0x80000048  }
0xb9: {  	_ =	swait.ge [sflag:s29], $0x1  }
0xba: {  	[sflag:s29] =	ssyncadd.s32 $0xFFFFFFFF  }
0xbb: {  	_ =	strace $0x90000048  }
0xbc: {  	_ =	sfence  }
0xbd: {  	s30 =	sld [smem:$0x0];
	_ =	sdelay $0x2  }
0xbe: {  	s31 =	sshll.u32 s1, $0xD;
	s1 =	sshrl.u32 s1, $0x2  }
0xbf: {  	s3 =	sand.u32 $0x4000, s31;
	s1 =	sadd.s32 s1, s30  }
0xc0: {  	s0 =	sor.u32 s3, s0;
	s1 =	sshll.u32 s1, $0x11  }
0xc1: {  	s0 =	sor.u32 s1, s0  }
0xc2: {  	s0 =	sadd.s32 $0x8F2B, s0  }
0xc3: {  	[sflag:s0] =	ssyncadd.remote.s32 $0x1  }
0xc4: {  	_ =	sfence.sel $0xFFFF  }
0xc5: {  	[dreg:$0x0] =	wrdreg $0xFFFFFFFF;
	(pc) =	sbr.abs _section_cstart, $3  }
0xc6: {  	[dreg:$0x1] =	wrdreg $0xFFFFFFFF  }
0xc7: {  	_ =	task.clear_ibuf [dreg:s7], $0x2FFFF;
	_ =	strace $0x9FFFFFFF  }
0xc8: {  	(tm) =	ssettm $0x7FFFFFFF  }
0xc9: {  	_ =	shalt  }
tec
execute0_lowered:
.L_overlay_start_1:
0x0: {  	(tag) =	ssettag $0x1  }
0x1: {  	s0 =	rddreg [dreg:$0x0]  }
0x2: {  	s1 =	rddreg [dreg:$0x1]  }
0x3: {  	s2 =	simm.s32 $0x0;
	s3 =	srdreg.scid;
	s5 =	stileid.u32  }
0x4: {  	s29 =	simm.s32 $0x80;
	s30 =	simm.s32 $0x400;
	s31 =	simm.s32 $0x5F80  }
0x5: {  	s13 =	simm.s32 $0x12500;
	s9 =	simm.s32 $0x3;
	[smem:$0x7FF] =	sst s2  }
0x6: {  	s6 =	sand.u32 $0x1, s3;
	s7 =	sshll.u32 s5, $0x4;
	p1 =	slt.u32 s5, $0x8  }
0x7: {  	_ =	strace $0x80000047;
	s0 =	sadd.s32 s7, s0;
	s1 =	sadd.s32 s1, s7  }
0x8: {  	s3 =	ssub.s32 $0x2, s6;
	[dreg:$0x3] =	wrdreg s1;
	s14 =	sadd.s32 $0x13400, s0  }
0x9: {  	p0 =	seq.s32 s6, $0x0;
	s15 =	sadd.s32 $0x13480, s0;
	[dreg:$0x4] =	wrdreg s14  }
0xa: {  	p2 =	seq.s32 s6, $0x1;
	s16 =	sadd.s32 $0x13500, s0;
	[dreg:$0x5] =	wrdreg s15  }
0xb: {  	s6 =	simm.s32 $0x12200;
	s17 =	sadd.s32 $0x13580, s0;
	[dreg:$0x6] =	wrdreg s16  }
0xc: {  	s7 =	simm.s32 $0x2;
	s18 =	sadd.s32 $0x13600, s0;
	[dreg:$0x7] =	wrdreg s17  }
0xd: {  	s4 =	sshrl.u32 s3, $0x1;
	s19 =	sadd.s32 $0x13680, s0;
	[dreg:$0x8] =	wrdreg s18  }
0xe: {  	p0 =	por !p1, !p0;
	s20 =	sadd.s32 $0x13700, s0;
	[dreg:$0x9] =	wrdreg s19  }
0xf: {  	s5 =	sadd.s32 $0x1400, s0;
	s21 =	sadd.s32 $0x13780, s0;
	[dreg:$0xa] =	wrdreg s20  }
0x10: {  	p1 =	por !p1, !p2;
	s22 =	sadd.s32 $0x13800, s0;
	[dreg:$0xb] =	wrdreg s21  }
0x11: {  	s23 =	sadd.s32 $0x13880, s0;
	s24 =	sadd.s32 $0x13404, s0;
	[dreg:$0xc] =	wrdreg s22  }
0x12: {  	s25 =	sadd.s32 $0x13484, s0;
	s26 =	sadd.s32 $0x13504, s0;
	[dreg:$0xd] =	wrdreg s23  }
0x13: {  	s1 =	simm.s32 $0x1;
	s8 =	ssub.s32 s3, s4;
	[dreg:$0xe] =	wrdreg s24  }
0x14: {  	p0 =	por !p0, !p0;
	s3 =	sadd.s32 $0xD400, s0;
	[dreg:$0xf] =	wrdreg s25  }
0x15: {  	s4 =	sadd.s32 $0x10400, s0;
	p1 =	por !p1, !p1;
	[dreg:$0x10] =	wrdreg s26  }
.Ltmp0:
0x16: {  	s20 =	sadd.s32 $0x13584, s0;
	s21 =	sadd.s32 $0x13604, s0;
	(pc) =	sbr.rel .LBB2_1-.Ltmp0, $4  }
0x17: {  	s22 =	sadd.s32 $0x13684, s0;
	s23 =	sadd.s32 $0x13704, s0;
	s24 =	sadd.s32 $0x13784, s0  }
0x18: {  	s25 =	sadd.s32 $0x13804, s0;
	s26 =	sadd.s32 $0x13884, s0;
	s0 =	simm.s32 $0x11F80  }
0x19: {  	v0 =	vlaneseq.u32;
	s14 =	simm.s32 $0x12580;
	s15 =	simm.s32 $0x12600;
	s16 =	simm.s32 $0x12680  }
0x1a: {  	v1 =	vimm.s32 $0x0;
	v2 =	vimm.f32 $0.0e+00;
	v3 =	vimm.s32 $0xFFFFFF81;
	s17 =	simm.s32 $0x0;
	s28 =	smax.u32 s8, $0x1;
	s8 =	simm.s32 $0x12700  }
.LBB2_12:
0x1b: {  	_ =	swait.ge [sflag:s7], $0xC000  }
0x1c: {  	[sflag:s7] =	ssyncset.done $0x0  }
0x1d: {  	[sflag:s7] =	ssyncadd.s32 $0xFFFF4000  }
0x1e: {  	v4 =	vld [tilespmem:$0x12200];
	_ =	sdelay $0x7  }
0x1f: {  	v5 =	vld.idx.msk [tilespmem:v4+s31+$0x0], $0xffff  }
0x20: {  	v6 =	vadd.s32 $0x3000, v4;
	_ =	sdelay $0x3  }
0x21: {  	[tilespmem:$0x12280] =	vst v5  }
0x22: {  	v5 =	vld.idx.msk [tilespmem:v6+s31+$0x0], $0xffff  }
0x23: {  	v53 =	vadd.s32 $0x6000, v4;
	_ =	sdelay $0x3  }
0x24: {  	[tilespmem:$0x12300] =	vst v5  }
0x25: {  	v5 =	vld.idx.msk [tilespmem:v53+s31+$0x0], $0xffff  }
0x26: {  	v4 =	vadd.s32 $0x9000, v4;
	_ =	sdelay $0x3  }
0x27: {  	[tilespmem:$0x12380] =	vst v5;
	v5 =	vld [tilespmem:$0x12210]  }
0x28: {  	v4 =	vld.idx.msk [tilespmem:v4+s31+$0x0], $0xffff;
	[tilespmem:$0x12480] =	vst v2  }
0x29: {  	[tilespmem:$0x12500] =	vst v2  }
0x2a: {  	[tilespmem:$0x12580] =	vst v2  }
0x2b: {  	[tilespmem:$0x12600] =	vst v2  }
0x2c: {  	[tilespmem:$0x12680] =	vst v2  }
0x2d: {  	[tilespmem:$0x12700] =	vst v2  }
0x2e: {  	[tilespmem:$0x12400] =	vst v4  }
0x2f: {  	v4 =	vld.idx.msk [tilespmem:v5+s31+$0x0], $0xffff  }
0x30: {  	v54 =	vadd.s32 $0x3000, v5;
	_ =	sdelay $0x3  }
0x31: {  	[tilespmem:$0x12290] =	vst v4  }
0x32: {  	v4 =	vld.idx.msk [tilespmem:v54+s31+$0x0], $0xffff  }
0x33: {  	v55 =	vadd.s32 $0x6000, v5;
	_ =	sdelay $0x3  }
0x34: {  	[tilespmem:$0x12310] =	vst v4  }
0x35: {  	v4 =	vld.idx.msk [tilespmem:v55+s31+$0x0], $0xffff  }
0x36: {  	v5 =	vadd.s32 $0x9000, v5;
	_ =	sdelay $0x3  }
0x37: {  	[tilespmem:$0x12390] =	vst v4  }
0x38: {  	v4 =	vld.idx.msk [tilespmem:v5+s31+$0x0], $0xffff  }
0x39: {  	v5 =	vld [tilespmem:$0x12220]  }
0x3a: {  	[tilespmem:$0x12490] =	vst v2  }
0x3b: {  	[tilespmem:$0x12510] =	vst v2  }
0x3c: {  	[tilespmem:$0x12590] =	vst v2  }
0x3d: {  	[tilespmem:$0x12610] =	vst v2  }
0x3e: {  	[tilespmem:$0x12690] =	vst v2  }
0x3f: {  	[tilespmem:$0x12710] =	vst v2  }
0x40: {  	[tilespmem:$0x12410] =	vst v4  }
0x41: {  	v4 =	vld.idx.msk [tilespmem:v5+s31+$0x0], $0xffff  }
0x42: {  	v56 =	vadd.s32 $0x3000, v5;
	_ =	sdelay $0x3  }
0x43: {  	[tilespmem:$0x122A0] =	vst v4  }
0x44: {  	v4 =	vld.idx.msk [tilespmem:v56+s31+$0x0], $0xffff  }
0x45: {  	v57 =	vadd.s32 $0x6000, v5;
	_ =	sdelay $0x3  }
0x46: {  	[tilespmem:$0x12320] =	vst v4  }
0x47: {  	v4 =	vld.idx.msk [tilespmem:v57+s31+$0x0], $0xffff  }
0x48: {  	v5 =	vadd.s32 $0x9000, v5;
	_ =	sdelay $0x3  }
0x49: {  	[tilespmem:$0x123A0] =	vst v4  }
0x4a: {  	v4 =	vld.idx.msk [tilespmem:v5+s31+$0x0], $0xffff  }
0x4b: {  	v5 =	vld [tilespmem:$0x12230]  }
0x4c: {  	[tilespmem:$0x124A0] =	vst v2  }
0x4d: {  	[tilespmem:$0x12520] =	vst v2  }
0x4e: {  	[tilespmem:$0x125A0] =	vst v2  }
0x4f: {  	[tilespmem:$0x12620] =	vst v2  }
0x50: {  	[tilespmem:$0x126A0] =	vst v2  }
0x51: {  	[tilespmem:$0x12720] =	vst v2  }
0x52: {  	[tilespmem:$0x12420] =	vst v4  }
0x53: {  	v4 =	vld.idx.msk [tilespmem:v5+s31+$0x0], $0xffff  }
0x54: {  	v58 =	vadd.s32 $0x3000, v5;
	_ =	sdelay $0x3  }
0x55: {  	[tilespmem:$0x122B0] =	vst v4  }
0x56: {  	v4 =	vld.idx.msk [tilespmem:v58+s31+$0x0], $0xffff  }
0x57: {  	v59 =	vadd.s32 $0x6000, v5;
	_ =	sdelay $0x3  }
0x58: {  	[tilespmem:$0x12330] =	vst v4  }
0x59: {  	v4 =	vld.idx.msk [tilespmem:v59+s31+$0x0], $0xffff  }
0x5a: {  	v5 =	vadd.s32 $0x9000, v5;
	_ =	sdelay $0x3  }
0x5b: {  	[tilespmem:$0x123B0] =	vst v4  }
0x5c: {  	v4 =	vld.idx.msk [tilespmem:v5+s31+$0x0], $0xffff  }
0x5d: {  	v5 =	vld [tilespmem:$0x12240]  }
0x5e: {  	[tilespmem:$0x124B0] =	vst v2  }
0x5f: {  	[tilespmem:$0x12530] =	vst v2  }
0x60: {  	[tilespmem:$0x125B0] =	vst v2  }
0x61: {  	[tilespmem:$0x12630] =	vst v2  }
0x62: {  	[tilespmem:$0x126B0] =	vst v2  }
0x63: {  	[tilespmem:$0x12730] =	vst v2  }
0x64: {  	[tilespmem:$0x12430] =	vst v4  }
0x65: {  	v4 =	vld.idx.msk [tilespmem:v5+s31+$0x0], $0xffff  }
0x66: {  	v60 =	vadd.s32 $0x3000, v5;
	_ =	sdelay $0x3  }
0x67: {  	[tilespmem:$0x122C0] =	vst v4  }
0x68: {  	v4 =	vld.idx.msk [tilespmem:v60+s31+$0x0], $0xffff  }
0x69: {  	v61 =	vadd.s32 $0x6000, v5;
	_ =	sdelay $0x3  }
0x6a: {  	[tilespmem:$0x12340] =	vst v4  }
0x6b: {  	v4 =	vld.idx.msk [tilespmem:v61+s31+$0x0], $0xffff  }
0x6c: {  	v5 =	vadd.s32 $0x9000, v5;
	_ =	sdelay $0x3  }
0x6d: {  	[tilespmem:$0x123C0] =	vst v4  }
0x6e: {  	v4 =	vld.idx.msk [tilespmem:v5+s31+$0x0], $0xffff  }
0x6f: {  	v5 =	vld [tilespmem:$0x12250]  }
0x70: {  	[tilespmem:$0x124C0] =	vst v2  }
0x71: {  	[tilespmem:$0x12540] =	vst v2  }
0x72: {  	[tilespmem:$0x125C0] =	vst v2  }
0x73: {  	[tilespmem:$0x12640] =	vst v2  }
0x74: {  	[tilespmem:$0x126C0] =	vst v2  }
0x75: {  	[tilespmem:$0x12740] =	vst v2  }
0x76: {  	[tilespmem:$0x12440] =	vst v4  }
0x77: {  	v4 =	vld.idx.msk [tilespmem:v5+s31+$0x0], $0xffff  }
0x78: {  	v62 =	vadd.s32 $0x3000, v5;
	_ =	sdelay $0x3  }
0x79: {  	[tilespmem:$0x122D0] =	vst v4  }
0x7a: {  	v4 =	vld.idx.msk [tilespmem:v62+s31+$0x0], $0xffff  }
0x7b: {  	v63 =	vadd.s32 $0x6000, v5;
	_ =	sdelay $0x3  }
0x7c: {  	[tilespmem:$0x12350] =	vst v4  }
0x7d: {  	v4 =	vld.idx.msk [tilespmem:v63+s31+$0x0], $0xffff  }
0x7e: {  	v5 =	vadd.s32 $0x9000, v5;
	_ =	sdelay $0x3  }
0x7f: {  	[tilespmem:$0x123D0] =	vst v4  }
0x80: {  	v4 =	vld.idx.msk [tilespmem:v5+s31+$0x0], $0xffff;
	[tilespmem:$0x124D0] =	vst v2  }
0x81: {  	[tilespmem:$0x12550] =	vst v2  }
0x82: {  	[tilespmem:$0x125D0] =	vst v2  }
0x83: {  	[tilespmem:$0x12650] =	vst v2  }
0x84: {  	[tilespmem:$0x126D0] =	vst v2  }
0x85: {  	[tilespmem:$0x12750] =	vst v2  }
0x86: {  	s11 =	simm.s32 $0x12280;
	s10 =	rddreg [dreg:$0xe];
	[tilespmem:$0x12450] =	vst v4  }
0x87: {  	[hbm4b:s10+s2] =	stream.linear.scatter [tilespmem:s11], [sflag:$0x3], $0x60, $0x38;
	[tilespmem:$0x12780] =	vst v63  }
0x88: {  	s19 =	simm.s32 $0x12300;
	s18 =	rddreg [dreg:$0xf]  }
0x89: {  	[hbm4b:s18+s2] =	stream.linear.scatter [tilespmem:s19], [sflag:$0x3], $0x60, $0x38;
	[tilespmem:$0x12780] =	vst v63  }
0x8a: {  	s12 =	simm.s32 $0x12380;
	s11 =	rddreg [dreg:$0x10]  }
0x8b: {  	[hbm4b:s11+s2] =	stream.linear.scatter [tilespmem:s12], [sflag:$0x3], $0x60, $0x38;
	[tilespmem:$0x12780] =	vst v63  }
0x8c: {  	s18 =	simm.s32 $0x12400  }
0x8d: {  	[hbm4b:s20+s2] =	stream.linear.scatter [tilespmem:s18], [sflag:$0x3], $0x60, $0x38;
	[tilespmem:$0x12780] =	vst v63  }
0x8e: {  	s19 =	simm.s32 $0x12480  }
0x8f: {  	[hbm4b:s21+s2] =	stream.linear.scatter [tilespmem:s19], [sflag:$0x3], $0x60, $0x38;
	[tilespmem:$0x12780] =	vst v63  }
0x90: {  	_ = 	snop  }
0x91: {  	[hbm4b:s22+s2] =	stream.linear.scatter [tilespmem:s13], [sflag:$0x3], $0x60, $0x38;
	[tilespmem:$0x12780] =	vst v63  }
0x92: {  	_ = 	snop  }
0x93: {  	[hbm4b:s23+s2] =	stream.linear.scatter [tilespmem:s14], [sflag:$0x3], $0x60, $0x38;
	[tilespmem:$0x12780] =	vst v63  }
0x94: {  	_ = 	snop  }
0x95: {  	[hbm4b:s24+s2] =	stream.linear.scatter [tilespmem:s15], [sflag:$0x3], $0x60, $0x38;
	[tilespmem:$0x12780] =	vst v63  }
0x96: {  	_ = 	snop  }
0x97: {  	[hbm4b:s25+s2] =	stream.linear.scatter [tilespmem:s16], [sflag:$0x3], $0x60, $0x38;
	[tilespmem:$0x12780] =	vst v63  }
0x98: {  	_ = 	snop  }
0x99: {  	[hbm4b:s26+s2] =	stream.linear.scatter [tilespmem:s8], [sflag:$0x3], $0x60, $0x38;
	[tilespmem:$0x12780] =	vst v63  }
0x9a: {  	_ =	swait.ge [sflag:s9], $0x60  }
0x9b: {  	[sflag:s9] =	ssyncset.done $0x0  }
0x9c: {  	[sflag:s9] =	ssyncadd.s32 $0xFFFFFFA0  }
0x9d: {  	_ =	swait.ge [sflag:s9], $0x60  }
0x9e: {  	[sflag:s9] =	ssyncset.done $0x0  }
0x9f: {  	[sflag:s9] =	ssyncadd.s32 $0xFFFFFFA0  }
0xa0: {  	_ =	swait.ge [sflag:s9], $0x60  }
0xa1: {  	[sflag:s9] =	ssyncset.done $0x0  }
0xa2: {  	[sflag:s9] =	ssyncadd.s32 $0xFFFFFFA0  }
0xa3: {  	_ =	swait.ge [sflag:s9], $0x60  }
0xa4: {  	[sflag:s9] =	ssyncset.done $0x0  }
0xa5: {  	[sflag:s9] =	ssyncadd.s32 $0xFFFFFFA0  }
0xa6: {  	_ =	swait.ge [sflag:s9], $0x60  }
0xa7: {  	[sflag:s9] =	ssyncset.done $0x0  }
0xa8: {  	[sflag:s9] =	ssyncadd.s32 $0xFFFFFFA0  }
0xa9: {  	_ =	swait.ge [sflag:s9], $0x60  }
0xaa: {  	[sflag:s9] =	ssyncset.done $0x0  }
0xab: {  	[sflag:s9] =	ssyncadd.s32 $0xFFFFFFA0  }
0xac: {  	_ =	swait.ge [sflag:s9], $0x60  }
0xad: {  	[sflag:s9] =	ssyncset.done $0x0  }
0xae: {  	[sflag:s9] =	ssyncadd.s32 $0xFFFFFFA0  }
0xaf: {  	_ =	swait.ge [sflag:s9], $0x60  }
0xb0: {  	[sflag:s9] =	ssyncset.done $0x0  }
0xb1: {  	[sflag:s9] =	ssyncadd.s32 $0xFFFFFFA0  }
0xb2: {  	_ =	swait.ge [sflag:s9], $0x60  }
0xb3: {  	[sflag:s9] =	ssyncset.done $0x0  }
0xb4: {  	[sflag:s9] =	ssyncadd.s32 $0xFFFFFFA0  }
0xb5: {  	_ =	swait.ge [sflag:s9], $0x60  }
0xb6: {  	[sflag:s9] =	ssyncset.done $0x0  }
0xb7: {  	[sflag:s9] =	ssyncadd.s32 $0xFFFFFFA0  }
.LBB2_13:
0xb8: {  	s17 =	sadd.s32 $0x1, s17  }
0xb9: {  	p2 =	sne.s32 s17, s28  }
.Ltmp1:
0xba: {  	_ = 	snop;
	(pc) =	sbr.rel @!p2 .LBB2_14-.Ltmp1, $1  }
0xbb: {  	_ =	sdelay $0x3  }
.LBB2_1:
.Ltmp2:
0xbc: {  	(pc) =	sbr.rel @!p0 .LBB2_7-.Ltmp2, $1  }
0xbd: {  	_ =	sdelay $0x3  }
0xbe: {  	s11 =	simm.s32 $0x0  }
0xbf: {  	[tilespmem:s11], [sflag:$0x1] =	stream.strided.gather [hbm4b:s3+s29], $0x3000, s30, s29, $0x38;
	[tilespmem:$0x12780] =	vst v63  }
0xc0: {  	s18 =	simm.s32 $0x3000  }
0xc1: {  	[tilespmem:s18], [sflag:$0x1] =	stream.strided.gather [hbm4b:s4+s29], $0x2F80, s30, s29, $0x38;
	[tilespmem:$0x12780] =	vst v63  }
0xc2: {  	_ = 	snop  }
0xc3: {  	[tilespmem:s31], [sflag:$0x2] =	stream.strided.gather [hbm4b:s5+s29], $0xC000, s30, s29, $0x38;
	[tilespmem:$0x12780] =	vst v63  }
0xc4: {  	s10 =	rddreg [dreg:$0x3]  }
0xc5: {  	[tilespmem:s0], [sflag:$0x2] =	stream.strided.gather [hbm4b:s10+s29], $0x280, s30, s29, $0x38;
	[tilespmem:$0x12780] =	vst v63  }
0xc6: {  	_ =	swait.ge [sflag:s1], $0x3000  }
0xc7: {  	[sflag:s1] =	ssyncset.done $0x0  }
0xc8: {  	[sflag:s1] =	ssyncadd.s32 $0xFFFFD000  }
0xc9: {  	_ =	swait.ge [sflag:s1], $0x2F80  }
0xca: {  	[sflag:s1] =	ssyncset.done $0x0  }
0xcb: {  	s10 =	simm.s32 $0x0;
	[sflag:s1] =	ssyncadd.s32 $0xFFFFD080  }
.LBB2_3:
0xcc: {  	v4 =	vld [tilespmem:s18+$0x0];
	_ =	sdelay $0x7  }
0xcd: {  	v5 =	vld.idx.msk [tilespmem:v4+s2+$0x0], $0xffff;
	_ =	sdelay $0x4  }
0xce: {  	v5 =	vshrl.u32 v5, $0x8  }
0xcf: {  	v5 =	vand.u32 $0x1, v5  }
0xd0: {  	(xrf0) =	vadd.scan.msk.s32 $0xffff, v5;
	_ =	sdelay $0x5  }
0xd1: {  	v6, _, _ =	vpop (xrf0)  }
0xd2: {  	(v2sf) =	vpush v6, $0xF;
	_ =	sdelay $0xa  }
0xd3: {  	v7 =	vmov s10  }
0xd4: {  	v7 =	vadd.s32 $0xFFFFFFFF, v7  }
0xd5: {  	v7 =	vbroadcast v7, $0x0;
	_ =	sdelay $0x1  }
0xd6: {  	v6 =	vadd.s32 v6, v7;
	s19 =	spop (v2sf)  }
0xd7: {  	p2 =	sgt.u32 s11, $0x2F3;
	vm0 =	veq.s32 v5, $0x1;
	vm1 =	vlt.s32 v6, $0x20;
	s10 =	sadd.s32 s10, s19  }
0xd8: {  	vm15 =	vlt.s32 v6, $0x1F;
	vm0 =	vmand vm1, vm0;
	p3 =	slt.s32 @!p2 s10, $0x20  }
0xd9: {  	v5 =	vnsel vm15, $0x1F, v6;
	p2 =	por p2, !p3  }
.Ltmp3:
0xda: {  	_ = 	snop;
	(pc) =	sbr.rel @!p2 .LBB2_3-.Ltmp3, $2  }
0xdb: {  	_ =	sdelay $0x2  }
0xdc: {  	s11 =	sadd.s32 $0x1, s11;
	s18 =	sadd.s32 $0x10, s18;
	[tilespmem:v5+s6+$0x0] =	vst.idx.msk vm0, v4  }
0xdd: {  	p2 =	slt.s32 s10, $0x20  }
.Ltmp4:
0xde: {  	_ = 	snop;
	(pc) =	sbr.rel @!p2 .LBB2_6-.Ltmp4, $2  }
0xdf: {  	_ =	sdelay $0x2  }
0xe0: {  	s19 =	simm.s32 $0x0;
	s11 =	simm.s32 $0x0;
	s18 =	simm.s32 $0x0  }
.LBB2_5:
0xe1: {  	v4 =	vld [tilespmem:s18+$0x0];
	_ =	sdelay $0x4  }
0xe2: {  	v5 =	vor.u32 s11, v0;
	v4 =	vand.u32 $0x100, v4  }
0xe3: {  	vm1 =	vlt.u32 v5, $0x2F44;
	vm0 =	veq.s32 v4, $0x0  }
0xe4: {  	vm0 =	vmand vm1, vm0  }
0xe5: {  	v4 =	vsel vm0, $0x1, v1  }
0xe6: {  	(xrf0) =	vadd.scan.msk.s32 $0xffff, v4;
	_ =	sdelay $0x5  }
0xe7: {  	v4, _, _ =	vpop (xrf0)  }
0xe8: {  	(v2sf) =	vpush v4, $0xF;
	_ =	sdelay $0xa  }
0xe9: {  	v6 =	vmov s10  }
0xea: {  	v6 =	vadd.s32 $0xFFFFFFFF, v6  }
0xeb: {  	v6 =	vbroadcast v6, $0x0;
	_ =	sdelay $0x1  }
0xec: {  	v4 =	vadd.s32 v4, v6;
	s12 =	spop (v2sf)  }
0xed: {  	p2 =	sgt.u32 s19, $0x2F3;
	vm14 =	vlt.s32 v4, $0x20;
	s10 =	sadd.s32 s10, s12  }
0xee: {  	vm15 =	vlt.s32 v4, $0x1F;
	vm0 =	vmand vm0, vm14;
	p3 =	slt.s32 @!p2 s10, $0x20  }
0xef: {  	v4 =	vnsel vm15, $0x1F, v4;
	p2 =	por p2, !p3  }
.Ltmp5:
0xf0: {  	_ = 	snop;
	(pc) =	sbr.rel @!p2 .LBB2_5-.Ltmp5, $2  }
0xf1: {  	_ =	sdelay $0x2  }
0xf2: {  	s19 =	sadd.s32 $0x1, s19;
	s18 =	sadd.s32 $0x10, s18;
	s11 =	sadd.s32 $0x10, s11;
	[tilespmem:v4+s6+$0x0] =	vst.idx.msk vm0, v5  }
.LBB2_6:
0xf3: {  	_ =	swait.ge [sflag:s7], $0xC000  }
0xf4: {  	[sflag:s7] =	ssyncset.done $0x0  }
0xf5: {  	[sflag:s7] =	ssyncadd.s32 $0xFFFF4000  }
0xf6: {  	_ =	swait.ge [sflag:s7], $0x280  }
0xf7: {  	[sflag:s7] =	ssyncset.done $0x0  }
0xf8: {  	[sflag:s7] =	ssyncadd.s32 $0xFFFFFD80  }
0xf9: {  	v4 =	vld [tilespmem:$0x12200];
	_ =	sdelay $0x4  }
0xfa: {  	v5 =	vadd.s32 $0x6000, v4  }
0xfb: {  	v6 =	vadd.s32 $0x3000, v4  }
0xfc: {  	v8 =	vadd.s32 $0x9000, v4  }
0xfd: {  	v7 =	vld.idx.msk [tilespmem:v4+s2+$0x0], $0xffff  }
0xfe: {  	v4 =	vld.idx.msk [tilespmem:v4+s31+$0x0], $0xffff  }
0xff: {  	v5 =	vld.idx.msk [tilespmem:v5+s31+$0x0], $0xffff  }
0x100: {  	v6 =	vld.idx.msk [tilespmem:v6+s31+$0x0], $0xffff  }
0x101: {  	v8 =	vld.idx.msk [tilespmem:v8+s31+$0x0], $0xffff;
	_ =	sdelay $0x1  }
0x102: {  	v9 =	vand.u32 $0x7F, v7  }
0x103: {  	v10 =	vor.u32 $0x100, v9  }
0x104: {  	v12 =	vor.u32 $0x80, v9;
	v11 =	vsub.f32 v5, v4  }
0x105: {  	v13 =	vor.u32 $0x180, v9;
	v14 =	vsub.f32 v8, v6  }
0x106: {  	v11 =	vadd.f32 $1.000000000e+00, v11  }
0x107: {  	v14 =	vadd.f32 $1.000000000e+00, v14;
	v15 =	vld.idx.msk [tilespmem:v9+s0+$0x0], $0xffff  }
0x108: {  	(erf) = vrcp.f32 v11;
	v10 =	vld.idx.msk [tilespmem:v10+s0+$0x0], $0xffff  }
0x109: {  	v12 =	vld.idx.msk [tilespmem:v12+s0+$0x0], $0xffff;
	(erf) = vrcp.f32 v14  }
0x10a: {  	v13 =	vld.idx.msk [tilespmem:v13+s0+$0x0], $0xffff;
	_ =	sdelay $0x3  }
0x10b: {  	v10 =	vsub.f32 v10, v15  }
0x10c: {  	v13 =	vsub.f32 v13, v12  }
0x10d: {  	v10 =	vadd.f32 $1.000000000e+00, v10  }
0x10e: {  	v13 =	vadd.f32 $1.000000000e+00, v13;
	v16 =	vpop (erf)  }
0x10f: {  	v17 =	vmul.f32 v10, v16;
	v18 =	vpop (erf)  }
0x110: {  	v20 =	vmul.f32 v13, v18  }
0x111: {  	v19 =	vand.u32 $0x7FFFFF, v17  }
0x112: {  	v19 =	vor.u32 $0x3F800000, v19;
	v22 =	vand.u32 $0x7FFFFF, v20  }
0x113: {  	v21 =	vmul.f32 $5.000000000e-01, v19;
	v37 =	vor.u32 $0x3F800000, v22  }
0x114: {  	vm1 =	vge.f32 v19, $1.414213540e+00;
	v23 =	vmul.f32 $5.000000000e-01, v37  }
0x115: {  	vm0 =	vge.f32 v37, $1.414213540e+00;
	v19 =	vsel vm1, v21, v19  }
0x116: {  	v38 =	vadd.f32 $1.000000000e+00, v19;
	v21 =	vsel vm0, v23, v37  }
0x117: {  	v39 =	vadd.f32 $1.000000000e+00, v21  }
0x118: {  	(erf) = vrcp.f32 v38  }
0x119: {  	(erf) = vrcp.f32 v39;
	_ =	sdelay $0x6  }
0x11a: {  	v19 =	vadd.f32 $-1.000000000e+00, v19  }
0x11b: {  	v21 =	vadd.f32 $-1.000000000e+00, v21;
	v40 =	vpop (erf)  }
0x11c: {  	v19 =	vmul.f32 v40, v19;
	v41 =	vpop (erf)  }
0x11d: {  	v21 =	vmul.f32 v41, v21  }
0x11e: {  	v22 =	vmul.f32 v19, v19  }
0x11f: {  	v24 =	vmul.f32 v21, v21  }
0x120: {  	v42 =	vmul.f32 $1.111111120e-01, v22  }
0x121: {  	v25 =	vmul.f32 $1.111111120e-01, v24  }
0x122: {  	v7 =	vand.u32 $0x100, v7;
	v23 =	vadd.f32 $1.428571490e-01, v42  }
0x123: {  	vm10 =	veq.s32 v7, $0x0;
	v11 =	vmul.f32 $5.000000000e-01, v11;
	v25 =	vadd.f32 $1.428571490e-01, v25  }
0x124: {  	v9 =	vor.u32 $0x200, v9;
	v14 =	vmul.f32 $5.000000000e-01, v14;
	v23 =	vmul.f32 v23, v22  }
0x125: {  	v11 =	vadd.f32 v11, v4;
	v10 =	vmul.f32 $5.000000000e-01, v10;
	v25 =	vmul.f32 v25, v24  }
0x126: {  	v14 =	vadd.f32 v14, v6;
	v13 =	vmul.f32 $5.000000000e-01, v13;
	v23 =	vadd.f32 $2.000000030e-01, v23  }
0x127: {  	v10 =	vadd.f32 v10, v15;
	v48 =	vshrl.u32 v17, $0x17;
	v44 =	vadd.f32 $2.000000030e-01, v25  }
0x128: {  	v12 =	vadd.f32 v13, v12;
	v13 =	vand.u32 $0xFF, v48;
	v43 =	vmul.f32 v23, v22  }
0x129: {  	v51 =	vshrl.u32 v20, $0x17;
	v10 =	vsub.f32 v10, v11;
	v47 =	vmul.f32 v44, v24  }
0x12a: {  	v45 =	vsel vm1, $0xFFFFFF82, v3;
	v46 =	vsub.f32 v12, v14;
	v15 =	vadd.f32 $3.333333430e-01, v43  }
0x12b: {  	v9 =	vld.idx.msk [tilespmem:v9+s0+$0x0], $0xffff;
	v14 =	vand.u32 $0xFF, v51;
	v10 =	vmul.f32 v10, v16;
	v12 =	vadd.f32 $3.333333430e-01, v47  }
0x12c: {  	v11 =	vadd.s32 v13, v45;
	v7 =	vmul.f32 v46, v18;
	v49 =	vmul.f32 v15, v22  }
0x12d: {  	[tilespmem:$0x12280] =	vst v4;
	v52 =	vsel vm0, $0xFFFFFF82, v3;
	v4 =	vcvt.s32.f32 v11;
	v12 =	vmul.f32 v12, v24  }
0x12e: {  	v14 =	vadd.s32 v14, v52;
	v53 =	vadd.f32 v19, v19;
	v50 =	vadd.f32 $1.000000000e+00, v49  }
0x12f: {  	[tilespmem:$0x12300] =	vst v6;
	v55 =	vcvt.s32.f32 v14;
	v56 =	vadd.f32 v21, v21;
	v54 =	vadd.f32 $1.000000000e+00, v12  }
0x130: {  	v57 =	vld [tilespmem:$0x12210];
	[tilespmem:$0x12380] =	vst v5;
	v9 =	vsel vm10, $0x0, v9;
	v4 =	vmul.f32 $6.931471820e-01, v4;
	v5 =	vmul.f32 v50, v53  }
0x131: {  	[tilespmem:$0x12400] =	vst v8;
	vm11 =	vgt.f32 v9, $0.0e+00;
	v58 =	vmul.f32 $6.931471820e-01, v55;
	v6 =	vmul.f32 v54, v56  }
0x132: {  	[tilespmem:$0x12480] =	vst v9;
	v59 =	vnsel vm11, $0x0, v10;
	v4 =	vadd.f32 v5, v4  }
0x133: {  	[tilespmem:$0x12500] =	vst v59;
	v5 =	vnsel vm11, $0x0, v7;
	v6 =	vadd.f32 v6, v58  }
0x134: {  	[tilespmem:$0x12580] =	vst v5;
	v4 =	vnsel vm11, $0x0, v4  }
0x135: {  	v5 =	vadd.s32 $0x6000, v57;
	[tilespmem:$0x12600] =	vst v4;
	v4 =	vnsel vm11, $0x0, v6  }
0x136: {  	v61 =	vadd.s32 $0x9000, v57;
	[tilespmem:$0x12680] =	vst v4;
	v4 =	vsel vm11, $0x3F800000, v2  }
0x137: {  	[tilespmem:$0x12700] =	vst v4;
	v4 =	vadd.s32 $0x3000, v57  }
0x138: {  	v60 =	vld.idx.msk [tilespmem:v57+s2+$0x0], $0xffff  }
0x139: {  	v62 =	vld.idx.msk [tilespmem:v57+s31+$0x0], $0xffff  }
0x13a: {  	v5 =	vld.idx.msk [tilespmem:v5+s31+$0x0], $0xffff  }
0x13b: {  	v7 =	vld.idx.msk [tilespmem:v61+s31+$0x0], $0xffff  }
0x13c: {  	v4 =	vld.idx.msk [tilespmem:v4+s31+$0x0], $0xffff;
	_ =	sdelay $0x1  }
0x13d: {  	v63 =	vand.u32 $0x7F, v60  }
0x13e: {  	v25 =	vor.u32 $0x100, v63  }
0x13f: {  	v11 =	vsub.f32 v5, v62;
	v26 =	vor.u32 $0x80, v63  }
0x140: {  	v27 =	vor.u32 $0x180, v63;
	v28 =	vsub.f32 v7, v4  }
0x141: {  	v11 =	vadd.f32 $1.000000000e+00, v11  }
0x142: {  	v29 =	vld.idx.msk [tilespmem:v63+s0+$0x0], $0xffff;
	v14 =	vadd.f32 $1.000000000e+00, v28  }
0x143: {  	(erf) = vrcp.f32 v11;
	v10 =	vld.idx.msk [tilespmem:v25+s0+$0x0], $0xffff  }
0x144: {  	v12 =	vld.idx.msk [tilespmem:v26+s0+$0x0], $0xffff;
	(erf) = vrcp.f32 v14  }
0x145: {  	v13 =	vld.idx.msk [tilespmem:v27+s0+$0x0], $0xffff;
	_ =	sdelay $0x3  }
0x146: {  	v10 =	vsub.f32 v10, v29  }
0x147: {  	v13 =	vsub.f32 v13, v12  }
0x148: {  	v10 =	vadd.f32 $1.000000000e+00, v10  }
0x149: {  	v30 =	vpop (erf);
	v13 =	vadd.f32 $1.000000000e+00, v13  }
0x14a: {  	v31 =	vmul.f32 v10, v30;
	v32 =	vpop (erf)  }
0x14b: {  	v34 =	vmul.f32 v13, v32  }
0x14c: {  	v33 =	vand.u32 $0x7FFFFF, v31  }
0x14d: {  	v19 =	vor.u32 $0x3F800000, v33;
	v36 =	vand.u32 $0x7FFFFF, v34  }
0x14e: {  	v35 =	vmul.f32 $5.000000000e-01, v19;
	v37 =	vor.u32 $0x3F800000, v36  }
0x14f: {  	vm12 =	vge.f32 v19, $1.414213540e+00;
	v39 =	vmul.f32 $5.000000000e-01, v37  }
0x150: {  	v19 =	vsel vm12, v35, v19;
	vm13 =	vge.f32 v37, $1.414213540e+00  }
0x151: {  	v38 =	vadd.f32 $1.000000000e+00, v19;
	v21 =	vsel vm13, v39, v37  }
0x152: {  	v40 =	vadd.f32 $1.000000000e+00, v21  }
0x153: {  	(erf) = vrcp.f32 v38  }
0x154: {  	(erf) = vrcp.f32 v40;
	_ =	sdelay $0x6  }
0x155: {  	v19 =	vadd.f32 $-1.000000000e+00, v19  }
0x156: {  	v21 =	vadd.f32 $-1.000000000e+00, v21;
	v41 =	vpop (erf)  }
0x157: {  	v19 =	vmul.f32 v41, v19;
	v42 =	vpop (erf)  }
0x158: {  	v21 =	vmul.f32 v42, v21  }
0x159: {  	v22 =	vmul.f32 v19, v19  }
0x15a: {  	v44 =	vmul.f32 v21, v21  }
0x15b: {  	v43 =	vmul.f32 $1.111111120e-01, v22  }
0x15c: {  	v45 =	vmul.f32 $1.111111120e-01, v44  }
0x15d: {  	v9 =	vor.u32 $0x200, v63;
	v23 =	vadd.f32 $1.428571490e-01, v43  }
0x15e: {  	v11 =	vmul.f32 $5.000000000e-01, v11;
	v14 =	vmul.f32 $5.000000000e-01, v14;
	v47 =	vadd.f32 $1.428571490e-01, v45  }
0x15f: {  	v6 =	vand.u32 $0x100, v60;
	v10 =	vmul.f32 $5.000000000e-01, v10;
	v46 =	vmul.f32 v23, v22  }
0x160: {  	v11 =	vadd.f32 v11, v62;
	v48 =	vadd.f32 v14, v4;
	v49 =	vmul.f32 v47, v44  }
0x161: {  	vm14 =	veq.s32 v6, $0x0;
	v10 =	vadd.f32 v10, v29;
	v15 =	vadd.f32 $2.000000030e-01, v46  }
0x162: {  	v54 =	vshrl.u32 v31, $0x17;
	v13 =	vmul.f32 $5.000000000e-01, v13;
	v51 =	vadd.f32 $2.000000030e-01, v49  }
0x163: {  	v53 =	vld.idx.msk [tilespmem:v9+s0+$0x0], $0xffff;
	v9 =	vand.u32 $0xFF, v54;
	v10 =	vsub.f32 v10, v11;
	v50 =	vmul.f32 v15, v22  }
0x164: {  	v12 =	vadd.f32 v13, v12;
	v52 =	vsel vm12, $0xFFFFFF82, v3;
	v13 =	vmul.f32 v51, v44  }
0x165: {  	v55 =	vshrl.u32 v34, $0x17;
	v10 =	vmul.f32 v10, v30;
	v11 =	vadd.f32 $3.333333430e-01, v50  }
0x166: {  	v9 =	vadd.s32 v9, v52;
	v12 =	vsub.f32 v12, v48;
	v13 =	vadd.f32 $3.333333430e-01, v13  }
0x167: {  	v9 =	vcvt.s32.f32 v9;
	v56 =	vsel vm13, $0xFFFFFF82, v3;
	v11 =	vmul.f32 v11, v22  }
0x168: {  	v12 =	vmul.f32 v12, v32;
	v15 =	vand.u32 $0xFF, v55;
	v13 =	vmul.f32 v13, v44  }
0x169: {  	[tilespmem:$0x12290] =	vst v62;
	v59 =	vadd.f32 v19, v19;
	v57 =	vadd.s32 v15, v56;
	v58 =	vadd.f32 $1.000000000e+00, v11  }
0x16a: {  	[tilespmem:$0x12310] =	vst v4;
	v61 =	vadd.f32 v21, v21;
	v60 =	vcvt.s32.f32 v57;
	v4 =	vadd.f32 $1.000000000e+00, v13  }
0x16b: {  	[tilespmem:$0x12390] =	vst v5;
	v5 =	vsel vm14, $0x0, v53;
	v62 =	vmul.f32 $6.931471820e-01, v9;
	v8 =	vmul.f32 v58, v59  }
0x16c: {  	[tilespmem:$0x12410] =	vst v7;
	vm15 =	vgt.f32 v5, $0.0e+00;
	v63 =	vmul.f32 $6.931471820e-01, v60;
	v4 =	vmul.f32 v4, v61  }
0x16d: {  	[tilespmem:$0x12490] =	vst v5;
	v5 =	vnsel vm15, $0x0, v10;
	v6 =	vadd.f32 v8, v62  }
0x16e: {  	[tilespmem:$0x12510] =	vst v5;
	v5 =	vnsel vm15, $0x0, v12;
	v4 =	vadd.f32 v4, v63  }
0x16f: {  	[tilespmem:$0x12590] =	vst v5;
	v5 =	vnsel vm15, $0x0, v6  }
0x170: {  	[tilespmem:$0x12610] =	vst v5;
	v4 =	vnsel vm15, $0x0, v4  }
0x171: {  	[tilespmem:$0x12690] =	vst v4;
	v4 =	vsel vm15, $0x3F800000, v2  }
0x172: {  	s11 =	simm.s32 $0x12280;
	s10 =	rddreg [dreg:$0x4];
	[tilespmem:$0x12710] =	vst v4  }
0x173: {  	[hbm4b:s10+s2] =	stream.linear.scatter [tilespmem:s11], [sflag:$0x3], $0x20, $0x38;
	[tilespmem:$0x12780] =	vst v63  }
0x174: {  	s19 =	simm.s32 $0x12300;
	s18 =	rddreg [dreg:$0x5]  }
0x175: {  	[hbm4b:s18+s2] =	stream.linear.scatter [tilespmem:s19], [sflag:$0x3], $0x20, $0x38;
	[tilespmem:$0x12780] =	vst v63  }
0x176: {  	s12 =	simm.s32 $0x12380;
	s11 =	rddreg [dreg:$0x6]  }
0x177: {  	[hbm4b:s11+s2] =	stream.linear.scatter [tilespmem:s12], [sflag:$0x3], $0x20, $0x38;
	[tilespmem:$0x12780] =	vst v63  }
0x178: {  	s18 =	rddreg [dreg:$0x7];
	s19 =	simm.s32 $0x12400  }
0x179: {  	[hbm4b:s18+s2] =	stream.linear.scatter [tilespmem:s19], [sflag:$0x3], $0x20, $0x38;
	[tilespmem:$0x12780] =	vst v63  }
0x17a: {  	s12 =	rddreg [dreg:$0x8];
	s18 =	simm.s32 $0x12480  }
0x17b: {  	[hbm4b:s12+s2] =	stream.linear.scatter [tilespmem:s18], [sflag:$0x3], $0x20, $0x38;
	[tilespmem:$0x12780] =	vst v63  }
0x17c: {  	s19 =	rddreg [dreg:$0x9]  }
0x17d: {  	[hbm4b:s19+s2] =	stream.linear.scatter [tilespmem:s13], [sflag:$0x3], $0x20, $0x38;
	[tilespmem:$0x12780] =	vst v63  }
0x17e: {  	s11 =	rddreg [dreg:$0xa]  }
0x17f: {  	[hbm4b:s11+s2] =	stream.linear.scatter [tilespmem:s14], [sflag:$0x3], $0x20, $0x38;
	[tilespmem:$0x12780] =	vst v63  }
0x180: {  	s12 =	rddreg [dreg:$0xb]  }
0x181: {  	[hbm4b:s12+s2] =	stream.linear.scatter [tilespmem:s15], [sflag:$0x3], $0x20, $0x38;
	[tilespmem:$0x12780] =	vst v63  }
0x182: {  	s18 =	rddreg [dreg:$0xc]  }
0x183: {  	[hbm4b:s18+s2] =	stream.linear.scatter [tilespmem:s16], [sflag:$0x3], $0x20, $0x38;
	[tilespmem:$0x12780] =	vst v63  }
0x184: {  	s19 =	rddreg [dreg:$0xd]  }
0x185: {  	[hbm4b:s19+s2] =	stream.linear.scatter [tilespmem:s8], [sflag:$0x3], $0x20, $0x38;
	[tilespmem:$0x12780] =	vst v63  }
0x186: {  	_ =	swait.ge [sflag:s9], $0x20  }
0x187: {  	[sflag:s9] =	ssyncset.done $0x0  }
0x188: {  	[sflag:s9] =	ssyncadd.s32 $0xFFFFFFE0  }
0x189: {  	_ =	swait.ge [sflag:s9], $0x20  }
0x18a: {  	[sflag:s9] =	ssyncset.done $0x0  }
0x18b: {  	[sflag:s9] =	ssyncadd.s32 $0xFFFFFFE0  }
0x18c: {  	_ =	swait.ge [sflag:s9], $0x20  }
0x18d: {  	[sflag:s9] =	ssyncset.done $0x0  }
0x18e: {  	[sflag:s9] =	ssyncadd.s32 $0xFFFFFFE0  }
0x18f: {  	_ =	swait.ge [sflag:s9], $0x20  }
0x190: {  	[sflag:s9] =	ssyncset.done $0x0  }
0x191: {  	[sflag:s9] =	ssyncadd.s32 $0xFFFFFFE0  }
0x192: {  	_ =	swait.ge [sflag:s9], $0x20  }
0x193: {  	[sflag:s9] =	ssyncset.done $0x0  }
0x194: {  	[sflag:s9] =	ssyncadd.s32 $0xFFFFFFE0  }
0x195: {  	_ =	swait.ge [sflag:s9], $0x20  }
0x196: {  	[sflag:s9] =	ssyncset.done $0x0  }
0x197: {  	[sflag:s9] =	ssyncadd.s32 $0xFFFFFFE0  }
0x198: {  	_ =	swait.ge [sflag:s9], $0x20  }
0x199: {  	[sflag:s9] =	ssyncset.done $0x0  }
0x19a: {  	[sflag:s9] =	ssyncadd.s32 $0xFFFFFFE0  }
0x19b: {  	_ =	swait.ge [sflag:s9], $0x20  }
0x19c: {  	[sflag:s9] =	ssyncset.done $0x0  }
0x19d: {  	[sflag:s9] =	ssyncadd.s32 $0xFFFFFFE0  }
0x19e: {  	_ =	swait.ge [sflag:s9], $0x20  }
0x19f: {  	[sflag:s9] =	ssyncset.done $0x0  }
0x1a0: {  	[sflag:s9] =	ssyncadd.s32 $0xFFFFFFE0  }
0x1a1: {  	_ =	swait.ge [sflag:s9], $0x20  }
0x1a2: {  	[sflag:s9] =	ssyncset.done $0x0  }
0x1a3: {  	[sflag:s9] =	ssyncadd.s32 $0xFFFFFFE0  }
.LBB2_7:
.Ltmp6:
0x1a4: {  	(pc) =	sbr.rel @!p1 .LBB2_13-.Ltmp6, $1  }
0x1a5: {  	_ =	sdelay $0x3  }
0x1a6: {  	s11 =	simm.s32 $0x0  }
0x1a7: {  	[tilespmem:s11], [sflag:$0x1] =	stream.strided.gather [hbm4b:s3+s29], $0x3000, s30, s29, $0x38;
	[tilespmem:$0x12780] =	vst v63  }
0x1a8: {  	s18 =	simm.s32 $0x3000  }
0x1a9: {  	[tilespmem:s18], [sflag:$0x1] =	stream.strided.gather [hbm4b:s4+s29], $0x2F80, s30, s29, $0x38;
	[tilespmem:$0x12780] =	vst v63  }
0x1aa: {  	_ = 	snop  }
0x1ab: {  	[tilespmem:s31], [sflag:$0x2] =	stream.strided.gather [hbm4b:s5+s29], $0xC000, s30, s29, $0x38;
	[tilespmem:$0x12780] =	vst v63  }
0x1ac: {  	_ =	swait.ge [sflag:s1], $0x3000  }
0x1ad: {  	[sflag:s1] =	ssyncset.done $0x0  }
0x1ae: {  	[sflag:s1] =	ssyncadd.s32 $0xFFFFD000  }
0x1af: {  	_ =	swait.ge [sflag:s1], $0x2F80  }
0x1b0: {  	[sflag:s1] =	ssyncset.done $0x0  }
0x1b1: {  	s10 =	simm.s32 $0x0;
	[sflag:s1] =	ssyncadd.s32 $0xFFFFD080  }
.LBB2_9:
0x1b2: {  	v4 =	vld [tilespmem:s18+$0x0];
	_ =	sdelay $0x7  }
0x1b3: {  	v5 =	vld.idx.msk [tilespmem:v4+s2+$0x0], $0xffff;
	_ =	sdelay $0x4  }
0x1b4: {  	v5 =	vshrl.u32 v5, $0x9  }
0x1b5: {  	v5 =	vand.u32 $0x1, v5  }
0x1b6: {  	(xrf0) =	vadd.scan.msk.s32 $0xffff, v5;
	_ =	sdelay $0x5  }
0x1b7: {  	v6, _, _ =	vpop (xrf0)  }
0x1b8: {  	(v2sf) =	vpush v6, $0xF;
	_ =	sdelay $0xa  }
0x1b9: {  	v7 =	vmov s10  }
0x1ba: {  	v7 =	vadd.s32 $0xFFFFFFFF, v7  }
0x1bb: {  	v7 =	vbroadcast v7, $0x0;
	_ =	sdelay $0x1  }
0x1bc: {  	v6 =	vadd.s32 v6, v7;
	s12 =	spop (v2sf)  }
0x1bd: {  	p2 =	sgt.u32 s11, $0x2F3;
	vm0 =	veq.s32 v5, $0x1;
	vm1 =	vlt.s32 v6, $0x60;
	s10 =	sadd.s32 s10, s12  }
0x1be: {  	vm15 =	vlt.s32 v6, $0x5F;
	vm0 =	vmand vm1, vm0;
	p3 =	slt.s32 @!p2 s10, $0x60  }
0x1bf: {  	v5 =	vnsel vm15, $0x5F, v6;
	p2 =	por p2, !p3  }
.Ltmp7:
0x1c0: {  	_ = 	snop;
	(pc) =	sbr.rel @!p2 .LBB2_9-.Ltmp7, $2  }
0x1c1: {  	_ =	sdelay $0x2  }
0x1c2: {  	s11 =	sadd.s32 $0x1, s11;
	s18 =	sadd.s32 $0x10, s18;
	[tilespmem:v5+s6+$0x0] =	vst.idx.msk vm0, v4  }
0x1c3: {  	p2 =	slt.s32 s10, $0x60  }
.Ltmp8:
0x1c4: {  	_ = 	snop;
	(pc) =	sbr.rel @!p2 .LBB2_12-.Ltmp8, $2  }
0x1c5: {  	_ =	sdelay $0x2  }
0x1c6: {  	s19 =	simm.s32 $0x0;
	s11 =	simm.s32 $0x0;
	s18 =	simm.s32 $0x0  }
.LBB2_11:
0x1c7: {  	v4 =	vld [tilespmem:s18+$0x0];
	_ =	sdelay $0x4  }
0x1c8: {  	v5 =	vor.u32 s11, v0;
	v4 =	vand.u32 $0x200, v4  }
0x1c9: {  	vm1 =	vlt.u32 v5, $0x2F44;
	vm0 =	veq.s32 v4, $0x0  }
0x1ca: {  	vm0 =	vmand vm1, vm0  }
0x1cb: {  	v4 =	vsel vm0, $0x1, v1  }
0x1cc: {  	(xrf0) =	vadd.scan.msk.s32 $0xffff, v4;
	_ =	sdelay $0x5  }
0x1cd: {  	v4, _, _ =	vpop (xrf0)  }
0x1ce: {  	(v2sf) =	vpush v4, $0xF;
	_ =	sdelay $0xa  }
0x1cf: {  	v6 =	vmov s10  }
0x1d0: {  	v6 =	vadd.s32 $0xFFFFFFFF, v6  }
0x1d1: {  	v6 =	vbroadcast v6, $0x0;
	_ =	sdelay $0x1  }
0x1d2: {  	v4 =	vadd.s32 v4, v6;
	s12 =	spop (v2sf)  }
0x1d3: {  	p2 =	sgt.u32 s19, $0x2F3;
	vm14 =	vlt.s32 v4, $0x60;
	s10 =	sadd.s32 s10, s12  }
0x1d4: {  	vm15 =	vlt.s32 v4, $0x5F;
	vm0 =	vmand vm0, vm14;
	p3 =	slt.s32 @!p2 s10, $0x60  }
0x1d5: {  	v4 =	vnsel vm15, $0x5F, v4;
	p2 =	por p2, !p3  }
.Ltmp9:
0x1d6: {  	_ = 	snop;
	(pc) =	sbr.rel @!p2 .LBB2_11-.Ltmp9, $2  }
0x1d7: {  	_ =	sdelay $0x2  }
0x1d8: {  	s19 =	sadd.s32 $0x1, s19;
	s18 =	sadd.s32 $0x10, s18;
	s11 =	sadd.s32 $0x10, s11;
	[tilespmem:v4+s6+$0x0] =	vst.idx.msk vm0, v5  }
.Ltmp10:
0x1d9: {  	_ = 	snop;
	(pc) =	sbr.rel .LBB2_12-.Ltmp10, $1  }
0x1da: {  	_ =	sdelay $0x3  }
.LBB2_14:
0x1db: {  	_ =	sfence.sel $0x180000  }
0x1dc: {  	[bflag:$0x0] =	sbarrier.arrive $0xFFFF  }
0x1dd: {  	_ =	strace $0x90000047  }
0x1de: {  	s0 =	stileid.u32;
	[bflag:$0x2] =	sbarrier.arrive $0xFFFF  }
0x1df: {  	p0 =	sne.s32 s0, $0x0;
	s0 =	rddreg [dreg:$0x2]  }
0x1e0: {  	s0 =	sadd.s32 @!p0 $0x100000, s0  }
0x1e1: {  	[sflag:s0] =	ssyncadd.tile.s32 @!p0 $0x1;
	_ =	shalt  }
.Lfunc_end2:
_tile_overlayer_lowered:
.L_overlay_start_2:
0x1e2: {  	(tag) =	ssettag $0x2  }
0x1e3: {  	s0 =	rddreg [dreg:$0x0];
	s2 =	stileid.u32  }
0x1e4: {  	s1 =	rddreg [dreg:$0x1];
	p0 =	sne.s32 s2, $0x0  }
0x1e5: {  	s3 =	rddreg [dreg:$0x2];
	[bflag:$0x3] =	sbarrier.arrive $0xFFFF;
	s2 =	simm.s32 @!p0 $0x1C04  }
0x1e6: {  	[timem:s3], [sflag:s2] =	dma.local @!p0 [hbm:s0], s1  }
0x1e7: {  	s0 =	simm.s32 @!p0 $0x4  }
0x1e8: {  	_ =	swait.ge @!p0 [sflag:s0], s1  }
0x1e9: {  	s1 =	ssub.s32 @!p0 $0x0, s1;
	[sflag:s0] =	ssyncset.done @!p0 $0x0  }
0x1ea: {  	[sflag:s0] =	ssyncadd.s32 @!p0 s1  }
0x1eb: {  	[bflag:$0x3] =	sbarrier.arrive $0xFFFF  }
0x1ec: {  	_ =	shalt  }

</sc_bundles>
